<compile_context>
chip_gen: v7x
topology: tpu7x:2x2x1
jax: 0.10.2.dev20260603
libtpu: 0.0.44.dev20260713+nightly
codegen_flags: <defaults>
</compile_context>

<pallas_src>
import functools

import jax
import jax.numpy as jnp
from jax import lax
from jax.experimental import pallas as pl
from jax.experimental.pallas import tpu as pltpu
from jax.experimental.pallas import tpu_sc as plsc

_VOCAB = 100000
_E = 8
_D_SUB = 128
_D_TRAIN = 512
_B, _L = 1024, 50
_N = _B * _L
_NC = 2
_NS = 16
_NW = _NC * _NS
_TPW = _N // _NW
_CT = 80
_NCH = _TPW // _CT


def _body(x_hbm, t_hbm, w_hbm, out_hbm, xv, idxb,
          buf_a0, buf_a1, buf_a2, buf_a3, buf_b0, buf_b1,
          sga0, sga1, sga2, sga3, swa0, swa1, swa2, swa3,
          sgb0, sgb1, swb0, swb1):
    cid = lax.axis_index("c")
    sid = lax.axis_index("s")
    wid = sid * _NC + cid
    base = wid * _TPW
    buf_a = (buf_a0, buf_a1, buf_a2, buf_a3)
    buf_b = (buf_b0, buf_b1)
    sga = (sga0, sga1, sga2, sga3)
    swa = (swa0, swa1, swa2, swa3)
    sgb = (sgb0, sgb1)
    swb = (swb0, swb1)

    pltpu.sync_copy(x_hbm.at[pl.ds(base, _TPW)], xv)

    def build(c, carry):
        for k in range(_CT // 16):
            v = xv[pl.ds(c * _CT + k * 16, 16)]
            idxb[c, pl.ds(k * 16, 16)] = v
        return carry

    lax.fori_loop(0, _NCH, build, 0)

    def b_gather(c, h):
        return pltpu.async_copy(w_hbm.at[idxb.at[c]], buf_b[h], sgb[h])

    def b_write(c, h):
        return pltpu.make_async_copy(
            buf_b[h],
            out_hbm.at[pl.ds(base + c * _CT, _CT),
                       pl.ds(_E * _D_SUB, _D_TRAIN)],
            swb[h])

    def a_gather(c, e):
        return pltpu.async_copy(
            t_hbm.at[e].at[idxb.at[c]], buf_a[e % 4], sga[e % 4])

    def a_gather_wait(c, e):
        pltpu.make_async_copy(
            t_hbm.at[e].at[idxb.at[c]], buf_a[e % 4], sga[e % 4]).wait()

    def a_write(c, e):
        return pltpu.make_async_copy(
            buf_a[e % 4],
            out_hbm.at[pl.ds(base + c * _CT, _CT),
                       pl.ds(e * _D_SUB, _D_SUB)],
            swa[e % 4])

    b_gather(0, 0)
    b_gather(1, 1)

    def chunk(c, c2, h, first):
        pltpu.make_async_copy(w_hbm.at[idxb.at[c]], buf_b[h], sgb[h]).wait()
        b_write(c, h).start()
        for e in range(_E):
            if e >= 4:
                a_write(c, e - 4).wait()
            elif not first:
                a_write(c - 1, 4 + e).wait()
            a_gather(c, e)
            if e >= 1:
                a_gather_wait(c, e - 1)
                a_write(c, e - 1).start()
            elif not first:
                a_gather_wait(c - 1, 7)
                a_write(c - 1, 7).start()
        b_write(c, h).wait()
        if isinstance(c2, int):
            if c2 < _NCH // 2 - 1:
                b_gather(c + 2, h)
        else:
            @pl.when(c2 < _NCH // 2 - 1)
            def _():
                b_gather(c + 2, h)

    chunk(0, 0, 0, True)
    chunk(1, 0, 1, False)

    def step(c2, carry):
        chunk(2 * c2, c2, 0, False)
        chunk(2 * c2 + 1, c2, 1, False)
        return carry

    lax.fori_loop(1, _NCH // 2, step, 0)

    a_gather_wait(_NCH - 1, 7)
    a_write(_NCH - 1, 7).start()
    for e in (4, 5, 6, 7):
        a_write(_NCH - 1, e).wait()


@jax.jit
def _lookup(x_flat, tables, W_train):
    f = functools.partial(
        pl.kernel,
        mesh=plsc.VectorSubcoreMesh(core_axis_name="c", subcore_axis_name="s"),
        out_type=jax.ShapeDtypeStruct((_N, _E * _D_SUB + _D_TRAIN),
                                      jnp.float32),
        scratch_types=[
            pltpu.VMEM((_TPW,), jnp.int32),
            pltpu.VMEM((_NCH, _CT), jnp.int32),
            pltpu.VMEM((_CT, _D_SUB), jnp.float32),
            pltpu.VMEM((_CT, _D_SUB), jnp.float32),
            pltpu.VMEM((_CT, _D_SUB), jnp.float32),
            pltpu.VMEM((_CT, _D_SUB), jnp.float32),
            pltpu.VMEM((_CT, _D_TRAIN), jnp.float32),
            pltpu.VMEM((_CT, _D_TRAIN), jnp.float32),
        ] + [pltpu.SemaphoreType.DMA] * 12,
    )(_body)
    return f(x_flat, tables, W_train)


def kernel(x, tables, W_train):
    x_lm = x.T.reshape(_N).astype(jnp.int32)
    out = _lookup(x_lm, tables, W_train)
    out = out.reshape(_L, _B, _E * _D_SUB + _D_TRAIN)
    return out.transpose(1, 0, 2)

# --- scband reference (transcript-rebuilt; emitter-appended) ---
"""Pipeline reference for scband-giaword-embedding-encoder-class-42734924595266 (READ-ONLY COPY).

The authoritative reference and input builder live on the scoring server;
editing this copy changes nothing except your own understanding.
"""

import jax, jax.numpy as jnp
import numpy as np

VOCAB = 100000
HIDDEN = 1024
E_LIST = 8
D_SUB = HIDDEN // E_LIST  # 128
D_TRAIN = HIDDEN // 2     # 512
PAD = 0
B, L = 1024, 50


def setup_inputs(seed: int = 0) -> dict:
    key = jax.random.key(seed)
    k1, k2, k3 = jax.random.split(key, 3)
    x = jax.random.randint(k1, (B, L), 0, VOCAB, dtype=jnp.int64)
    # 8 frozen pretrained embedding tables, stacked: [E, vocab, d_sub]
    tables = jax.random.normal(k2, (E_LIST, VOCAB, D_SUB), dtype=jnp.float32) * 0.02
    # trainable embedding table with padding row zeroed (padding_idx semantics)
    W_train = jax.random.normal(k3, (VOCAB, D_TRAIN), dtype=jnp.float32) * 0.02
    W_train = W_train.at[PAD].set(0.0)
    return {"x": x, "tables": tables, "W_train": W_train}


def reference(x, tables, W_train):
    # frozen pretrained lookups (torch.no_grad block)
    gathered = jnp.take(tables, x, axis=1)          # [E, B, L, d_sub]
    gathered = jnp.moveaxis(gathered, 0, -2)        # [B, L, E, d_sub] (torch.stack dim=-2)
    outputPretrained = gathered.reshape(gathered.shape[:-2] + (E_LIST * D_SUB,))  # flatten(-2,-1)
    outputPretrained = jax.lax.stop_gradient(outputPretrained)
    # trainable embedding lookup
    outputTrainable = jnp.take(W_train, x, axis=0)  # [B, L, d_train]
    outputs = jnp.concatenate([outputPretrained, outputTrainable], axis=-1)  # [B, L, 1536]
    return outputs

if __name__ == "__main__":
    import jax
    _d = setup_inputs()
    print(jax.jit(kernel)(*tuple(_d.values())))

</pallas_src>

<mosaic_0001>
#map = affine_map<(d0, d1) -> (0)>
#map1 = affine_map<(d0, d1) -> (0, 0, 0)>
#map2 = affine_map<(d0, d1) -> (0, 0)>
module attributes {stable_mosaic.version = 14 : i64} {
  func.func @_body(%arg0: i32, %arg1: i32, %arg2: memref<51200xi32, #tpu.memory_space<hbm>>, %arg3: memref<8x100000x128xf32, #tpu.memory_space<hbm>>, %arg4: memref<100000x512xf32, #tpu.memory_space<hbm>>, %arg5: memref<51200x1536xf32, #tpu.memory_space<hbm>>, %arg6: memref<1600xi32, #tpu.memory_space<vmem>>, %arg7: memref<20x80xi32, #tpu.memory_space<vmem>>, %arg8: memref<80x128xf32, #tpu.memory_space<vmem>>, %arg9: memref<80x128xf32, #tpu.memory_space<vmem>>, %arg10: memref<80x128xf32, #tpu.memory_space<vmem>>, %arg11: memref<80x128xf32, #tpu.memory_space<vmem>>, %arg12: memref<80x512xf32, #tpu.memory_space<vmem>>, %arg13: memref<80x512xf32, #tpu.memory_space<vmem>>, %arg14: memref<!tpu.dma_semaphore, #tpu.memory_space<semaphore_mem>>, %arg15: memref<!tpu.dma_semaphore, #tpu.memory_space<semaphore_mem>>, %arg16: memref<!tpu.dma_semaphore, #tpu.memory_space<semaphore_mem>>, %arg17: memref<!tpu.dma_semaphore, #tpu.memory_space<semaphore_mem>>, %arg18: memref<!tpu.dma_semaphore, #tpu.memory_space<semaphore_mem>>, %arg19: memref<!tpu.dma_semaphore, #tpu.memory_space<semaphore_mem>>, %arg20: memref<!tpu.dma_semaphore, #tpu.memory_space<semaphore_mem>>, %arg21: memref<!tpu.dma_semaphore, #tpu.memory_space<semaphore_mem>>, %arg22: memref<!tpu.dma_semaphore, #tpu.memory_space<semaphore_mem>>, %arg23: memref<!tpu.dma_semaphore, #tpu.memory_space<semaphore_mem>>, %arg24: memref<!tpu.dma_semaphore, #tpu.memory_space<semaphore_mem>>, %arg25: memref<!tpu.dma_semaphore, #tpu.memory_space<semaphore_mem>>) attributes {dimension_semantics = [#tpu.dimension_semantics<core_parallel>, #tpu.dimension_semantics<subcore_parallel>], iteration_bounds = array<i64: 2, 16>, scalar_prefetch = 0 : i64, scratch_operands = 20 : i64, tpu.core_type = #tpu.core_type<sc_vector_subcore>, window_params = [{transform_indices = #map}, {transform_indices = #map1}, {transform_indices = #map2}, {transform_indices = #map2}]} {
    %mul3A = arith.constant 2 : i32
    %mul3A_0 = arith.muli %arg1, %mul3A : i32
    %add3A = arith.addi %mul3A_0, %arg0 : i32
    %mul3A_1 = arith.constant 1600 : i32
    %mul3A_2 = arith.muli %add3A, %mul3A_1 : i32
    "tpu.region"() ({
      %run_scoped3A = tpu.sem_alloc : memref<!tpu.dma_semaphore, #tpu.memory_space<semaphore_mem>>
      %dma_start3A_654 = tpu.memref_slice %arg2[%mul3A_2] : memref<51200xi32, #tpu.memory_space<hbm>> -> memref<1600xi32, #tpu.memory_space<hbm>>
      %dma_start3A_655 = tpu.memref_slice %arg2[%mul3A_2] : memref<51200xi32, #tpu.memory_space<hbm>> -> memref<1600xi32, #tpu.memory_space<hbm>>
      tpu.enqueue_dma source(%dma_start3A_655 : memref<1600xi32, #tpu.memory_space<hbm>>) target(%arg6 : memref<1600xi32, #tpu.memory_space<vmem>>) target_semaphore(%run_scoped3A : memref<!tpu.dma_semaphore, #tpu.memory_space<semaphore_mem>>)
      %dma_wait3A_656 = tpu.memref_slice %arg2[%mul3A_2] : memref<51200xi32, #tpu.memory_space<hbm>> -> memref<1600xi32, #tpu.memory_space<hbm>>
      %dma_wait3A_657 = tpu.memref_slice %arg2[%mul3A_2] : memref<51200xi32, #tpu.memory_space<hbm>> -> memref<1600xi32, #tpu.memory_space<hbm>>
      tpu.wait_dma2 semaphore(%run_scoped3A : memref<!tpu.dma_semaphore, #tpu.memory_space<semaphore_mem>>) src(%dma_wait3A_657 : memref<1600xi32, #tpu.memory_space<hbm>>) dst(%arg6 : memref<1600xi32, #tpu.memory_space<vmem>>)
      tpu.yield
    }) : () -> ()
    %scan3A = arith.constant 0 : i32
    %scan3A_3 = arith.constant 0 : i32
    %scan3A_4 = arith.constant 20 : i32
    %scan3A_5 = arith.addi %scan3A_3, %scan3A_4 : i32
    %scan3A_6 = arith.constant 1 : i32
    scf.for %scan3A_654 = %scan3A_3 to %scan3A_5 step %scan3A_6  : i32 {
      %mul3A_655 = arith.constant 80 : i32
      %mul3A_656 = arith.muli %scan3A_654, %mul3A_655 : i32
      %add3A_657 = arith.constant 0 : i32
      %add3A_658 = arith.addi %mul3A_656, %add3A_657 : i32
      %get3A = arith.index_cast %add3A_658 : i32 to index
      %get3A_659 = tpu.vector_load %arg6[%get3A] {strides = array<i32>} : memref<1600xi32, #tpu.memory_space<vmem>>, vector<16xi32>,
      %get3A_660 = vector.shape_cast %get3A_659 : vector<16xi32> to vector<16xi32>
      %swap3A = arith.index_cast %scan3A_654 : i32 to index
      %swap3A_661 = arith.constant 0 : index
      %swap3A_662 = tpu.vector_load %arg7[%swap3A, %swap3A_661] {strides = array<i32>} : memref<20x80xi32, #tpu.memory_space<vmem>>, vector<1x16xi32>,
      %swap3A_663 = vector.shape_cast %swap3A_662 : vector<1x16xi32> to vector<16xi32>
      %swap3A_664 = vector.shape_cast %get3A_660 : vector<16xi32> to vector<1x16xi32>
      tpu.vector_store %arg7[%swap3A, %swap3A_661], %swap3A_664 {strides = array<i32>} : memref<20x80xi32, #tpu.memory_space<vmem>>, vector<1x16xi32>,
      %mul3A_665 = arith.constant 80 : i32
      %mul3A_666 = arith.muli %scan3A_654, %mul3A_665 : i32
      %add3A_667 = arith.constant 16 : i32
      %add3A_668 = arith.addi %mul3A_666, %add3A_667 : i32
      %get3A_669 = arith.index_cast %add3A_668 : i32 to index
      %get3A_670 = tpu.vector_load %arg6[%get3A_669] {strides = array<i32>} : memref<1600xi32, #tpu.memory_space<vmem>>, vector<16xi32>,
      %get3A_671 = vector.shape_cast %get3A_670 : vector<16xi32> to vector<16xi32>
      %swap3A_672 = arith.index_cast %scan3A_654 : i32 to index
      %swap3A_673 = arith.constant 16 : index
      %swap3A_674 = tpu.vector_load %arg7[%swap3A_672, %swap3A_673] {strides = array<i32>} : memref<20x80xi32, #tpu.memory_space<vmem>>, vector<1x16xi32>,
      %swap3A_675 = vector.shape_cast %swap3A_674 : vector<1x16xi32> to vector<16xi32>
      %swap3A_676 = vector.shape_cast %get3A_671 : vector<16xi32> to vector<1x16xi32>
      tpu.vector_store %arg7[%swap3A_672, %swap3A_673], %swap3A_676 {strides = array<i32>} : memref<20x80xi32, #tpu.memory_space<vmem>>, vector<1x16xi32>,
      %mul3A_677 = arith.constant 80 : i32
      %mul3A_678 = arith.muli %scan3A_654, %mul3A_677 : i32
      %add3A_679 = arith.constant 32 : i32
      %add3A_680 = arith.addi %mul3A_678, %add3A_679 : i32
      %get3A_681 = arith.index_cast %add3A_680 : i32 to index
      %get3A_682 = tpu.vector_load %arg6[%get3A_681] {strides = array<i32>} : memref<1600xi32, #tpu.memory_space<vmem>>, vector<16xi32>,
      %get3A_683 = vector.shape_cast %get3A_682 : vector<16xi32> to vector<16xi32>
      %swap3A_684 = arith.index_cast %scan3A_654 : i32 to index
      %swap3A_685 = arith.constant 32 : index
      %swap3A_686 = tpu.vector_load %arg7[%swap3A_684, %swap3A_685] {strides = array<i32>} : memref<20x80xi32, #tpu.memory_space<vmem>>, vector<1x16xi32>,
      %swap3A_687 = vector.shape_cast %swap3A_686 : vector<1x16xi32> to vector<16xi32>
      %swap3A_688 = vector.shape_cast %get3A_683 : vector<16xi32> to vector<1x16xi32>
      tpu.vector_store %arg7[%swap3A_684, %swap3A_685], %swap3A_688 {strides = array<i32>} : memref<20x80xi32, #tpu.memory_space<vmem>>, vector<1x16xi32>,
      %mul3A_689 = arith.constant 80 : i32
      %mul3A_690 = arith.muli %scan3A_654, %mul3A_689 : i32
      %add3A_691 = arith.constant 48 : i32
      %add3A_692 = arith.addi %mul3A_690, %add3A_691 : i32
      %get3A_693 = arith.index_cast %add3A_692 : i32 to index
      %get3A_694 = tpu.vector_load %arg6[%get3A_693] {strides = array<i32>} : memref<1600xi32, #tpu.memory_space<vmem>>, vector<16xi32>,
      %get3A_695 = vector.shape_cast %get3A_694 : vector<16xi32> to vector<16xi32>
      %swap3A_696 = arith.index_cast %scan3A_654 : i32 to index
      %swap3A_697 = arith.constant 48 : index
      %swap3A_698 = tpu.vector_load %arg7[%swap3A_696, %swap3A_697] {strides = array<i32>} : memref<20x80xi32, #tpu.memory_space<vmem>>, vector<1x16xi32>,
      %swap3A_699 = vector.shape_cast %swap3A_698 : vector<1x16xi32> to vector<16xi32>
      %swap3A_700 = vector.shape_cast %get3A_695 : vector<16xi32> to vector<1x16xi32>
      tpu.vector_store %arg7[%swap3A_696, %swap3A_697], %swap3A_700 {strides = array<i32>} : memref<20x80xi32, #tpu.memory_space<vmem>>, vector<1x16xi32>,
      %mul3A_701 = arith.constant 80 : i32
      %mul3A_702 = arith.muli %scan3A_654, %mul3A_701 : i32
      %add3A_703 = arith.constant 64 : i32
      %add3A_704 = arith.addi %mul3A_702, %add3A_703 : i32
      %get3A_705 = arith.index_cast %add3A_704 : i32 to index
      %get3A_706 = tpu.vector_load %arg6[%get3A_705] {strides = array<i32>} : memref<1600xi32, #tpu.memory_space<vmem>>, vector<16xi32>,
      %get3A_707 = vector.shape_cast %get3A_706 : vector<16xi32> to vector<16xi32>
      %swap3A_708 = arith.index_cast %scan3A_654 : i32 to index
      %swap3A_709 = arith.constant 64 : index
      %swap3A_710 = tpu.vector_load %arg7[%swap3A_708, %swap3A_709] {strides = array<i32>} : memref<20x80xi32, #tpu.memory_space<vmem>>, vector<1x16xi32>,
      %swap3A_711 = vector.shape_cast %swap3A_710 : vector<1x16xi32> to vector<16xi32>
      %swap3A_712 = vector.shape_cast %get3A_707 : vector<16xi32> to vector<1x16xi32>
      tpu.vector_store %arg7[%swap3A_708, %swap3A_709], %swap3A_712 {strides = array<i32>} : memref<20x80xi32, #tpu.memory_space<vmem>>, vector<1x16xi32>,
    }
    %scan3A_7 = arith.constant 20 : i32
    %dma_start3A = arith.constant 0 : i32
    %dma_start3A_8 = arith.constant 0 : i32
    %dma_start3A_9 = tpu.memref_slice %arg7[%dma_start3A, %dma_start3A_8] : memref<20x80xi32, #tpu.memory_space<vmem>> -> memref<1x80xi32, #tpu.memory_space<vmem>>
    %dma_start3A_10 = tpu.memref_squeeze %dma_start3A_9 : memref<1x80xi32, #tpu.memory_space<vmem>> -> memref<80xi32, #tpu.memory_space<vmem>>
    %dma_start3A_11 = arith.constant 0 : i32
    %dma_start3A_12 = arith.constant 0 : i32
    %dma_start3A_13 = tpu.memref_slice %arg4[%dma_start3A_11, %dma_start3A_12] : memref<100000x512xf32, #tpu.memory_space<hbm>> -> memref<100000x512xf32, #tpu.memory_space<hbm>>
    tpu.enqueue_indirect_dma source(%dma_start3A_13 : memref<100000x512xf32, #tpu.memory_space<hbm>>) target(%arg12 : memref<80x512xf32, #tpu.memory_space<vmem>>) offsets(%dma_start3A_10 : memref<80xi32, #tpu.memory_space<vmem>>) semaphore(%arg22 : memref<!tpu.dma_semaphore, #tpu.memory_space<semaphore_mem>>)
    %dma_start3A_14 = arith.constant 1 : i32
    %dma_start3A_15 = arith.constant 0 : i32
    %dma_start3A_16 = tpu.memref_slice %arg7[%dma_start3A_14, %dma_start3A_15] : memref<20x80xi32, #tpu.memory_space<vmem>> -> memref<1x80xi32, #tpu.memory_space<vmem>>
    %dma_start3A_17 = tpu.memref_squeeze %dma_start3A_16 : memref<1x80xi32, #tpu.memory_space<vmem>> -> memref<80xi32, #tpu.memory_space<vmem>>
    %dma_start3A_18 = arith.constant 0 : i32
    %dma_start3A_19 = arith.constant 0 : i32
    %dma_start3A_20 = tpu.memref_slice %arg4[%dma_start3A_18, %dma_start3A_19] : memref<100000x512xf32, #tpu.memory_space<hbm>> -> memref<100000x512xf32, #tpu.memory_space<hbm>>
    tpu.enqueue_indirect_dma source(%dma_start3A_20 : memref<100000x512xf32, #tpu.memory_space<hbm>>) target(%arg13 : memref<80x512xf32, #tpu.memory_space<vmem>>) offsets(%dma_start3A_17 : memref<80xi32, #tpu.memory_space<vmem>>) semaphore(%arg23 : memref<!tpu.dma_semaphore, #tpu.memory_space<semaphore_mem>>)
    %dma_wait3A = arith.constant 0 : i32
    %dma_wait3A_21 = arith.constant 0 : i32
    %dma_wait3A_22 = tpu.memref_slice %arg7[%dma_wait3A, %dma_wait3A_21] : memref<20x80xi32, #tpu.memory_space<vmem>> -> memref<1x80xi32, #tpu.memory_space<vmem>>
    %dma_wait3A_23 = tpu.memref_squeeze %dma_wait3A_22 : memref<1x80xi32, #tpu.memory_space<vmem>> -> memref<80xi32, #tpu.memory_space<vmem>>
    %dma_wait3A_24 = arith.constant 0 : i32
    %dma_wait3A_25 = arith.constant 0 : i32
    %dma_wait3A_26 = tpu.memref_slice %arg4[%dma_wait3A_24, %dma_wait3A_25] : memref<100000x512xf32, #tpu.memory_space<hbm>> -> memref<100000x512xf32, #tpu.memory_space<hbm>>
    tpu.wait_indirect_dma semaphore(%arg22 : memref<!tpu.dma_semaphore, #tpu.memory_space<semaphore_mem>>) src(%dma_wait3A_26 : memref<100000x512xf32, #tpu.memory_space<hbm>>) dst(%arg12 : memref<80x512xf32, #tpu.memory_space<vmem>>)
    %add3A_27 = arith.constant 0 : i32
    %add3A_28 = arith.addi %mul3A_2, %add3A_27 : i32
    %dma_start3A_29 = arith.constant 1024 : i32
    %dma_start3A_30 = tpu.memref_slice %arg5[%add3A_28, %dma_start3A_29] : memref<51200x1536xf32, #tpu.memory_space<hbm>> -> memref<80x512xf32, #tpu.memory_space<hbm>>
    %dma_start3A_31 = arith.constant 1024 : i32
    %dma_start3A_32 = tpu.memref_slice %arg5[%add3A_28, %dma_start3A_31] : memref<51200x1536xf32, #tpu.memory_space<hbm>> -> memref<80x512xf32, #tpu.memory_space<hbm>>
    tpu.enqueue_dma source(%arg12 : memref<80x512xf32, #tpu.memory_space<vmem>>) target(%dma_start3A_32 : memref<80x512xf32, #tpu.memory_space<hbm>>) target_semaphore(%arg24 : memref<!tpu.dma_semaphore, #tpu.memory_space<semaphore_mem>>)
    %dma_start3A_33 = arith.constant 0 : i32
    %dma_start3A_34 = arith.constant 0 : i32
    %dma_start3A_35 = arith.constant 0 : i32
    %dma_start3A_36 = tpu.memref_slice %arg7[%dma_start3A_34, %dma_start3A_35] : memref<20x80xi32, #tpu.memory_space<vmem>> -> memref<1x80xi32, #tpu.memory_space<vmem>>
    %dma_start3A_37 = tpu.memref_squeeze %dma_start3A_36 : memref<1x80xi32, #tpu.memory_space<vmem>> -> memref<80xi32, #tpu.memory_space<vmem>>
    %dma_start3A_38 = arith.constant 0 : i32
    %dma_start3A_39 = arith.constant 0 : i32
    %dma_start3A_40 = tpu.memref_slice %arg3[%dma_start3A_33, %dma_start3A_38, %dma_start3A_39] : memref<8x100000x128xf32, #tpu.memory_space<hbm>> -> memref<1x100000x128xf32, #tpu.memory_space<hbm>>
    %dma_start3A_41 = tpu.memref_squeeze %dma_start3A_40 : memref<1x100000x128xf32, #tpu.memory_space<hbm>> -> memref<100000x128xf32, #tpu.memory_space<hbm>>
    %dma_start3A_42 = arith.constant 0 : i32
    %dma_start3A_43 = arith.constant 0 : i32
    %dma_start3A_44 = tpu.memref_slice %dma_start3A_41[%dma_start3A_42, %dma_start3A_43] : memref<100000x128xf32, #tpu.memory_space<hbm>> -> memref<100000x128xf32, #tpu.memory_space<hbm>>
    tpu.enqueue_indirect_dma source(%dma_start3A_44 : memref<100000x128xf32, #tpu.memory_space<hbm>>) target(%arg8 : memref<80x128xf32, #tpu.memory_space<vmem>>) offsets(%dma_start3A_37 : memref<80xi32, #tpu.memory_space<vmem>>) semaphore(%arg14 : memref<!tpu.dma_semaphore, #tpu.memory_space<semaphore_mem>>)
    %dma_start3A_45 = arith.constant 1 : i32
    %dma_start3A_46 = arith.constant 0 : i32
    %dma_start3A_47 = arith.constant 0 : i32
    %dma_start3A_48 = tpu.memref_slice %arg7[%dma_start3A_46, %dma_start3A_47] : memref<20x80xi32, #tpu.memory_space<vmem>> -> memref<1x80xi32, #tpu.memory_space<vmem>>
    %dma_start3A_49 = tpu.memref_squeeze %dma_start3A_48 : memref<1x80xi32, #tpu.memory_space<vmem>> -> memref<80xi32, #tpu.memory_space<vmem>>
    %dma_start3A_50 = arith.constant 0 : i32
    %dma_start3A_51 = arith.constant 0 : i32
    %dma_start3A_52 = tpu.memref_slice %arg3[%dma_start3A_45, %dma_start3A_50, %dma_start3A_51] : memref<8x100000x128xf32, #tpu.memory_space<hbm>> -> memref<1x100000x128xf32, #tpu.memory_space<hbm>>
    %dma_start3A_53 = tpu.memref_squeeze %dma_start3A_52 : memref<1x100000x128xf32, #tpu.memory_space<hbm>> -> memref<100000x128xf32, #tpu.memory_space<hbm>>
    %dma_start3A_54 = arith.constant 0 : i32
    %dma_start3A_55 = arith.constant 0 : i32
    %dma_start3A_56 = tpu.memref_slice %dma_start3A_53[%dma_start3A_54, %dma_start3A_55] : memref<100000x128xf32, #tpu.memory_space<hbm>> -> memref<100000x128xf32, #tpu.memory_space<hbm>>
    tpu.enqueue_indirect_dma source(%dma_start3A_56 : memref<100000x128xf32, #tpu.memory_space<hbm>>) target(%arg9 : memref<80x128xf32, #tpu.memory_space<vmem>>) offsets(%dma_start3A_49 : memref<80xi32, #tpu.memory_space<vmem>>) semaphore(%arg15 : memref<!tpu.dma_semaphore, #tpu.memory_space<semaphore_mem>>)
    %dma_wait3A_57 = arith.constant 0 : i32
    %dma_wait3A_58 = arith.constant 0 : i32
    %dma_wait3A_59 = arith.constant 0 : i32
    %dma_wait3A_60 = tpu.memref_slice %arg7[%dma_wait3A_58, %dma_wait3A_59] : memref<20x80xi32, #tpu.memory_space<vmem>> -> memref<1x80xi32, #tpu.memory_space<vmem>>
    %dma_wait3A_61 = tpu.memref_squeeze %dma_wait3A_60 : memref<1x80xi32, #tpu.memory_space<vmem>> -> memref<80xi32, #tpu.memory_space<vmem>>
    %dma_wait3A_62 = arith.constant 0 : i32
    %dma_wait3A_63 = arith.constant 0 : i32
    %dma_wait3A_64 = tpu.memref_slice %arg3[%dma_wait3A_57, %dma_wait3A_62, %dma_wait3A_63] : memref<8x100000x128xf32, #tpu.memory_space<hbm>> -> memref<1x100000x128xf32, #tpu.memory_space<hbm>>
    %dma_wait3A_65 = tpu.memref_squeeze %dma_wait3A_64 : memref<1x100000x128xf32, #tpu.memory_space<hbm>> -> memref<100000x128xf32, #tpu.memory_space<hbm>>
    %dma_wait3A_66 = arith.constant 0 : i32
    %dma_wait3A_67 = arith.constant 0 : i32
    %dma_wait3A_68 = tpu.memref_slice %dma_wait3A_65[%dma_wait3A_66, %dma_wait3A_67] : memref<100000x128xf32, #tpu.memory_space<hbm>> -> memref<100000x128xf32, #tpu.memory_space<hbm>>
    tpu.wait_indirect_dma semaphore(%arg14 : memref<!tpu.dma_semaphore, #tpu.memory_space<semaphore_mem>>) src(%dma_wait3A_68 : memref<100000x128xf32, #tpu.memory_space<hbm>>) dst(%arg8 : memref<80x128xf32, #tpu.memory_space<vmem>>)
    %add3A_69 = arith.constant 0 : i32
    %add3A_70 = arith.addi %mul3A_2, %add3A_69 : i32
    %dma_start3A_71 = arith.constant 0 : i32
    %dma_start3A_72 = tpu.memref_slice %arg5[%add3A_70, %dma_start3A_71] : memref<51200x1536xf32, #tpu.memory_space<hbm>> -> memref<80x128xf32, #tpu.memory_space<hbm>>
    %dma_start3A_73 = arith.constant 0 : i32
    %dma_start3A_74 = tpu.memref_slice %arg5[%add3A_70, %dma_start3A_73] : memref<51200x1536xf32, #tpu.memory_space<hbm>> -> memref<80x128xf32, #tpu.memory_space<hbm>>
    tpu.enqueue_dma source(%arg8 : memref<80x128xf32, #tpu.memory_space<vmem>>) target(%dma_start3A_74 : memref<80x128xf32, #tpu.memory_space<hbm>>) target_semaphore(%arg18 : memref<!tpu.dma_semaphore, #tpu.memory_space<semaphore_mem>>)
    %dma_start3A_75 = arith.constant 2 : i32
    %dma_start3A_76 = arith.constant 0 : i32
    %dma_start3A_77 = arith.constant 0 : i32
    %dma_start3A_78 = tpu.memref_slice %arg7[%dma_start3A_76, %dma_start3A_77] : memref<20x80xi32, #tpu.memory_space<vmem>> -> memref<1x80xi32, #tpu.memory_space<vmem>>
    %dma_start3A_79 = tpu.memref_squeeze %dma_start3A_78 : memref<1x80xi32, #tpu.memory_space<vmem>> -> memref<80xi32, #tpu.memory_space<vmem>>
    %dma_start3A_80 = arith.constant 0 : i32
    %dma_start3A_81 = arith.constant 0 : i32
    %dma_start3A_82 = tpu.memref_slice %arg3[%dma_start3A_75, %dma_start3A_80, %dma_start3A_81] : memref<8x100000x128xf32, #tpu.memory_space<hbm>> -> memref<1x100000x128xf32, #tpu.memory_space<hbm>>
    %dma_start3A_83 = tpu.memref_squeeze %dma_start3A_82 : memref<1x100000x128xf32, #tpu.memory_space<hbm>> -> memref<100000x128xf32, #tpu.memory_space<hbm>>
    %dma_start3A_84 = arith.constant 0 : i32
    %dma_start3A_85 = arith.constant 0 : i32
    %dma_start3A_86 = tpu.memref_slice %dma_start3A_83[%dma_start3A_84, %dma_start3A_85] : memref<100000x128xf32, #tpu.memory_space<hbm>> -> memref<100000x128xf32, #tpu.memory_space<hbm>>
    tpu.enqueue_indirect_dma source(%dma_start3A_86 : memref<100000x128xf32, #tpu.memory_space<hbm>>) target(%arg10 : memref<80x128xf32, #tpu.memory_space<vmem>>) offsets(%dma_start3A_79 : memref<80xi32, #tpu.memory_space<vmem>>) semaphore(%arg16 : memref<!tpu.dma_semaphore, #tpu.memory_space<semaphore_mem>>)
    %dma_wait3A_87 = arith.constant 1 : i32
    %dma_wait3A_88 = arith.constant 0 : i32
    %dma_wait3A_89 = arith.constant 0 : i32
    %dma_wait3A_90 = tpu.memref_slice %arg7[%dma_wait3A_88, %dma_wait3A_89] : memref<20x80xi32, #tpu.memory_space<vmem>> -> memref<1x80xi32, #tpu.memory_space<vmem>>
    %dma_wait3A_91 = tpu.memref_squeeze %dma_wait3A_90 : memref<1x80xi32, #tpu.memory_space<vmem>> -> memref<80xi32, #tpu.memory_space<vmem>>
    %dma_wait3A_92 = arith.constant 0 : i32
    %dma_wait3A_93 = arith.constant 0 : i32
    %dma_wait3A_94 = tpu.memref_slice %arg3[%dma_wait3A_87, %dma_wait3A_92, %dma_wait3A_93] : memref<8x100000x128xf32, #tpu.memory_space<hbm>> -> memref<1x100000x128xf32, #tpu.memory_space<hbm>>
    %dma_wait3A_95 = tpu.memref_squeeze %dma_wait3A_94 : memref<1x100000x128xf32, #tpu.memory_space<hbm>> -> memref<100000x128xf32, #tpu.memory_space<hbm>>
    %dma_wait3A_96 = arith.constant 0 : i32
    %dma_wait3A_97 = arith.constant 0 : i32
    %dma_wait3A_98 = tpu.memref_slice %dma_wait3A_95[%dma_wait3A_96, %dma_wait3A_97] : memref<100000x128xf32, #tpu.memory_space<hbm>> -> memref<100000x128xf32, #tpu.memory_space<hbm>>
    tpu.wait_indirect_dma semaphore(%arg15 : memref<!tpu.dma_semaphore, #tpu.memory_space<semaphore_mem>>) src(%dma_wait3A_98 : memref<100000x128xf32, #tpu.memory_space<hbm>>) dst(%arg9 : memref<80x128xf32, #tpu.memory_space<vmem>>)
    %add3A_99 = arith.constant 0 : i32
    %add3A_100 = arith.addi %mul3A_2, %add3A_99 : i32
    %dma_start3A_101 = arith.constant 128 : i32
    %dma_start3A_102 = tpu.memref_slice %arg5[%add3A_100, %dma_start3A_101] : memref<51200x1536xf32, #tpu.memory_space<hbm>> -> memref<80x128xf32, #tpu.memory_space<hbm>>
    %dma_start3A_103 = arith.constant 128 : i32
    %dma_start3A_104 = tpu.memref_slice %arg5[%add3A_100, %dma_start3A_103] : memref<51200x1536xf32, #tpu.memory_space<hbm>> -> memref<80x128xf32, #tpu.memory_space<hbm>>
    tpu.enqueue_dma source(%arg9 : memref<80x128xf32, #tpu.memory_space<vmem>>) target(%dma_start3A_104 : memref<80x128xf32, #tpu.memory_space<hbm>>) target_semaphore(%arg19 : memref<!tpu.dma_semaphore, #tpu.memory_space<semaphore_mem>>)
    %dma_start3A_105 = arith.constant 3 : i32
    %dma_start3A_106 = arith.constant 0 : i32
    %dma_start3A_107 = arith.constant 0 : i32
    %dma_start3A_108 = tpu.memref_slice %arg7[%dma_start3A_106, %dma_start3A_107] : memref<20x80xi32, #tpu.memory_space<vmem>> -> memref<1x80xi32, #tpu.memory_space<vmem>>
    %dma_start3A_109 = tpu.memref_squeeze %dma_start3A_108 : memref<1x80xi32, #tpu.memory_space<vmem>> -> memref<80xi32, #tpu.memory_space<vmem>>
    %dma_start3A_110 = arith.constant 0 : i32
    %dma_start3A_111 = arith.constant 0 : i32
    %dma_start3A_112 = tpu.memref_slice %arg3[%dma_start3A_105, %dma_start3A_110, %dma_start3A_111] : memref<8x100000x128xf32, #tpu.memory_space<hbm>> -> memref<1x100000x128xf32, #tpu.memory_space<hbm>>
    %dma_start3A_113 = tpu.memref_squeeze %dma_start3A_112 : memref<1x100000x128xf32, #tpu.memory_space<hbm>> -> memref<100000x128xf32, #tpu.memory_space<hbm>>
    %dma_start3A_114 = arith.constant 0 : i32
    %dma_start3A_115 = arith.constant 0 : i32
    %dma_start3A_116 = tpu.memref_slice %dma_start3A_113[%dma_start3A_114, %dma_start3A_115] : memref<100000x128xf32, #tpu.memory_space<hbm>> -> memref<100000x128xf32, #tpu.memory_space<hbm>>
    tpu.enqueue_indirect_dma source(%dma_start3A_116 : memref<100000x128xf32, #tpu.memory_space<hbm>>) target(%arg11 : memref<80x128xf32, #tpu.memory_space<vmem>>) offsets(%dma_start3A_109 : memref<80xi32, #tpu.memory_space<vmem>>) semaphore(%arg17 : memref<!tpu.dma_semaphore, #tpu.memory_space<semaphore_mem>>)
    %dma_wait3A_117 = arith.constant 2 : i32
    %dma_wait3A_118 = arith.constant 0 : i32
    %dma_wait3A_119 = arith.constant 0 : i32
    %dma_wait3A_120 = tpu.memref_slice %arg7[%dma_wait3A_118, %dma_wait3A_119] : memref<20x80xi32, #tpu.memory_space<vmem>> -> memref<1x80xi32, #tpu.memory_space<vmem>>
    %dma_wait3A_121 = tpu.memref_squeeze %dma_wait3A_120 : memref<1x80xi32, #tpu.memory_space<vmem>> -> memref<80xi32, #tpu.memory_space<vmem>>
    %dma_wait3A_122 = arith.constant 0 : i32
    %dma_wait3A_123 = arith.constant 0 : i32
    %dma_wait3A_124 = tpu.memref_slice %arg3[%dma_wait3A_117, %dma_wait3A_122, %dma_wait3A_123] : memref<8x100000x128xf32, #tpu.memory_space<hbm>> -> memref<1x100000x128xf32, #tpu.memory_space<hbm>>
    %dma_wait3A_125 = tpu.memref_squeeze %dma_wait3A_124 : memref<1x100000x128xf32, #tpu.memory_space<hbm>> -> memref<100000x128xf32, #tpu.memory_space<hbm>>
    %dma_wait3A_126 = arith.constant 0 : i32
    %dma_wait3A_127 = arith.constant 0 : i32
    %dma_wait3A_128 = tpu.memref_slice %dma_wait3A_125[%dma_wait3A_126, %dma_wait3A_127] : memref<100000x128xf32, #tpu.memory_space<hbm>> -> memref<100000x128xf32, #tpu.memory_space<hbm>>
    tpu.wait_indirect_dma semaphore(%arg16 : memref<!tpu.dma_semaphore, #tpu.memory_space<semaphore_mem>>) src(%dma_wait3A_128 : memref<100000x128xf32, #tpu.memory_space<hbm>>) dst(%arg10 : memref<80x128xf32, #tpu.memory_space<vmem>>)
    %add3A_129 = arith.constant 0 : i32
    %add3A_130 = arith.addi %mul3A_2, %add3A_129 : i32
    %dma_start3A_131 = arith.constant 256 : i32
    %dma_start3A_132 = tpu.memref_slice %arg5[%add3A_130, %dma_start3A_131] : memref<51200x1536xf32, #tpu.memory_space<hbm>> -> memref<80x128xf32, #tpu.memory_space<hbm>>
    %dma_start3A_133 = arith.constant 256 : i32
    %dma_start3A_134 = tpu.memref_slice %arg5[%add3A_130, %dma_start3A_133] : memref<51200x1536xf32, #tpu.memory_space<hbm>> -> memref<80x128xf32, #tpu.memory_space<hbm>>
    tpu.enqueue_dma source(%arg10 : memref<80x128xf32, #tpu.memory_space<vmem>>) target(%dma_start3A_134 : memref<80x128xf32, #tpu.memory_space<hbm>>) target_semaphore(%arg20 : memref<!tpu.dma_semaphore, #tpu.memory_space<semaphore_mem>>)
    %add3A_135 = arith.constant 0 : i32
    %add3A_136 = arith.addi %mul3A_2, %add3A_135 : i32
    %dma_wait3A_137 = arith.constant 0 : i32
    %dma_wait3A_138 = tpu.memref_slice %arg5[%add3A_136, %dma_wait3A_137] : memref<51200x1536xf32, #tpu.memory_space<hbm>> -> memref<80x128xf32, #tpu.memory_space<hbm>>
    %dma_wait3A_139 = arith.constant 0 : i32
    %dma_wait3A_140 = tpu.memref_slice %arg5[%add3A_136, %dma_wait3A_139] : memref<51200x1536xf32, #tpu.memory_space<hbm>> -> memref<80x128xf32, #tpu.memory_space<hbm>>
    tpu.wait_dma2 semaphore(%arg18 : memref<!tpu.dma_semaphore, #tpu.memory_space<semaphore_mem>>) src(%arg8 : memref<80x128xf32, #tpu.memory_space<vmem>>) dst(%dma_wait3A_140 : memref<80x128xf32, #tpu.memory_space<hbm>>)
    %dma_start3A_141 = arith.constant 4 : i32
    %dma_start3A_142 = arith.constant 0 : i32
    %dma_start3A_143 = arith.constant 0 : i32
    %dma_start3A_144 = tpu.memref_slice %arg7[%dma_start3A_142, %dma_start3A_143] : memref<20x80xi32, #tpu.memory_space<vmem>> -> memref<1x80xi32, #tpu.memory_space<vmem>>
    %dma_start3A_145 = tpu.memref_squeeze %dma_start3A_144 : memref<1x80xi32, #tpu.memory_space<vmem>> -> memref<80xi32, #tpu.memory_space<vmem>>
    %dma_start3A_146 = arith.constant 0 : i32
    %dma_start3A_147 = arith.constant 0 : i32
    %dma_start3A_148 = tpu.memref_slice %arg3[%dma_start3A_141, %dma_start3A_146, %dma_start3A_147] : memref<8x100000x128xf32, #tpu.memory_space<hbm>> -> memref<1x100000x128xf32, #tpu.memory_space<hbm>>
    %dma_start3A_149 = tpu.memref_squeeze %dma_start3A_148 : memref<1x100000x128xf32, #tpu.memory_space<hbm>> -> memref<100000x128xf32, #tpu.memory_space<hbm>>
    %dma_start3A_150 = arith.constant 0 : i32
    %dma_start3A_151 = arith.constant 0 : i32
    %dma_start3A_152 = tpu.memref_slice %dma_start3A_149[%dma_start3A_150, %dma_start3A_151] : memref<100000x128xf32, #tpu.memory_space<hbm>> -> memref<100000x128xf32, #tpu.memory_space<hbm>>
    tpu.enqueue_indirect_dma source(%dma_start3A_152 : memref<100000x128xf32, #tpu.memory_space<hbm>>) target(%arg8 : memref<80x128xf32, #tpu.memory_space<vmem>>) offsets(%dma_start3A_145 : memref<80xi32, #tpu.memory_space<vmem>>) semaphore(%arg14 : memref<!tpu.dma_semaphore, #tpu.memory_space<semaphore_mem>>)
    %dma_wait3A_153 = arith.constant 3 : i32
    %dma_wait3A_154 = arith.constant 0 : i32
    %dma_wait3A_155 = arith.constant 0 : i32
    %dma_wait3A_156 = tpu.memref_slice %arg7[%dma_wait3A_154, %dma_wait3A_155] : memref<20x80xi32, #tpu.memory_space<vmem>> -> memref<1x80xi32, #tpu.memory_space<vmem>>
    %dma_wait3A_157 = tpu.memref_squeeze %dma_wait3A_156 : memref<1x80xi32, #tpu.memory_space<vmem>> -> memref<80xi32, #tpu.memory_space<vmem>>
    %dma_wait3A_158 = arith.constant 0 : i32
    %dma_wait3A_159 = arith.constant 0 : i32
    %dma_wait3A_160 = tpu.memref_slice %arg3[%dma_wait3A_153, %dma_wait3A_158, %dma_wait3A_159] : memref<8x100000x128xf32, #tpu.memory_space<hbm>> -> memref<1x100000x128xf32, #tpu.memory_space<hbm>>
    %dma_wait3A_161 = tpu.memref_squeeze %dma_wait3A_160 : memref<1x100000x128xf32, #tpu.memory_space<hbm>> -> memref<100000x128xf32, #tpu.memory_space<hbm>>
    %dma_wait3A_162 = arith.constant 0 : i32
    %dma_wait3A_163 = arith.constant 0 : i32
    %dma_wait3A_164 = tpu.memref_slice %dma_wait3A_161[%dma_wait3A_162, %dma_wait3A_163] : memref<100000x128xf32, #tpu.memory_space<hbm>> -> memref<100000x128xf32, #tpu.memory_space<hbm>>
    tpu.wait_indirect_dma semaphore(%arg17 : memref<!tpu.dma_semaphore, #tpu.memory_space<semaphore_mem>>) src(%dma_wait3A_164 : memref<100000x128xf32, #tpu.memory_space<hbm>>) dst(%arg11 : memref<80x128xf32, #tpu.memory_space<vmem>>)
    %add3A_165 = arith.constant 0 : i32
    %add3A_166 = arith.addi %mul3A_2, %add3A_165 : i32
    %dma_start3A_167 = arith.constant 384 : i32
    %dma_start3A_168 = tpu.memref_slice %arg5[%add3A_166, %dma_start3A_167] : memref<51200x1536xf32, #tpu.memory_space<hbm>> -> memref<80x128xf32, #tpu.memory_space<hbm>>
    %dma_start3A_169 = arith.constant 384 : i32
    %dma_start3A_170 = tpu.memref_slice %arg5[%add3A_166, %dma_start3A_169] : memref<51200x1536xf32, #tpu.memory_space<hbm>> -> memref<80x128xf32, #tpu.memory_space<hbm>>
    tpu.enqueue_dma source(%arg11 : memref<80x128xf32, #tpu.memory_space<vmem>>) target(%dma_start3A_170 : memref<80x128xf32, #tpu.memory_space<hbm>>) target_semaphore(%arg21 : memref<!tpu.dma_semaphore, #tpu.memory_space<semaphore_mem>>)
    %add3A_171 = arith.constant 0 : i32
    %add3A_172 = arith.addi %mul3A_2, %add3A_171 : i32
    %dma_wait3A_173 = arith.constant 128 : i32
    %dma_wait3A_174 = tpu.memref_slice %arg5[%add3A_172, %dma_wait3A_173] : memref<51200x1536xf32, #tpu.memory_space<hbm>> -> memref<80x128xf32, #tpu.memory_space<hbm>>
    %dma_wait3A_175 = arith.constant 128 : i32
    %dma_wait3A_176 = tpu.memref_slice %arg5[%add3A_172, %dma_wait3A_175] : memref<51200x1536xf32, #tpu.memory_space<hbm>> -> memref<80x128xf32, #tpu.memory_space<hbm>>
    tpu.wait_dma2 semaphore(%arg19 : memref<!tpu.dma_semaphore, #tpu.memory_space<semaphore_mem>>) src(%arg9 : memref<80x128xf32, #tpu.memory_space<vmem>>) dst(%dma_wait3A_176 : memref<80x128xf32, #tpu.memory_space<hbm>>)
    %dma_start3A_177 = arith.constant 5 : i32
    %dma_start3A_178 = arith.constant 0 : i32
    %dma_start3A_179 = arith.constant 0 : i32
    %dma_start3A_180 = tpu.memref_slice %arg7[%dma_start3A_178, %dma_start3A_179] : memref<20x80xi32, #tpu.memory_space<vmem>> -> memref<1x80xi32, #tpu.memory_space<vmem>>
    %dma_start3A_181 = tpu.memref_squeeze %dma_start3A_180 : memref<1x80xi32, #tpu.memory_space<vmem>> -> memref<80xi32, #tpu.memory_space<vmem>>
    %dma_start3A_182 = arith.constant 0 : i32
    %dma_start3A_183 = arith.constant 0 : i32
    %dma_start3A_184 = tpu.memref_slice %arg3[%dma_start3A_177, %dma_start3A_182, %dma_start3A_183] : memref<8x100000x128xf32, #tpu.memory_space<hbm>> -> memref<1x100000x128xf32, #tpu.memory_space<hbm>>
    %dma_start3A_185 = tpu.memref_squeeze %dma_start3A_184 : memref<1x100000x128xf32, #tpu.memory_space<hbm>> -> memref<100000x128xf32, #tpu.memory_space<hbm>>
    %dma_start3A_186 = arith.constant 0 : i32
    %dma_start3A_187 = arith.constant 0 : i32
    %dma_start3A_188 = tpu.memref_slice %dma_start3A_185[%dma_start3A_186, %dma_start3A_187] : memref<100000x128xf32, #tpu.memory_space<hbm>> -> memref<100000x128xf32, #tpu.memory_space<hbm>>
    tpu.enqueue_indirect_dma source(%dma_start3A_188 : memref<100000x128xf32, #tpu.memory_space<hbm>>) target(%arg9 : memref<80x128xf32, #tpu.memory_space<vmem>>) offsets(%dma_start3A_181 : memref<80xi32, #tpu.memory_space<vmem>>) semaphore(%arg15 : memref<!tpu.dma_semaphore, #tpu.memory_space<semaphore_mem>>)
    %dma_wait3A_189 = arith.constant 4 : i32
    %dma_wait3A_190 = arith.constant 0 : i32
    %dma_wait3A_191 = arith.constant 0 : i32
    %dma_wait3A_192 = tpu.memref_slice %arg7[%dma_wait3A_190, %dma_wait3A_191] : memref<20x80xi32, #tpu.memory_space<vmem>> -> memref<1x80xi32, #tpu.memory_space<vmem>>
    %dma_wait3A_193 = tpu.memref_squeeze %dma_wait3A_192 : memref<1x80xi32, #tpu.memory_space<vmem>> -> memref<80xi32, #tpu.memory_space<vmem>>
    %dma_wait3A_194 = arith.constant 0 : i32
    %dma_wait3A_195 = arith.constant 0 : i32
    %dma_wait3A_196 = tpu.memref_slice %arg3[%dma_wait3A_189, %dma_wait3A_194, %dma_wait3A_195] : memref<8x100000x128xf32, #tpu.memory_space<hbm>> -> memref<1x100000x128xf32, #tpu.memory_space<hbm>>
    %dma_wait3A_197 = tpu.memref_squeeze %dma_wait3A_196 : memref<1x100000x128xf32, #tpu.memory_space<hbm>> -> memref<100000x128xf32, #tpu.memory_space<hbm>>
    %dma_wait3A_198 = arith.constant 0 : i32
    %dma_wait3A_199 = arith.constant 0 : i32
    %dma_wait3A_200 = tpu.memref_slice %dma_wait3A_197[%dma_wait3A_198, %dma_wait3A_199] : memref<100000x128xf32, #tpu.memory_space<hbm>> -> memref<100000x128xf32, #tpu.memory_space<hbm>>
    tpu.wait_indirect_dma semaphore(%arg14 : memref<!tpu.dma_semaphore, #tpu.memory_space<semaphore_mem>>) src(%dma_wait3A_200 : memref<100000x128xf32, #tpu.memory_space<hbm>>) dst(%arg8 : memref<80x128xf32, #tpu.memory_space<vmem>>)
    %add3A_201 = arith.constant 0 : i32
    %add3A_202 = arith.addi %mul3A_2, %add3A_201 : i32
    %dma_start3A_203 = arith.constant 512 : i32
    %dma_start3A_204 = tpu.memref_slice %arg5[%add3A_202, %dma_start3A_203] : memref<51200x1536xf32, #tpu.memory_space<hbm>> -> memref<80x128xf32, #tpu.memory_space<hbm>>
    %dma_start3A_205 = arith.constant 512 : i32
    %dma_start3A_206 = tpu.memref_slice %arg5[%add3A_202, %dma_start3A_205] : memref<51200x1536xf32, #tpu.memory_space<hbm>> -> memref<80x128xf32, #tpu.memory_space<hbm>>
    tpu.enqueue_dma source(%arg8 : memref<80x128xf32, #tpu.memory_space<vmem>>) target(%dma_start3A_206 : memref<80x128xf32, #tpu.memory_space<hbm>>) target_semaphore(%arg18 : memref<!tpu.dma_semaphore, #tpu.memory_space<semaphore_mem>>)
    %add3A_207 = arith.constant 0 : i32
    %add3A_208 = arith.addi %mul3A_2, %add3A_207 : i32
    %dma_wait3A_209 = arith.constant 256 : i32
    %dma_wait3A_210 = tpu.memref_slice %arg5[%add3A_208, %dma_wait3A_209] : memref<51200x1536xf32, #tpu.memory_space<hbm>> -> memref<80x128xf32, #tpu.memory_space<hbm>>
    %dma_wait3A_211 = arith.constant 256 : i32
    %dma_wait3A_212 = tpu.memref_slice %arg5[%add3A_208, %dma_wait3A_211] : memref<51200x1536xf32, #tpu.memory_space<hbm>> -> memref<80x128xf32, #tpu.memory_space<hbm>>
    tpu.wait_dma2 semaphore(%arg20 : memref<!tpu.dma_semaphore, #tpu.memory_space<semaphore_mem>>) src(%arg10 : memref<80x128xf32, #tpu.memory_space<vmem>>) dst(%dma_wait3A_212 : memref<80x128xf32, #tpu.memory_space<hbm>>)
    %dma_start3A_213 = arith.constant 6 : i32
    %dma_start3A_214 = arith.constant 0 : i32
    %dma_start3A_215 = arith.constant 0 : i32
    %dma_start3A_216 = tpu.memref_slice %arg7[%dma_start3A_214, %dma_start3A_215] : memref<20x80xi32, #tpu.memory_space<vmem>> -> memref<1x80xi32, #tpu.memory_space<vmem>>
    %dma_start3A_217 = tpu.memref_squeeze %dma_start3A_216 : memref<1x80xi32, #tpu.memory_space<vmem>> -> memref<80xi32, #tpu.memory_space<vmem>>
    %dma_start3A_218 = arith.constant 0 : i32
    %dma_start3A_219 = arith.constant 0 : i32
    %dma_start3A_220 = tpu.memref_slice %arg3[%dma_start3A_213, %dma_start3A_218, %dma_start3A_219] : memref<8x100000x128xf32, #tpu.memory_space<hbm>> -> memref<1x100000x128xf32, #tpu.memory_space<hbm>>
    %dma_start3A_221 = tpu.memref_squeeze %dma_start3A_220 : memref<1x100000x128xf32, #tpu.memory_space<hbm>> -> memref<100000x128xf32, #tpu.memory_space<hbm>>
    %dma_start3A_222 = arith.constant 0 : i32
    %dma_start3A_223 = arith.constant 0 : i32
    %dma_start3A_224 = tpu.memref_slice %dma_start3A_221[%dma_start3A_222, %dma_start3A_223] : memref<100000x128xf32, #tpu.memory_space<hbm>> -> memref<100000x128xf32, #tpu.memory_space<hbm>>
    tpu.enqueue_indirect_dma source(%dma_start3A_224 : memref<100000x128xf32, #tpu.memory_space<hbm>>) target(%arg10 : memref<80x128xf32, #tpu.memory_space<vmem>>) offsets(%dma_start3A_217 : memref<80xi32, #tpu.memory_space<vmem>>) semaphore(%arg16 : memref<!tpu.dma_semaphore, #tpu.memory_space<semaphore_mem>>)
    %dma_wait3A_225 = arith.constant 5 : i32
    %dma_wait3A_226 = arith.constant 0 : i32
    %dma_wait3A_227 = arith.constant 0 : i32
    %dma_wait3A_228 = tpu.memref_slice %arg7[%dma_wait3A_226, %dma_wait3A_227] : memref<20x80xi32, #tpu.memory_space<vmem>> -> memref<1x80xi32, #tpu.memory_space<vmem>>
    %dma_wait3A_229 = tpu.memref_squeeze %dma_wait3A_228 : memref<1x80xi32, #tpu.memory_space<vmem>> -> memref<80xi32, #tpu.memory_space<vmem>>
    %dma_wait3A_230 = arith.constant 0 : i32
    %dma_wait3A_231 = arith.constant 0 : i32
    %dma_wait3A_232 = tpu.memref_slice %arg3[%dma_wait3A_225, %dma_wait3A_230, %dma_wait3A_231] : memref<8x100000x128xf32, #tpu.memory_space<hbm>> -> memref<1x100000x128xf32, #tpu.memory_space<hbm>>
    %dma_wait3A_233 = tpu.memref_squeeze %dma_wait3A_232 : memref<1x100000x128xf32, #tpu.memory_space<hbm>> -> memref<100000x128xf32, #tpu.memory_space<hbm>>
    %dma_wait3A_234 = arith.constant 0 : i32
    %dma_wait3A_235 = arith.constant 0 : i32
    %dma_wait3A_236 = tpu.memref_slice %dma_wait3A_233[%dma_wait3A_234, %dma_wait3A_235] : memref<100000x128xf32, #tpu.memory_space<hbm>> -> memref<100000x128xf32, #tpu.memory_space<hbm>>
    tpu.wait_indirect_dma semaphore(%arg15 : memref<!tpu.dma_semaphore, #tpu.memory_space<semaphore_mem>>) src(%dma_wait3A_236 : memref<100000x128xf32, #tpu.memory_space<hbm>>) dst(%arg9 : memref<80x128xf32, #tpu.memory_space<vmem>>)
    %add3A_237 = arith.constant 0 : i32
    %add3A_238 = arith.addi %mul3A_2, %add3A_237 : i32
    %dma_start3A_239 = arith.constant 640 : i32
    %dma_start3A_240 = tpu.memref_slice %arg5[%add3A_238, %dma_start3A_239] : memref<51200x1536xf32, #tpu.memory_space<hbm>> -> memref<80x128xf32, #tpu.memory_space<hbm>>
    %dma_start3A_241 = arith.constant 640 : i32
    %dma_start3A_242 = tpu.memref_slice %arg5[%add3A_238, %dma_start3A_241] : memref<51200x1536xf32, #tpu.memory_space<hbm>> -> memref<80x128xf32, #tpu.memory_space<hbm>>
    tpu.enqueue_dma source(%arg9 : memref<80x128xf32, #tpu.memory_space<vmem>>) target(%dma_start3A_242 : memref<80x128xf32, #tpu.memory_space<hbm>>) target_semaphore(%arg19 : memref<!tpu.dma_semaphore, #tpu.memory_space<semaphore_mem>>)
    %add3A_243 = arith.constant 0 : i32
    %add3A_244 = arith.addi %mul3A_2, %add3A_243 : i32
    %dma_wait3A_245 = arith.constant 384 : i32
    %dma_wait3A_246 = tpu.memref_slice %arg5[%add3A_244, %dma_wait3A_245] : memref<51200x1536xf32, #tpu.memory_space<hbm>> -> memref<80x128xf32, #tpu.memory_space<hbm>>
    %dma_wait3A_247 = arith.constant 384 : i32
    %dma_wait3A_248 = tpu.memref_slice %arg5[%add3A_244, %dma_wait3A_247] : memref<51200x1536xf32, #tpu.memory_space<hbm>> -> memref<80x128xf32, #tpu.memory_space<hbm>>
    tpu.wait_dma2 semaphore(%arg21 : memref<!tpu.dma_semaphore, #tpu.memory_space<semaphore_mem>>) src(%arg11 : memref<80x128xf32, #tpu.memory_space<vmem>>) dst(%dma_wait3A_248 : memref<80x128xf32, #tpu.memory_space<hbm>>)
    %dma_start3A_249 = arith.constant 7 : i32
    %dma_start3A_250 = arith.constant 0 : i32
    %dma_start3A_251 = arith.constant 0 : i32
    %dma_start3A_252 = tpu.memref_slice %arg7[%dma_start3A_250, %dma_start3A_251] : memref<20x80xi32, #tpu.memory_space<vmem>> -> memref<1x80xi32, #tpu.memory_space<vmem>>
    %dma_start3A_253 = tpu.memref_squeeze %dma_start3A_252 : memref<1x80xi32, #tpu.memory_space<vmem>> -> memref<80xi32, #tpu.memory_space<vmem>>
    %dma_start3A_254 = arith.constant 0 : i32
    %dma_start3A_255 = arith.constant 0 : i32
    %dma_start3A_256 = tpu.memref_slice %arg3[%dma_start3A_249, %dma_start3A_254, %dma_start3A_255] : memref<8x100000x128xf32, #tpu.memory_space<hbm>> -> memref<1x100000x128xf32, #tpu.memory_space<hbm>>
    %dma_start3A_257 = tpu.memref_squeeze %dma_start3A_256 : memref<1x100000x128xf32, #tpu.memory_space<hbm>> -> memref<100000x128xf32, #tpu.memory_space<hbm>>
    %dma_start3A_258 = arith.constant 0 : i32
    %dma_start3A_259 = arith.constant 0 : i32
    %dma_start3A_260 = tpu.memref_slice %dma_start3A_257[%dma_start3A_258, %dma_start3A_259] : memref<100000x128xf32, #tpu.memory_space<hbm>> -> memref<100000x128xf32, #tpu.memory_space<hbm>>
    tpu.enqueue_indirect_dma source(%dma_start3A_260 : memref<100000x128xf32, #tpu.memory_space<hbm>>) target(%arg11 : memref<80x128xf32, #tpu.memory_space<vmem>>) offsets(%dma_start3A_253 : memref<80xi32, #tpu.memory_space<vmem>>) semaphore(%arg17 : memref<!tpu.dma_semaphore, #tpu.memory_space<semaphore_mem>>)
    %dma_wait3A_261 = arith.constant 6 : i32
    %dma_wait3A_262 = arith.constant 0 : i32
    %dma_wait3A_263 = arith.constant 0 : i32
    %dma_wait3A_264 = tpu.memref_slice %arg7[%dma_wait3A_262, %dma_wait3A_263] : memref<20x80xi32, #tpu.memory_space<vmem>> -> memref<1x80xi32, #tpu.memory_space<vmem>>
    %dma_wait3A_265 = tpu.memref_squeeze %dma_wait3A_264 : memref<1x80xi32, #tpu.memory_space<vmem>> -> memref<80xi32, #tpu.memory_space<vmem>>
    %dma_wait3A_266 = arith.constant 0 : i32
    %dma_wait3A_267 = arith.constant 0 : i32
    %dma_wait3A_268 = tpu.memref_slice %arg3[%dma_wait3A_261, %dma_wait3A_266, %dma_wait3A_267] : memref<8x100000x128xf32, #tpu.memory_space<hbm>> -> memref<1x100000x128xf32, #tpu.memory_space<hbm>>
    %dma_wait3A_269 = tpu.memref_squeeze %dma_wait3A_268 : memref<1x100000x128xf32, #tpu.memory_space<hbm>> -> memref<100000x128xf32, #tpu.memory_space<hbm>>
    %dma_wait3A_270 = arith.constant 0 : i32
    %dma_wait3A_271 = arith.constant 0 : i32
    %dma_wait3A_272 = tpu.memref_slice %dma_wait3A_269[%dma_wait3A_270, %dma_wait3A_271] : memref<100000x128xf32, #tpu.memory_space<hbm>> -> memref<100000x128xf32, #tpu.memory_space<hbm>>
    tpu.wait_indirect_dma semaphore(%arg16 : memref<!tpu.dma_semaphore, #tpu.memory_space<semaphore_mem>>) src(%dma_wait3A_272 : memref<100000x128xf32, #tpu.memory_space<hbm>>) dst(%arg10 : memref<80x128xf32, #tpu.memory_space<vmem>>)
    %add3A_273 = arith.constant 0 : i32
    %add3A_274 = arith.addi %mul3A_2, %add3A_273 : i32
    %dma_start3A_275 = arith.constant 768 : i32
    %dma_start3A_276 = tpu.memref_slice %arg5[%add3A_274, %dma_start3A_275] : memref<51200x1536xf32, #tpu.memory_space<hbm>> -> memref<80x128xf32, #tpu.memory_space<hbm>>
    %dma_start3A_277 = arith.constant 768 : i32
    %dma_start3A_278 = tpu.memref_slice %arg5[%add3A_274, %dma_start3A_277] : memref<51200x1536xf32, #tpu.memory_space<hbm>> -> memref<80x128xf32, #tpu.memory_space<hbm>>
    tpu.enqueue_dma source(%arg10 : memref<80x128xf32, #tpu.memory_space<vmem>>) target(%dma_start3A_278 : memref<80x128xf32, #tpu.memory_space<hbm>>) target_semaphore(%arg20 : memref<!tpu.dma_semaphore, #tpu.memory_space<semaphore_mem>>)
    %add3A_279 = arith.constant 0 : i32
    %add3A_280 = arith.addi %mul3A_2, %add3A_279 : i32
    %dma_wait3A_281 = arith.constant 1024 : i32
    %dma_wait3A_282 = tpu.memref_slice %arg5[%add3A_280, %dma_wait3A_281] : memref<51200x1536xf32, #tpu.memory_space<hbm>> -> memref<80x512xf32, #tpu.memory_space<hbm>>
    %dma_wait3A_283 = arith.constant 1024 : i32
    %dma_wait3A_284 = tpu.memref_slice %arg5[%add3A_280, %dma_wait3A_283] : memref<51200x1536xf32, #tpu.memory_space<hbm>> -> memref<80x512xf32, #tpu.memory_space<hbm>>
    tpu.wait_dma2 semaphore(%arg24 : memref<!tpu.dma_semaphore, #tpu.memory_space<semaphore_mem>>) src(%arg12 : memref<80x512xf32, #tpu.memory_space<vmem>>) dst(%dma_wait3A_284 : memref<80x512xf32, #tpu.memory_space<hbm>>)
    %dma_start3A_285 = arith.constant 2 : i32
    %dma_start3A_286 = arith.constant 0 : i32
    %dma_start3A_287 = tpu.memref_slice %arg7[%dma_start3A_285, %dma_start3A_286] : memref<20x80xi32, #tpu.memory_space<vmem>> -> memref<1x80xi32, #tpu.memory_space<vmem>>
    %dma_start3A_288 = tpu.memref_squeeze %dma_start3A_287 : memref<1x80xi32, #tpu.memory_space<vmem>> -> memref<80xi32, #tpu.memory_space<vmem>>
    %dma_start3A_289 = arith.constant 0 : i32
    %dma_start3A_290 = arith.constant 0 : i32
    %dma_start3A_291 = tpu.memref_slice %arg4[%dma_start3A_289, %dma_start3A_290] : memref<100000x512xf32, #tpu.memory_space<hbm>> -> memref<100000x512xf32, #tpu.memory_space<hbm>>
    tpu.enqueue_indirect_dma source(%dma_start3A_291 : memref<100000x512xf32, #tpu.memory_space<hbm>>) target(%arg12 : memref<80x512xf32, #tpu.memory_space<vmem>>) offsets(%dma_start3A_288 : memref<80xi32, #tpu.memory_space<vmem>>) semaphore(%arg22 : memref<!tpu.dma_semaphore, #tpu.memory_space<semaphore_mem>>)
    %dma_wait3A_292 = arith.constant 1 : i32
    %dma_wait3A_293 = arith.constant 0 : i32
    %dma_wait3A_294 = tpu.memref_slice %arg7[%dma_wait3A_292, %dma_wait3A_293] : memref<20x80xi32, #tpu.memory_space<vmem>> -> memref<1x80xi32, #tpu.memory_space<vmem>>
    %dma_wait3A_295 = tpu.memref_squeeze %dma_wait3A_294 : memref<1x80xi32, #tpu.memory_space<vmem>> -> memref<80xi32, #tpu.memory_space<vmem>>
    %dma_wait3A_296 = arith.constant 0 : i32
    %dma_wait3A_297 = arith.constant 0 : i32
    %dma_wait3A_298 = tpu.memref_slice %arg4[%dma_wait3A_296, %dma_wait3A_297] : memref<100000x512xf32, #tpu.memory_space<hbm>> -> memref<100000x512xf32, #tpu.memory_space<hbm>>
    tpu.wait_indirect_dma semaphore(%arg23 : memref<!tpu.dma_semaphore, #tpu.memory_space<semaphore_mem>>) src(%dma_wait3A_298 : memref<100000x512xf32, #tpu.memory_space<hbm>>) dst(%arg13 : memref<80x512xf32, #tpu.memory_space<vmem>>)
    %add3A_299 = arith.constant 80 : i32
    %add3A_300 = arith.addi %mul3A_2, %add3A_299 : i32
    %dma_start3A_301 = arith.constant 1024 : i32
    %dma_start3A_302 = tpu.memref_slice %arg5[%add3A_300, %dma_start3A_301] : memref<51200x1536xf32, #tpu.memory_space<hbm>> -> memref<80x512xf32, #tpu.memory_space<hbm>>
    %dma_start3A_303 = arith.constant 1024 : i32
    %dma_start3A_304 = tpu.memref_slice %arg5[%add3A_300, %dma_start3A_303] : memref<51200x1536xf32, #tpu.memory_space<hbm>> -> memref<80x512xf32, #tpu.memory_space<hbm>>
    tpu.enqueue_dma source(%arg13 : memref<80x512xf32, #tpu.memory_space<vmem>>) target(%dma_start3A_304 : memref<80x512xf32, #tpu.memory_space<hbm>>) target_semaphore(%arg25 : memref<!tpu.dma_semaphore, #tpu.memory_space<semaphore_mem>>)
    %add3A_305 = arith.constant 0 : i32
    %add3A_306 = arith.addi %mul3A_2, %add3A_305 : i32
    %dma_wait3A_307 = arith.constant 512 : i32
    %dma_wait3A_308 = tpu.memref_slice %arg5[%add3A_306, %dma_wait3A_307] : memref<51200x1536xf32, #tpu.memory_space<hbm>> -> memref<80x128xf32, #tpu.memory_space<hbm>>
    %dma_wait3A_309 = arith.constant 512 : i32
    %dma_wait3A_310 = tpu.memref_slice %arg5[%add3A_306, %dma_wait3A_309] : memref<51200x1536xf32, #tpu.memory_space<hbm>> -> memref<80x128xf32, #tpu.memory_space<hbm>>
    tpu.wait_dma2 semaphore(%arg18 : memref<!tpu.dma_semaphore, #tpu.memory_space<semaphore_mem>>) src(%arg8 : memref<80x128xf32, #tpu.memory_space<vmem>>) dst(%dma_wait3A_310 : memref<80x128xf32, #tpu.memory_space<hbm>>)
    %dma_start3A_311 = arith.constant 0 : i32
    %dma_start3A_312 = arith.constant 1 : i32
    %dma_start3A_313 = arith.constant 0 : i32
    %dma_start3A_314 = tpu.memref_slice %arg7[%dma_start3A_312, %dma_start3A_313] : memref<20x80xi32, #tpu.memory_space<vmem>> -> memref<1x80xi32, #tpu.memory_space<vmem>>
    %dma_start3A_315 = tpu.memref_squeeze %dma_start3A_314 : memref<1x80xi32, #tpu.memory_space<vmem>> -> memref<80xi32, #tpu.memory_space<vmem>>
    %dma_start3A_316 = arith.constant 0 : i32
    %dma_start3A_317 = arith.constant 0 : i32
    %dma_start3A_318 = tpu.memref_slice %arg3[%dma_start3A_311, %dma_start3A_316, %dma_start3A_317] : memref<8x100000x128xf32, #tpu.memory_space<hbm>> -> memref<1x100000x128xf32, #tpu.memory_space<hbm>>
    %dma_start3A_319 = tpu.memref_squeeze %dma_start3A_318 : memref<1x100000x128xf32, #tpu.memory_space<hbm>> -> memref<100000x128xf32, #tpu.memory_space<hbm>>
    %dma_start3A_320 = arith.constant 0 : i32
    %dma_start3A_321 = arith.constant 0 : i32
    %dma_start3A_322 = tpu.memref_slice %dma_start3A_319[%dma_start3A_320, %dma_start3A_321] : memref<100000x128xf32, #tpu.memory_space<hbm>> -> memref<100000x128xf32, #tpu.memory_space<hbm>>
    tpu.enqueue_indirect_dma source(%dma_start3A_322 : memref<100000x128xf32, #tpu.memory_space<hbm>>) target(%arg8 : memref<80x128xf32, #tpu.memory_space<vmem>>) offsets(%dma_start3A_315 : memref<80xi32, #tpu.memory_space<vmem>>) semaphore(%arg14 : memref<!tpu.dma_semaphore, #tpu.memory_space<semaphore_mem>>)
    %dma_wait3A_323 = arith.constant 7 : i32
    %dma_wait3A_324 = arith.constant 0 : i32
    %dma_wait3A_325 = arith.constant 0 : i32
    %dma_wait3A_326 = tpu.memref_slice %arg7[%dma_wait3A_324, %dma_wait3A_325] : memref<20x80xi32, #tpu.memory_space<vmem>> -> memref<1x80xi32, #tpu.memory_space<vmem>>
    %dma_wait3A_327 = tpu.memref_squeeze %dma_wait3A_326 : memref<1x80xi32, #tpu.memory_space<vmem>> -> memref<80xi32, #tpu.memory_space<vmem>>
    %dma_wait3A_328 = arith.constant 0 : i32
    %dma_wait3A_329 = arith.constant 0 : i32
    %dma_wait3A_330 = tpu.memref_slice %arg3[%dma_wait3A_323, %dma_wait3A_328, %dma_wait3A_329] : memref<8x100000x128xf32, #tpu.memory_space<hbm>> -> memref<1x100000x128xf32, #tpu.memory_space<hbm>>
    %dma_wait3A_331 = tpu.memref_squeeze %dma_wait3A_330 : memref<1x100000x128xf32, #tpu.memory_space<hbm>> -> memref<100000x128xf32, #tpu.memory_space<hbm>>
    %dma_wait3A_332 = arith.constant 0 : i32
    %dma_wait3A_333 = arith.constant 0 : i32
    %dma_wait3A_334 = tpu.memref_slice %dma_wait3A_331[%dma_wait3A_332, %dma_wait3A_333] : memref<100000x128xf32, #tpu.memory_space<hbm>> -> memref<100000x128xf32, #tpu.memory_space<hbm>>
    tpu.wait_indirect_dma semaphore(%arg17 : memref<!tpu.dma_semaphore, #tpu.memory_space<semaphore_mem>>) src(%dma_wait3A_334 : memref<100000x128xf32, #tpu.memory_space<hbm>>) dst(%arg11 : memref<80x128xf32, #tpu.memory_space<vmem>>)
    %add3A_335 = arith.constant 0 : i32
    %add3A_336 = arith.addi %mul3A_2, %add3A_335 : i32
    %dma_start3A_337 = arith.constant 896 : i32
    %dma_start3A_338 = tpu.memref_slice %arg5[%add3A_336, %dma_start3A_337] : memref<51200x1536xf32, #tpu.memory_space<hbm>> -> memref<80x128xf32, #tpu.memory_space<hbm>>
    %dma_start3A_339 = arith.constant 896 : i32
    %dma_start3A_340 = tpu.memref_slice %arg5[%add3A_336, %dma_start3A_339] : memref<51200x1536xf32, #tpu.memory_space<hbm>> -> memref<80x128xf32, #tpu.memory_space<hbm>>
    tpu.enqueue_dma source(%arg11 : memref<80x128xf32, #tpu.memory_space<vmem>>) target(%dma_start3A_340 : memref<80x128xf32, #tpu.memory_space<hbm>>) target_semaphore(%arg21 : memref<!tpu.dma_semaphore, #tpu.memory_space<semaphore_mem>>)
    %add3A_341 = arith.constant 0 : i32
    %add3A_342 = arith.addi %mul3A_2, %add3A_341 : i32
    %dma_wait3A_343 = arith.constant 640 : i32
    %dma_wait3A_344 = tpu.memref_slice %arg5[%add3A_342, %dma_wait3A_343] : memref<51200x1536xf32, #tpu.memory_space<hbm>> -> memref<80x128xf32, #tpu.memory_space<hbm>>
    %dma_wait3A_345 = arith.constant 640 : i32
    %dma_wait3A_346 = tpu.memref_slice %arg5[%add3A_342, %dma_wait3A_345] : memref<51200x1536xf32, #tpu.memory_space<hbm>> -> memref<80x128xf32, #tpu.memory_space<hbm>>
    tpu.wait_dma2 semaphore(%arg19 : memref<!tpu.dma_semaphore, #tpu.memory_space<semaphore_mem>>) src(%arg9 : memref<80x128xf32, #tpu.memory_space<vmem>>) dst(%dma_wait3A_346 : memref<80x128xf32, #tpu.memory_space<hbm>>)
    %dma_start3A_347 = arith.constant 1 : i32
    %dma_start3A_348 = arith.constant 1 : i32
    %dma_start3A_349 = arith.constant 0 : i32
    %dma_start3A_350 = tpu.memref_slice %arg7[%dma_start3A_348, %dma_start3A_349] : memref<20x80xi32, #tpu.memory_space<vmem>> -> memref<1x80xi32, #tpu.memory_space<vmem>>
    %dma_start3A_351 = tpu.memref_squeeze %dma_start3A_350 : memref<1x80xi32, #tpu.memory_space<vmem>> -> memref<80xi32, #tpu.memory_space<vmem>>
    %dma_start3A_352 = arith.constant 0 : i32
    %dma_start3A_353 = arith.constant 0 : i32
    %dma_start3A_354 = tpu.memref_slice %arg3[%dma_start3A_347, %dma_start3A_352, %dma_start3A_353] : memref<8x100000x128xf32, #tpu.memory_space<hbm>> -> memref<1x100000x128xf32, #tpu.memory_space<hbm>>
    %dma_start3A_355 = tpu.memref_squeeze %dma_start3A_354 : memref<1x100000x128xf32, #tpu.memory_space<hbm>> -> memref<100000x128xf32, #tpu.memory_space<hbm>>
    %dma_start3A_356 = arith.constant 0 : i32
    %dma_start3A_357 = arith.constant 0 : i32
    %dma_start3A_358 = tpu.memref_slice %dma_start3A_355[%dma_start3A_356, %dma_start3A_357] : memref<100000x128xf32, #tpu.memory_space<hbm>> -> memref<100000x128xf32, #tpu.memory_space<hbm>>
    tpu.enqueue_indirect_dma source(%dma_start3A_358 : memref<100000x128xf32, #tpu.memory_space<hbm>>) target(%arg9 : memref<80x128xf32, #tpu.memory_space<vmem>>) offsets(%dma_start3A_351 : memref<80xi32, #tpu.memory_space<vmem>>) semaphore(%arg15 : memref<!tpu.dma_semaphore, #tpu.memory_space<semaphore_mem>>)
    %dma_wait3A_359 = arith.constant 0 : i32
    %dma_wait3A_360 = arith.constant 1 : i32
    %dma_wait3A_361 = arith.constant 0 : i32
    %dma_wait3A_362 = tpu.memref_slice %arg7[%dma_wait3A_360, %dma_wait3A_361] : memref<20x80xi32, #tpu.memory_space<vmem>> -> memref<1x80xi32, #tpu.memory_space<vmem>>
    %dma_wait3A_363 = tpu.memref_squeeze %dma_wait3A_362 : memref<1x80xi32, #tpu.memory_space<vmem>> -> memref<80xi32, #tpu.memory_space<vmem>>
    %dma_wait3A_364 = arith.constant 0 : i32
    %dma_wait3A_365 = arith.constant 0 : i32
    %dma_wait3A_366 = tpu.memref_slice %arg3[%dma_wait3A_359, %dma_wait3A_364, %dma_wait3A_365] : memref<8x100000x128xf32, #tpu.memory_space<hbm>> -> memref<1x100000x128xf32, #tpu.memory_space<hbm>>
    %dma_wait3A_367 = tpu.memref_squeeze %dma_wait3A_366 : memref<1x100000x128xf32, #tpu.memory_space<hbm>> -> memref<100000x128xf32, #tpu.memory_space<hbm>>
    %dma_wait3A_368 = arith.constant 0 : i32
    %dma_wait3A_369 = arith.constant 0 : i32
    %dma_wait3A_370 = tpu.memref_slice %dma_wait3A_367[%dma_wait3A_368, %dma_wait3A_369] : memref<100000x128xf32, #tpu.memory_space<hbm>> -> memref<100000x128xf32, #tpu.memory_space<hbm>>
    tpu.wait_indirect_dma semaphore(%arg14 : memref<!tpu.dma_semaphore, #tpu.memory_space<semaphore_mem>>) src(%dma_wait3A_370 : memref<100000x128xf32, #tpu.memory_space<hbm>>) dst(%arg8 : memref<80x128xf32, #tpu.memory_space<vmem>>)
    %add3A_371 = arith.constant 80 : i32
    %add3A_372 = arith.addi %mul3A_2, %add3A_371 : i32
    %dma_start3A_373 = arith.constant 0 : i32
    %dma_start3A_374 = tpu.memref_slice %arg5[%add3A_372, %dma_start3A_373] : memref<51200x1536xf32, #tpu.memory_space<hbm>> -> memref<80x128xf32, #tpu.memory_space<hbm>>
    %dma_start3A_375 = arith.constant 0 : i32
    %dma_start3A_376 = tpu.memref_slice %arg5[%add3A_372, %dma_start3A_375] : memref<51200x1536xf32, #tpu.memory_space<hbm>> -> memref<80x128xf32, #tpu.memory_space<hbm>>
    tpu.enqueue_dma source(%arg8 : memref<80x128xf32, #tpu.memory_space<vmem>>) target(%dma_start3A_376 : memref<80x128xf32, #tpu.memory_space<hbm>>) target_semaphore(%arg18 : memref<!tpu.dma_semaphore, #tpu.memory_space<semaphore_mem>>)
    %add3A_377 = arith.constant 0 : i32
    %add3A_378 = arith.addi %mul3A_2, %add3A_377 : i32
    %dma_wait3A_379 = arith.constant 768 : i32
    %dma_wait3A_380 = tpu.memref_slice %arg5[%add3A_378, %dma_wait3A_379] : memref<51200x1536xf32, #tpu.memory_space<hbm>> -> memref<80x128xf32, #tpu.memory_space<hbm>>
    %dma_wait3A_381 = arith.constant 768 : i32
    %dma_wait3A_382 = tpu.memref_slice %arg5[%add3A_378, %dma_wait3A_381] : memref<51200x1536xf32, #tpu.memory_space<hbm>> -> memref<80x128xf32, #tpu.memory_space<hbm>>
    tpu.wait_dma2 semaphore(%arg20 : memref<!tpu.dma_semaphore, #tpu.memory_space<semaphore_mem>>) src(%arg10 : memref<80x128xf32, #tpu.memory_space<vmem>>) dst(%dma_wait3A_382 : memref<80x128xf32, #tpu.memory_space<hbm>>)
    %dma_start3A_383 = arith.constant 2 : i32
    %dma_start3A_384 = arith.constant 1 : i32
    %dma_start3A_385 = arith.constant 0 : i32
    %dma_start3A_386 = tpu.memref_slice %arg7[%dma_start3A_384, %dma_start3A_385] : memref<20x80xi32, #tpu.memory_space<vmem>> -> memref<1x80xi32, #tpu.memory_space<vmem>>
    %dma_start3A_387 = tpu.memref_squeeze %dma_start3A_386 : memref<1x80xi32, #tpu.memory_space<vmem>> -> memref<80xi32, #tpu.memory_space<vmem>>
    %dma_start3A_388 = arith.constant 0 : i32
    %dma_start3A_389 = arith.constant 0 : i32
    %dma_start3A_390 = tpu.memref_slice %arg3[%dma_start3A_383, %dma_start3A_388, %dma_start3A_389] : memref<8x100000x128xf32, #tpu.memory_space<hbm>> -> memref<1x100000x128xf32, #tpu.memory_space<hbm>>
    %dma_start3A_391 = tpu.memref_squeeze %dma_start3A_390 : memref<1x100000x128xf32, #tpu.memory_space<hbm>> -> memref<100000x128xf32, #tpu.memory_space<hbm>>
    %dma_start3A_392 = arith.constant 0 : i32
    %dma_start3A_393 = arith.constant 0 : i32
    %dma_start3A_394 = tpu.memref_slice %dma_start3A_391[%dma_start3A_392, %dma_start3A_393] : memref<100000x128xf32, #tpu.memory_space<hbm>> -> memref<100000x128xf32, #tpu.memory_space<hbm>>
    tpu.enqueue_indirect_dma source(%dma_start3A_394 : memref<100000x128xf32, #tpu.memory_space<hbm>>) target(%arg10 : memref<80x128xf32, #tpu.memory_space<vmem>>) offsets(%dma_start3A_387 : memref<80xi32, #tpu.memory_space<vmem>>) semaphore(%arg16 : memref<!tpu.dma_semaphore, #tpu.memory_space<semaphore_mem>>)
    %dma_wait3A_395 = arith.constant 1 : i32
    %dma_wait3A_396 = arith.constant 1 : i32
    %dma_wait3A_397 = arith.constant 0 : i32
    %dma_wait3A_398 = tpu.memref_slice %arg7[%dma_wait3A_396, %dma_wait3A_397] : memref<20x80xi32, #tpu.memory_space<vmem>> -> memref<1x80xi32, #tpu.memory_space<vmem>>
    %dma_wait3A_399 = tpu.memref_squeeze %dma_wait3A_398 : memref<1x80xi32, #tpu.memory_space<vmem>> -> memref<80xi32, #tpu.memory_space<vmem>>
    %dma_wait3A_400 = arith.constant 0 : i32
    %dma_wait3A_401 = arith.constant 0 : i32
    %dma_wait3A_402 = tpu.memref_slice %arg3[%dma_wait3A_395, %dma_wait3A_400, %dma_wait3A_401] : memref<8x100000x128xf32, #tpu.memory_space<hbm>> -> memref<1x100000x128xf32, #tpu.memory_space<hbm>>
    %dma_wait3A_403 = tpu.memref_squeeze %dma_wait3A_402 : memref<1x100000x128xf32, #tpu.memory_space<hbm>> -> memref<100000x128xf32, #tpu.memory_space<hbm>>
    %dma_wait3A_404 = arith.constant 0 : i32
    %dma_wait3A_405 = arith.constant 0 : i32
    %dma_wait3A_406 = tpu.memref_slice %dma_wait3A_403[%dma_wait3A_404, %dma_wait3A_405] : memref<100000x128xf32, #tpu.memory_space<hbm>> -> memref<100000x128xf32, #tpu.memory_space<hbm>>
    tpu.wait_indirect_dma semaphore(%arg15 : memref<!tpu.dma_semaphore, #tpu.memory_space<semaphore_mem>>) src(%dma_wait3A_406 : memref<100000x128xf32, #tpu.memory_space<hbm>>) dst(%arg9 : memref<80x128xf32, #tpu.memory_space<vmem>>)
    %add3A_407 = arith.constant 80 : i32
    %add3A_408 = arith.addi %mul3A_2, %add3A_407 : i32
    %dma_start3A_409 = arith.constant 128 : i32
    %dma_start3A_410 = tpu.memref_slice %arg5[%add3A_408, %dma_start3A_409] : memref<51200x1536xf32, #tpu.memory_space<hbm>> -> memref<80x128xf32, #tpu.memory_space<hbm>>
    %dma_start3A_411 = arith.constant 128 : i32
    %dma_start3A_412 = tpu.memref_slice %arg5[%add3A_408, %dma_start3A_411] : memref<51200x1536xf32, #tpu.memory_space<hbm>> -> memref<80x128xf32, #tpu.memory_space<hbm>>
    tpu.enqueue_dma source(%arg9 : memref<80x128xf32, #tpu.memory_space<vmem>>) target(%dma_start3A_412 : memref<80x128xf32, #tpu.memory_space<hbm>>) target_semaphore(%arg19 : memref<!tpu.dma_semaphore, #tpu.memory_space<semaphore_mem>>)
    %add3A_413 = arith.constant 0 : i32
    %add3A_414 = arith.addi %mul3A_2, %add3A_413 : i32
    %dma_wait3A_415 = arith.constant 896 : i32
    %dma_wait3A_416 = tpu.memref_slice %arg5[%add3A_414, %dma_wait3A_415] : memref<51200x1536xf32, #tpu.memory_space<hbm>> -> memref<80x128xf32, #tpu.memory_space<hbm>>
    %dma_wait3A_417 = arith.constant 896 : i32
    %dma_wait3A_418 = tpu.memref_slice %arg5[%add3A_414, %dma_wait3A_417] : memref<51200x1536xf32, #tpu.memory_space<hbm>> -> memref<80x128xf32, #tpu.memory_space<hbm>>
    tpu.wait_dma2 semaphore(%arg21 : memref<!tpu.dma_semaphore, #tpu.memory_space<semaphore_mem>>) src(%arg11 : memref<80x128xf32, #tpu.memory_space<vmem>>) dst(%dma_wait3A_418 : memref<80x128xf32, #tpu.memory_space<hbm>>)
    %dma_start3A_419 = arith.constant 3 : i32
    %dma_start3A_420 = arith.constant 1 : i32
    %dma_start3A_421 = arith.constant 0 : i32
    %dma_start3A_422 = tpu.memref_slice %arg7[%dma_start3A_420, %dma_start3A_421] : memref<20x80xi32, #tpu.memory_space<vmem>> -> memref<1x80xi32, #tpu.memory_space<vmem>>
    %dma_start3A_423 = tpu.memref_squeeze %dma_start3A_422 : memref<1x80xi32, #tpu.memory_space<vmem>> -> memref<80xi32, #tpu.memory_space<vmem>>
    %dma_start3A_424 = arith.constant 0 : i32
    %dma_start3A_425 = arith.constant 0 : i32
    %dma_start3A_426 = tpu.memref_slice %arg3[%dma_start3A_419, %dma_start3A_424, %dma_start3A_425] : memref<8x100000x128xf32, #tpu.memory_space<hbm>> -> memref<1x100000x128xf32, #tpu.memory_space<hbm>>
    %dma_start3A_427 = tpu.memref_squeeze %dma_start3A_426 : memref<1x100000x128xf32, #tpu.memory_space<hbm>> -> memref<100000x128xf32, #tpu.memory_space<hbm>>
    %dma_start3A_428 = arith.constant 0 : i32
    %dma_start3A_429 = arith.constant 0 : i32
    %dma_start3A_430 = tpu.memref_slice %dma_start3A_427[%dma_start3A_428, %dma_start3A_429] : memref<100000x128xf32, #tpu.memory_space<hbm>> -> memref<100000x128xf32, #tpu.memory_space<hbm>>
    tpu.enqueue_indirect_dma source(%dma_start3A_430 : memref<100000x128xf32, #tpu.memory_space<hbm>>) target(%arg11 : memref<80x128xf32, #tpu.memory_space<vmem>>) offsets(%dma_start3A_423 : memref<80xi32, #tpu.memory_space<vmem>>) semaphore(%arg17 : memref<!tpu.dma_semaphore, #tpu.memory_space<semaphore_mem>>)
    %dma_wait3A_431 = arith.constant 2 : i32
    %dma_wait3A_432 = arith.constant 1 : i32
    %dma_wait3A_433 = arith.constant 0 : i32
    %dma_wait3A_434 = tpu.memref_slice %arg7[%dma_wait3A_432, %dma_wait3A_433] : memref<20x80xi32, #tpu.memory_space<vmem>> -> memref<1x80xi32, #tpu.memory_space<vmem>>
    %dma_wait3A_435 = tpu.memref_squeeze %dma_wait3A_434 : memref<1x80xi32, #tpu.memory_space<vmem>> -> memref<80xi32, #tpu.memory_space<vmem>>
    %dma_wait3A_436 = arith.constant 0 : i32
    %dma_wait3A_437 = arith.constant 0 : i32
    %dma_wait3A_438 = tpu.memref_slice %arg3[%dma_wait3A_431, %dma_wait3A_436, %dma_wait3A_437] : memref<8x100000x128xf32, #tpu.memory_space<hbm>> -> memref<1x100000x128xf32, #tpu.memory_space<hbm>>
    %dma_wait3A_439 = tpu.memref_squeeze %dma_wait3A_438 : memref<1x100000x128xf32, #tpu.memory_space<hbm>> -> memref<100000x128xf32, #tpu.memory_space<hbm>>
    %dma_wait3A_440 = arith.constant 0 : i32
    %dma_wait3A_441 = arith.constant 0 : i32
    %dma_wait3A_442 = tpu.memref_slice %dma_wait3A_439[%dma_wait3A_440, %dma_wait3A_441] : memref<100000x128xf32, #tpu.memory_space<hbm>> -> memref<100000x128xf32, #tpu.memory_space<hbm>>
    tpu.wait_indirect_dma semaphore(%arg16 : memref<!tpu.dma_semaphore, #tpu.memory_space<semaphore_mem>>) src(%dma_wait3A_442 : memref<100000x128xf32, #tpu.memory_space<hbm>>) dst(%arg10 : memref<80x128xf32, #tpu.memory_space<vmem>>)
    %add3A_443 = arith.constant 80 : i32
    %add3A_444 = arith.addi %mul3A_2, %add3A_443 : i32
    %dma_start3A_445 = arith.constant 256 : i32
    %dma_start3A_446 = tpu.memref_slice %arg5[%add3A_444, %dma_start3A_445] : memref<51200x1536xf32, #tpu.memory_space<hbm>> -> memref<80x128xf32, #tpu.memory_space<hbm>>
    %dma_start3A_447 = arith.constant 256 : i32
    %dma_start3A_448 = tpu.memref_slice %arg5[%add3A_444, %dma_start3A_447] : memref<51200x1536xf32, #tpu.memory_space<hbm>> -> memref<80x128xf32, #tpu.memory_space<hbm>>
    tpu.enqueue_dma source(%arg10 : memref<80x128xf32, #tpu.memory_space<vmem>>) target(%dma_start3A_448 : memref<80x128xf32, #tpu.memory_space<hbm>>) target_semaphore(%arg20 : memref<!tpu.dma_semaphore, #tpu.memory_space<semaphore_mem>>)
    %add3A_449 = arith.constant 80 : i32
    %add3A_450 = arith.addi %mul3A_2, %add3A_449 : i32
    %dma_wait3A_451 = arith.constant 0 : i32
    %dma_wait3A_452 = tpu.memref_slice %arg5[%add3A_450, %dma_wait3A_451] : memref<51200x1536xf32, #tpu.memory_space<hbm>> -> memref<80x128xf32, #tpu.memory_space<hbm>>
    %dma_wait3A_453 = arith.constant 0 : i32
    %dma_wait3A_454 = tpu.memref_slice %arg5[%add3A_450, %dma_wait3A_453] : memref<51200x1536xf32, #tpu.memory_space<hbm>> -> memref<80x128xf32, #tpu.memory_space<hbm>>
    tpu.wait_dma2 semaphore(%arg18 : memref<!tpu.dma_semaphore, #tpu.memory_space<semaphore_mem>>) src(%arg8 : memref<80x128xf32, #tpu.memory_space<vmem>>) dst(%dma_wait3A_454 : memref<80x128xf32, #tpu.memory_space<hbm>>)
    %dma_start3A_455 = arith.constant 4 : i32
    %dma_start3A_456 = arith.constant 1 : i32
    %dma_start3A_457 = arith.constant 0 : i32
    %dma_start3A_458 = tpu.memref_slice %arg7[%dma_start3A_456, %dma_start3A_457] : memref<20x80xi32, #tpu.memory_space<vmem>> -> memref<1x80xi32, #tpu.memory_space<vmem>>
    %dma_start3A_459 = tpu.memref_squeeze %dma_start3A_458 : memref<1x80xi32, #tpu.memory_space<vmem>> -> memref<80xi32, #tpu.memory_space<vmem>>
    %dma_start3A_460 = arith.constant 0 : i32
    %dma_start3A_461 = arith.constant 0 : i32
    %dma_start3A_462 = tpu.memref_slice %arg3[%dma_start3A_455, %dma_start3A_460, %dma_start3A_461] : memref<8x100000x128xf32, #tpu.memory_space<hbm>> -> memref<1x100000x128xf32, #tpu.memory_space<hbm>>
    %dma_start3A_463 = tpu.memref_squeeze %dma_start3A_462 : memref<1x100000x128xf32, #tpu.memory_space<hbm>> -> memref<100000x128xf32, #tpu.memory_space<hbm>>
    %dma_start3A_464 = arith.constant 0 : i32
    %dma_start3A_465 = arith.constant 0 : i32
    %dma_start3A_466 = tpu.memref_slice %dma_start3A_463[%dma_start3A_464, %dma_start3A_465] : memref<100000x128xf32, #tpu.memory_space<hbm>> -> memref<100000x128xf32, #tpu.memory_space<hbm>>
    tpu.enqueue_indirect_dma source(%dma_start3A_466 : memref<100000x128xf32, #tpu.memory_space<hbm>>) target(%arg8 : memref<80x128xf32, #tpu.memory_space<vmem>>) offsets(%dma_start3A_459 : memref<80xi32, #tpu.memory_space<vmem>>) semaphore(%arg14 : memref<!tpu.dma_semaphore, #tpu.memory_space<semaphore_mem>>)
    %dma_wait3A_467 = arith.constant 3 : i32
    %dma_wait3A_468 = arith.constant 1 : i32
    %dma_wait3A_469 = arith.constant 0 : i32
    %dma_wait3A_470 = tpu.memref_slice %arg7[%dma_wait3A_468, %dma_wait3A_469] : memref<20x80xi32, #tpu.memory_space<vmem>> -> memref<1x80xi32, #tpu.memory_space<vmem>>
    %dma_wait3A_471 = tpu.memref_squeeze %dma_wait3A_470 : memref<1x80xi32, #tpu.memory_space<vmem>> -> memref<80xi32, #tpu.memory_space<vmem>>
    %dma_wait3A_472 = arith.constant 0 : i32
    %dma_wait3A_473 = arith.constant 0 : i32
    %dma_wait3A_474 = tpu.memref_slice %arg3[%dma_wait3A_467, %dma_wait3A_472, %dma_wait3A_473] : memref<8x100000x128xf32, #tpu.memory_space<hbm>> -> memref<1x100000x128xf32, #tpu.memory_space<hbm>>
    %dma_wait3A_475 = tpu.memref_squeeze %dma_wait3A_474 : memref<1x100000x128xf32, #tpu.memory_space<hbm>> -> memref<100000x128xf32, #tpu.memory_space<hbm>>
    %dma_wait3A_476 = arith.constant 0 : i32
    %dma_wait3A_477 = arith.constant 0 : i32
    %dma_wait3A_478 = tpu.memref_slice %dma_wait3A_475[%dma_wait3A_476, %dma_wait3A_477] : memref<100000x128xf32, #tpu.memory_space<hbm>> -> memref<100000x128xf32, #tpu.memory_space<hbm>>
    tpu.wait_indirect_dma semaphore(%arg17 : memref<!tpu.dma_semaphore, #tpu.memory_space<semaphore_mem>>) src(%dma_wait3A_478 : memref<100000x128xf32, #tpu.memory_space<hbm>>) dst(%arg11 : memref<80x128xf32, #tpu.memory_space<vmem>>)
    %add3A_479 = arith.constant 80 : i32
    %add3A_480 = arith.addi %mul3A_2, %add3A_479 : i32
    %dma_start3A_481 = arith.constant 384 : i32
    %dma_start3A_482 = tpu.memref_slice %arg5[%add3A_480, %dma_start3A_481] : memref<51200x1536xf32, #tpu.memory_space<hbm>> -> memref<80x128xf32, #tpu.memory_space<hbm>>
    %dma_start3A_483 = arith.constant 384 : i32
    %dma_start3A_484 = tpu.memref_slice %arg5[%add3A_480, %dma_start3A_483] : memref<51200x1536xf32, #tpu.memory_space<hbm>> -> memref<80x128xf32, #tpu.memory_space<hbm>>
    tpu.enqueue_dma source(%arg11 : memref<80x128xf32, #tpu.memory_space<vmem>>) target(%dma_start3A_484 : memref<80x128xf32, #tpu.memory_space<hbm>>) target_semaphore(%arg21 : memref<!tpu.dma_semaphore, #tpu.memory_space<semaphore_mem>>)
    %add3A_485 = arith.constant 80 : i32
    %add3A_486 = arith.addi %mul3A_2, %add3A_485 : i32
    %dma_wait3A_487 = arith.constant 128 : i32
    %dma_wait3A_488 = tpu.memref_slice %arg5[%add3A_486, %dma_wait3A_487] : memref<51200x1536xf32, #tpu.memory_space<hbm>> -> memref<80x128xf32, #tpu.memory_space<hbm>>
    %dma_wait3A_489 = arith.constant 128 : i32
    %dma_wait3A_490 = tpu.memref_slice %arg5[%add3A_486, %dma_wait3A_489] : memref<51200x1536xf32, #tpu.memory_space<hbm>> -> memref<80x128xf32, #tpu.memory_space<hbm>>
    tpu.wait_dma2 semaphore(%arg19 : memref<!tpu.dma_semaphore, #tpu.memory_space<semaphore_mem>>) src(%arg9 : memref<80x128xf32, #tpu.memory_space<vmem>>) dst(%dma_wait3A_490 : memref<80x128xf32, #tpu.memory_space<hbm>>)
    %dma_start3A_491 = arith.constant 5 : i32
    %dma_start3A_492 = arith.constant 1 : i32
    %dma_start3A_493 = arith.constant 0 : i32
    %dma_start3A_494 = tpu.memref_slice %arg7[%dma_start3A_492, %dma_start3A_493] : memref<20x80xi32, #tpu.memory_space<vmem>> -> memref<1x80xi32, #tpu.memory_space<vmem>>
    %dma_start3A_495 = tpu.memref_squeeze %dma_start3A_494 : memref<1x80xi32, #tpu.memory_space<vmem>> -> memref<80xi32, #tpu.memory_space<vmem>>
    %dma_start3A_496 = arith.constant 0 : i32
    %dma_start3A_497 = arith.constant 0 : i32
    %dma_start3A_498 = tpu.memref_slice %arg3[%dma_start3A_491, %dma_start3A_496, %dma_start3A_497] : memref<8x100000x128xf32, #tpu.memory_space<hbm>> -> memref<1x100000x128xf32, #tpu.memory_space<hbm>>
    %dma_start3A_499 = tpu.memref_squeeze %dma_start3A_498 : memref<1x100000x128xf32, #tpu.memory_space<hbm>> -> memref<100000x128xf32, #tpu.memory_space<hbm>>
    %dma_start3A_500 = arith.constant 0 : i32
    %dma_start3A_501 = arith.constant 0 : i32
    %dma_start3A_502 = tpu.memref_slice %dma_start3A_499[%dma_start3A_500, %dma_start3A_501] : memref<100000x128xf32, #tpu.memory_space<hbm>> -> memref<100000x128xf32, #tpu.memory_space<hbm>>
    tpu.enqueue_indirect_dma source(%dma_start3A_502 : memref<100000x128xf32, #tpu.memory_space<hbm>>) target(%arg9 : memref<80x128xf32, #tpu.memory_space<vmem>>) offsets(%dma_start3A_495 : memref<80xi32, #tpu.memory_space<vmem>>) semaphore(%arg15 : memref<!tpu.dma_semaphore, #tpu.memory_space<semaphore_mem>>)
    %dma_wait3A_503 = arith.constant 4 : i32
    %dma_wait3A_504 = arith.constant 1 : i32
    %dma_wait3A_505 = arith.constant 0 : i32
    %dma_wait3A_506 = tpu.memref_slice %arg7[%dma_wait3A_504, %dma_wait3A_505] : memref<20x80xi32, #tpu.memory_space<vmem>> -> memref<1x80xi32, #tpu.memory_space<vmem>>
    %dma_wait3A_507 = tpu.memref_squeeze %dma_wait3A_506 : memref<1x80xi32, #tpu.memory_space<vmem>> -> memref<80xi32, #tpu.memory_space<vmem>>
    %dma_wait3A_508 = arith.constant 0 : i32
    %dma_wait3A_509 = arith.constant 0 : i32
    %dma_wait3A_510 = tpu.memref_slice %arg3[%dma_wait3A_503, %dma_wait3A_508, %dma_wait3A_509] : memref<8x100000x128xf32, #tpu.memory_space<hbm>> -> memref<1x100000x128xf32, #tpu.memory_space<hbm>>
    %dma_wait3A_511 = tpu.memref_squeeze %dma_wait3A_510 : memref<1x100000x128xf32, #tpu.memory_space<hbm>> -> memref<100000x128xf32, #tpu.memory_space<hbm>>
    %dma_wait3A_512 = arith.constant 0 : i32
    %dma_wait3A_513 = arith.constant 0 : i32
    %dma_wait3A_514 = tpu.memref_slice %dma_wait3A_511[%dma_wait3A_512, %dma_wait3A_513] : memref<100000x128xf32, #tpu.memory_space<hbm>> -> memref<100000x128xf32, #tpu.memory_space<hbm>>
    tpu.wait_indirect_dma semaphore(%arg14 : memref<!tpu.dma_semaphore, #tpu.memory_space<semaphore_mem>>) src(%dma_wait3A_514 : memref<100000x128xf32, #tpu.memory_space<hbm>>) dst(%arg8 : memref<80x128xf32, #tpu.memory_space<vmem>>)
    %add3A_515 = arith.constant 80 : i32
    %add3A_516 = arith.addi %mul3A_2, %add3A_515 : i32
    %dma_start3A_517 = arith.constant 512 : i32
    %dma_start3A_518 = tpu.memref_slice %arg5[%add3A_516, %dma_start3A_517] : memref<51200x1536xf32, #tpu.memory_space<hbm>> -> memref<80x128xf32, #tpu.memory_space<hbm>>
    %dma_start3A_519 = arith.constant 512 : i32
    %dma_start3A_520 = tpu.memref_slice %arg5[%add3A_516, %dma_start3A_519] : memref<51200x1536xf32, #tpu.memory_space<hbm>> -> memref<80x128xf32, #tpu.memory_space<hbm>>
    tpu.enqueue_dma source(%arg8 : memref<80x128xf32, #tpu.memory_space<vmem>>) target(%dma_start3A_520 : memref<80x128xf32, #tpu.memory_space<hbm>>) target_semaphore(%arg18 : memref<!tpu.dma_semaphore, #tpu.memory_space<semaphore_mem>>)
    %add3A_521 = arith.constant 80 : i32
    %add3A_522 = arith.addi %mul3A_2, %add3A_521 : i32
    %dma_wait3A_523 = arith.constant 256 : i32
    %dma_wait3A_524 = tpu.memref_slice %arg5[%add3A_522, %dma_wait3A_523] : memref<51200x1536xf32, #tpu.memory_space<hbm>> -> memref<80x128xf32, #tpu.memory_space<hbm>>
    %dma_wait3A_525 = arith.constant 256 : i32
    %dma_wait3A_526 = tpu.memref_slice %arg5[%add3A_522, %dma_wait3A_525] : memref<51200x1536xf32, #tpu.memory_space<hbm>> -> memref<80x128xf32, #tpu.memory_space<hbm>>
    tpu.wait_dma2 semaphore(%arg20 : memref<!tpu.dma_semaphore, #tpu.memory_space<semaphore_mem>>) src(%arg10 : memref<80x128xf32, #tpu.memory_space<vmem>>) dst(%dma_wait3A_526 : memref<80x128xf32, #tpu.memory_space<hbm>>)
    %dma_start3A_527 = arith.constant 6 : i32
    %dma_start3A_528 = arith.constant 1 : i32
    %dma_start3A_529 = arith.constant 0 : i32
    %dma_start3A_530 = tpu.memref_slice %arg7[%dma_start3A_528, %dma_start3A_529] : memref<20x80xi32, #tpu.memory_space<vmem>> -> memref<1x80xi32, #tpu.memory_space<vmem>>
    %dma_start3A_531 = tpu.memref_squeeze %dma_start3A_530 : memref<1x80xi32, #tpu.memory_space<vmem>> -> memref<80xi32, #tpu.memory_space<vmem>>
    %dma_start3A_532 = arith.constant 0 : i32
    %dma_start3A_533 = arith.constant 0 : i32
    %dma_start3A_534 = tpu.memref_slice %arg3[%dma_start3A_527, %dma_start3A_532, %dma_start3A_533] : memref<8x100000x128xf32, #tpu.memory_space<hbm>> -> memref<1x100000x128xf32, #tpu.memory_space<hbm>>
    %dma_start3A_535 = tpu.memref_squeeze %dma_start3A_534 : memref<1x100000x128xf32, #tpu.memory_space<hbm>> -> memref<100000x128xf32, #tpu.memory_space<hbm>>
    %dma_start3A_536 = arith.constant 0 : i32
    %dma_start3A_537 = arith.constant 0 : i32
    %dma_start3A_538 = tpu.memref_slice %dma_start3A_535[%dma_start3A_536, %dma_start3A_537] : memref<100000x128xf32, #tpu.memory_space<hbm>> -> memref<100000x128xf32, #tpu.memory_space<hbm>>
    tpu.enqueue_indirect_dma source(%dma_start3A_538 : memref<100000x128xf32, #tpu.memory_space<hbm>>) target(%arg10 : memref<80x128xf32, #tpu.memory_space<vmem>>) offsets(%dma_start3A_531 : memref<80xi32, #tpu.memory_space<vmem>>) semaphore(%arg16 : memref<!tpu.dma_semaphore, #tpu.memory_space<semaphore_mem>>)
    %dma_wait3A_539 = arith.constant 5 : i32
    %dma_wait3A_540 = arith.constant 1 : i32
    %dma_wait3A_541 = arith.constant 0 : i32
    %dma_wait3A_542 = tpu.memref_slice %arg7[%dma_wait3A_540, %dma_wait3A_541] : memref<20x80xi32, #tpu.memory_space<vmem>> -> memref<1x80xi32, #tpu.memory_space<vmem>>
    %dma_wait3A_543 = tpu.memref_squeeze %dma_wait3A_542 : memref<1x80xi32, #tpu.memory_space<vmem>> -> memref<80xi32, #tpu.memory_space<vmem>>
    %dma_wait3A_544 = arith.constant 0 : i32
    %dma_wait3A_545 = arith.constant 0 : i32
    %dma_wait3A_546 = tpu.memref_slice %arg3[%dma_wait3A_539, %dma_wait3A_544, %dma_wait3A_545] : memref<8x100000x128xf32, #tpu.memory_space<hbm>> -> memref<1x100000x128xf32, #tpu.memory_space<hbm>>
    %dma_wait3A_547 = tpu.memref_squeeze %dma_wait3A_546 : memref<1x100000x128xf32, #tpu.memory_space<hbm>> -> memref<100000x128xf32, #tpu.memory_space<hbm>>
    %dma_wait3A_548 = arith.constant 0 : i32
    %dma_wait3A_549 = arith.constant 0 : i32
    %dma_wait3A_550 = tpu.memref_slice %dma_wait3A_547[%dma_wait3A_548, %dma_wait3A_549] : memref<100000x128xf32, #tpu.memory_space<hbm>> -> memref<100000x128xf32, #tpu.memory_space<hbm>>
    tpu.wait_indirect_dma semaphore(%arg15 : memref<!tpu.dma_semaphore, #tpu.memory_space<semaphore_mem>>) src(%dma_wait3A_550 : memref<100000x128xf32, #tpu.memory_space<hbm>>) dst(%arg9 : memref<80x128xf32, #tpu.memory_space<vmem>>)
    %add3A_551 = arith.constant 80 : i32
    %add3A_552 = arith.addi %mul3A_2, %add3A_551 : i32
    %dma_start3A_553 = arith.constant 640 : i32
    %dma_start3A_554 = tpu.memref_slice %arg5[%add3A_552, %dma_start3A_553] : memref<51200x1536xf32, #tpu.memory_space<hbm>> -> memref<80x128xf32, #tpu.memory_space<hbm>>
    %dma_start3A_555 = arith.constant 640 : i32
    %dma_start3A_556 = tpu.memref_slice %arg5[%add3A_552, %dma_start3A_555] : memref<51200x1536xf32, #tpu.memory_space<hbm>> -> memref<80x128xf32, #tpu.memory_space<hbm>>
    tpu.enqueue_dma source(%arg9 : memref<80x128xf32, #tpu.memory_space<vmem>>) target(%dma_start3A_556 : memref<80x128xf32, #tpu.memory_space<hbm>>) target_semaphore(%arg19 : memref<!tpu.dma_semaphore, #tpu.memory_space<semaphore_mem>>)
    %add3A_557 = arith.constant 80 : i32
    %add3A_558 = arith.addi %mul3A_2, %add3A_557 : i32
    %dma_wait3A_559 = arith.constant 384 : i32
    %dma_wait3A_560 = tpu.memref_slice %arg5[%add3A_558, %dma_wait3A_559] : memref<51200x1536xf32, #tpu.memory_space<hbm>> -> memref<80x128xf32, #tpu.memory_space<hbm>>
    %dma_wait3A_561 = arith.constant 384 : i32
    %dma_wait3A_562 = tpu.memref_slice %arg5[%add3A_558, %dma_wait3A_561] : memref<51200x1536xf32, #tpu.memory_space<hbm>> -> memref<80x128xf32, #tpu.memory_space<hbm>>
    tpu.wait_dma2 semaphore(%arg21 : memref<!tpu.dma_semaphore, #tpu.memory_space<semaphore_mem>>) src(%arg11 : memref<80x128xf32, #tpu.memory_space<vmem>>) dst(%dma_wait3A_562 : memref<80x128xf32, #tpu.memory_space<hbm>>)
    %dma_start3A_563 = arith.constant 7 : i32
    %dma_start3A_564 = arith.constant 1 : i32
    %dma_start3A_565 = arith.constant 0 : i32
    %dma_start3A_566 = tpu.memref_slice %arg7[%dma_start3A_564, %dma_start3A_565] : memref<20x80xi32, #tpu.memory_space<vmem>> -> memref<1x80xi32, #tpu.memory_space<vmem>>
    %dma_start3A_567 = tpu.memref_squeeze %dma_start3A_566 : memref<1x80xi32, #tpu.memory_space<vmem>> -> memref<80xi32, #tpu.memory_space<vmem>>
    %dma_start3A_568 = arith.constant 0 : i32
    %dma_start3A_569 = arith.constant 0 : i32
    %dma_start3A_570 = tpu.memref_slice %arg3[%dma_start3A_563, %dma_start3A_568, %dma_start3A_569] : memref<8x100000x128xf32, #tpu.memory_space<hbm>> -> memref<1x100000x128xf32, #tpu.memory_space<hbm>>
    %dma_start3A_571 = tpu.memref_squeeze %dma_start3A_570 : memref<1x100000x128xf32, #tpu.memory_space<hbm>> -> memref<100000x128xf32, #tpu.memory_space<hbm>>
    %dma_start3A_572 = arith.constant 0 : i32
    %dma_start3A_573 = arith.constant 0 : i32
    %dma_start3A_574 = tpu.memref_slice %dma_start3A_571[%dma_start3A_572, %dma_start3A_573] : memref<100000x128xf32, #tpu.memory_space<hbm>> -> memref<100000x128xf32, #tpu.memory_space<hbm>>
    tpu.enqueue_indirect_dma source(%dma_start3A_574 : memref<100000x128xf32, #tpu.memory_space<hbm>>) target(%arg11 : memref<80x128xf32, #tpu.memory_space<vmem>>) offsets(%dma_start3A_567 : memref<80xi32, #tpu.memory_space<vmem>>) semaphore(%arg17 : memref<!tpu.dma_semaphore, #tpu.memory_space<semaphore_mem>>)
    %dma_wait3A_575 = arith.constant 6 : i32
    %dma_wait3A_576 = arith.constant 1 : i32
    %dma_wait3A_577 = arith.constant 0 : i32
    %dma_wait3A_578 = tpu.memref_slice %arg7[%dma_wait3A_576, %dma_wait3A_577] : memref<20x80xi32, #tpu.memory_space<vmem>> -> memref<1x80xi32, #tpu.memory_space<vmem>>
    %dma_wait3A_579 = tpu.memref_squeeze %dma_wait3A_578 : memref<1x80xi32, #tpu.memory_space<vmem>> -> memref<80xi32, #tpu.memory_space<vmem>>
    %dma_wait3A_580 = arith.constant 0 : i32
    %dma_wait3A_581 = arith.constant 0 : i32
    %dma_wait3A_582 = tpu.memref_slice %arg3[%dma_wait3A_575, %dma_wait3A_580, %dma_wait3A_581] : memref<8x100000x128xf32, #tpu.memory_space<hbm>> -> memref<1x100000x128xf32, #tpu.memory_space<hbm>>
    %dma_wait3A_583 = tpu.memref_squeeze %dma_wait3A_582 : memref<1x100000x128xf32, #tpu.memory_space<hbm>> -> memref<100000x128xf32, #tpu.memory_space<hbm>>
    %dma_wait3A_584 = arith.constant 0 : i32
    %dma_wait3A_585 = arith.constant 0 : i32
    %dma_wait3A_586 = tpu.memref_slice %dma_wait3A_583[%dma_wait3A_584, %dma_wait3A_585] : memref<100000x128xf32, #tpu.memory_space<hbm>> -> memref<100000x128xf32, #tpu.memory_space<hbm>>
    tpu.wait_indirect_dma semaphore(%arg16 : memref<!tpu.dma_semaphore, #tpu.memory_space<semaphore_mem>>) src(%dma_wait3A_586 : memref<100000x128xf32, #tpu.memory_space<hbm>>) dst(%arg10 : memref<80x128xf32, #tpu.memory_space<vmem>>)
    %add3A_587 = arith.constant 80 : i32
    %add3A_588 = arith.addi %mul3A_2, %add3A_587 : i32
    %dma_start3A_589 = arith.constant 768 : i32
    %dma_start3A_590 = tpu.memref_slice %arg5[%add3A_588, %dma_start3A_589] : memref<51200x1536xf32, #tpu.memory_space<hbm>> -> memref<80x128xf32, #tpu.memory_space<hbm>>
    %dma_start3A_591 = arith.constant 768 : i32
    %dma_start3A_592 = tpu.memref_slice %arg5[%add3A_588, %dma_start3A_591] : memref<51200x1536xf32, #tpu.memory_space<hbm>> -> memref<80x128xf32, #tpu.memory_space<hbm>>
    tpu.enqueue_dma source(%arg10 : memref<80x128xf32, #tpu.memory_space<vmem>>) target(%dma_start3A_592 : memref<80x128xf32, #tpu.memory_space<hbm>>) target_semaphore(%arg20 : memref<!tpu.dma_semaphore, #tpu.memory_space<semaphore_mem>>)
    %add3A_593 = arith.constant 80 : i32
    %add3A_594 = arith.addi %mul3A_2, %add3A_593 : i32
    %dma_wait3A_595 = arith.constant 1024 : i32
    %dma_wait3A_596 = tpu.memref_slice %arg5[%add3A_594, %dma_wait3A_595] : memref<51200x1536xf32, #tpu.memory_space<hbm>> -> memref<80x512xf32, #tpu.memory_space<hbm>>
    %dma_wait3A_597 = arith.constant 1024 : i32
    %dma_wait3A_598 = tpu.memref_slice %arg5[%add3A_594, %dma_wait3A_597] : memref<51200x1536xf32, #tpu.memory_space<hbm>> -> memref<80x512xf32, #tpu.memory_space<hbm>>
    tpu.wait_dma2 semaphore(%arg25 : memref<!tpu.dma_semaphore, #tpu.memory_space<semaphore_mem>>) src(%arg13 : memref<80x512xf32, #tpu.memory_space<vmem>>) dst(%dma_wait3A_598 : memref<80x512xf32, #tpu.memory_space<hbm>>)
    %dma_start3A_599 = arith.constant 3 : i32
    %dma_start3A_600 = arith.constant 0 : i32
    %dma_start3A_601 = tpu.memref_slice %arg7[%dma_start3A_599, %dma_start3A_600] : memref<20x80xi32, #tpu.memory_space<vmem>> -> memref<1x80xi32, #tpu.memory_space<vmem>>
    %dma_start3A_602 = tpu.memref_squeeze %dma_start3A_601 : memref<1x80xi32, #tpu.memory_space<vmem>> -> memref<80xi32, #tpu.memory_space<vmem>>
    %dma_start3A_603 = arith.constant 0 : i32
    %dma_start3A_604 = arith.constant 0 : i32
    %dma_start3A_605 = tpu.memref_slice %arg4[%dma_start3A_603, %dma_start3A_604] : memref<100000x512xf32, #tpu.memory_space<hbm>> -> memref<100000x512xf32, #tpu.memory_space<hbm>>
    tpu.enqueue_indirect_dma source(%dma_start3A_605 : memref<100000x512xf32, #tpu.memory_space<hbm>>) target(%arg13 : memref<80x512xf32, #tpu.memory_space<vmem>>) offsets(%dma_start3A_602 : memref<80xi32, #tpu.memory_space<vmem>>) semaphore(%arg23 : memref<!tpu.dma_semaphore, #tpu.memory_space<semaphore_mem>>)
    %scan3A_606 = arith.constant 0 : i32
    %scan3A_607 = arith.constant 1 : i32
    %scan3A_608 = arith.constant 9 : i32
    %scan3A_609 = arith.addi %scan3A_607, %scan3A_608 : i32
    %scan3A_610 = arith.constant 1 : i32
    scf.for %scan3A_654 = %scan3A_607 to %scan3A_609 step %scan3A_610  : i32 {
      %mul3A_655 = arith.constant 2 : i32
      %mul3A_656 = arith.muli %mul3A_655, %scan3A_654 : i32
      %dma_wait3A_657 = arith.constant 0 : i32
      %dma_wait3A_658 = tpu.memref_slice %arg7[%mul3A_656, %dma_wait3A_657] : memref<20x80xi32, #tpu.memory_space<vmem>> -> memref<1x80xi32, #tpu.memory_space<vmem>>
      %dma_wait3A_659 = tpu.memref_squeeze %dma_wait3A_658 : memref<1x80xi32, #tpu.memory_space<vmem>> -> memref<80xi32, #tpu.memory_space<vmem>>
      %dma_wait3A_660 = arith.constant 0 : i32
      %dma_wait3A_661 = arith.constant 0 : i32
      %dma_wait3A_662 = tpu.memref_slice %arg4[%dma_wait3A_660, %dma_wait3A_661] : memref<100000x512xf32, #tpu.memory_space<hbm>> -> memref<100000x512xf32, #tpu.memory_space<hbm>>
      tpu.wait_indirect_dma semaphore(%arg22 : memref<!tpu.dma_semaphore, #tpu.memory_space<semaphore_mem>>) src(%dma_wait3A_662 : memref<100000x512xf32, #tpu.memory_space<hbm>>) dst(%arg12 : memref<80x512xf32, #tpu.memory_space<vmem>>)
      %mul3A_663 = arith.constant 80 : i32
      %mul3A_664 = arith.muli %mul3A_656, %mul3A_663 : i32
      %add3A_665 = arith.addi %mul3A_2, %mul3A_664 : i32
      %dma_start3A_666 = arith.constant 1024 : i32
      %dma_start3A_667 = tpu.memref_slice %arg5[%add3A_665, %dma_start3A_666] : memref<51200x1536xf32, #tpu.memory_space<hbm>> -> memref<80x512xf32, #tpu.memory_space<hbm>>
      %dma_start3A_668 = arith.constant 1024 : i32
      %dma_start3A_669 = tpu.memref_slice %arg5[%add3A_665, %dma_start3A_668] : memref<51200x1536xf32, #tpu.memory_space<hbm>> -> memref<80x512xf32, #tpu.memory_space<hbm>>
      tpu.enqueue_dma source(%arg12 : memref<80x512xf32, #tpu.memory_space<vmem>>) target(%dma_start3A_669 : memref<80x512xf32, #tpu.memory_space<hbm>>) target_semaphore(%arg24 : memref<!tpu.dma_semaphore, #tpu.memory_space<semaphore_mem>>)
      %sub3A = arith.constant 1 : i32
      %sub3A_670 = arith.subi %mul3A_656, %sub3A : i32
      %mul3A_671 = arith.constant 80 : i32
      %mul3A_672 = arith.muli %sub3A_670, %mul3A_671 : i32
      %add3A_673 = arith.addi %mul3A_2, %mul3A_672 : i32
      %dma_wait3A_674 = arith.constant 512 : i32
      %dma_wait3A_675 = tpu.memref_slice %arg5[%add3A_673, %dma_wait3A_674] : memref<51200x1536xf32, #tpu.memory_space<hbm>> -> memref<80x128xf32, #tpu.memory_space<hbm>>
      %dma_wait3A_676 = arith.constant 512 : i32
      %dma_wait3A_677 = tpu.memref_slice %arg5[%add3A_673, %dma_wait3A_676] : memref<51200x1536xf32, #tpu.memory_space<hbm>> -> memref<80x128xf32, #tpu.memory_space<hbm>>
      tpu.wait_dma2 semaphore(%arg18 : memref<!tpu.dma_semaphore, #tpu.memory_space<semaphore_mem>>) src(%arg8 : memref<80x128xf32, #tpu.memory_space<vmem>>) dst(%dma_wait3A_677 : memref<80x128xf32, #tpu.memory_space<hbm>>)
      %dma_start3A_678 = arith.constant 0 : i32
      %dma_start3A_679 = arith.constant 0 : i32
      %dma_start3A_680 = tpu.memref_slice %arg7[%mul3A_656, %dma_start3A_679] : memref<20x80xi32, #tpu.memory_space<vmem>> -> memref<1x80xi32, #tpu.memory_space<vmem>>
      %dma_start3A_681 = tpu.memref_squeeze %dma_start3A_680 : memref<1x80xi32, #tpu.memory_space<vmem>> -> memref<80xi32, #tpu.memory_space<vmem>>
      %dma_start3A_682 = arith.constant 0 : i32
      %dma_start3A_683 = arith.constant 0 : i32
      %dma_start3A_684 = tpu.memref_slice %arg3[%dma_start3A_678, %dma_start3A_682, %dma_start3A_683] : memref<8x100000x128xf32, #tpu.memory_space<hbm>> -> memref<1x100000x128xf32, #tpu.memory_space<hbm>>
      %dma_start3A_685 = tpu.memref_squeeze %dma_start3A_684 : memref<1x100000x128xf32, #tpu.memory_space<hbm>> -> memref<100000x128xf32, #tpu.memory_space<hbm>>
      %dma_start3A_686 = arith.constant 0 : i32
      %dma_start3A_687 = arith.constant 0 : i32
      %dma_start3A_688 = tpu.memref_slice %dma_start3A_685[%dma_start3A_686, %dma_start3A_687] : memref<100000x128xf32, #tpu.memory_space<hbm>> -> memref<100000x128xf32, #tpu.memory_space<hbm>>
      tpu.enqueue_indirect_dma source(%dma_start3A_688 : memref<100000x128xf32, #tpu.memory_space<hbm>>) target(%arg8 : memref<80x128xf32, #tpu.memory_space<vmem>>) offsets(%dma_start3A_681 : memref<80xi32, #tpu.memory_space<vmem>>) semaphore(%arg14 : memref<!tpu.dma_semaphore, #tpu.memory_space<semaphore_mem>>)
      %sub3A_689 = arith.constant 1 : i32
      %sub3A_690 = arith.subi %mul3A_656, %sub3A_689 : i32
      %dma_wait3A_691 = arith.constant 7 : i32
      %dma_wait3A_692 = arith.constant 0 : i32
      %dma_wait3A_693 = tpu.memref_slice %arg7[%sub3A_690, %dma_wait3A_692] : memref<20x80xi32, #tpu.memory_space<vmem>> -> memref<1x80xi32, #tpu.memory_space<vmem>>
      %dma_wait3A_694 = tpu.memref_squeeze %dma_wait3A_693 : memref<1x80xi32, #tpu.memory_space<vmem>> -> memref<80xi32, #tpu.memory_space<vmem>>
      %dma_wait3A_695 = arith.constant 0 : i32
      %dma_wait3A_696 = arith.constant 0 : i32
      %dma_wait3A_697 = tpu.memref_slice %arg3[%dma_wait3A_691, %dma_wait3A_695, %dma_wait3A_696] : memref<8x100000x128xf32, #tpu.memory_space<hbm>> -> memref<1x100000x128xf32, #tpu.memory_space<hbm>>
      %dma_wait3A_698 = tpu.memref_squeeze %dma_wait3A_697 : memref<1x100000x128xf32, #tpu.memory_space<hbm>> -> memref<100000x128xf32, #tpu.memory_space<hbm>>
      %dma_wait3A_699 = arith.constant 0 : i32
      %dma_wait3A_700 = arith.constant 0 : i32
      %dma_wait3A_701 = tpu.memref_slice %dma_wait3A_698[%dma_wait3A_699, %dma_wait3A_700] : memref<100000x128xf32, #tpu.memory_space<hbm>> -> memref<100000x128xf32, #tpu.memory_space<hbm>>
      tpu.wait_indirect_dma semaphore(%arg17 : memref<!tpu.dma_semaphore, #tpu.memory_space<semaphore_mem>>) src(%dma_wait3A_701 : memref<100000x128xf32, #tpu.memory_space<hbm>>) dst(%arg11 : memref<80x128xf32, #tpu.memory_space<vmem>>)
      %sub3A_702 = arith.constant 1 : i32
      %sub3A_703 = arith.subi %mul3A_656, %sub3A_702 : i32
      %mul3A_704 = arith.constant 80 : i32
      %mul3A_705 = arith.muli %sub3A_703, %mul3A_704 : i32
      %add3A_706 = arith.addi %mul3A_2, %mul3A_705 : i32
      %dma_start3A_707 = arith.constant 896 : i32
      %dma_start3A_708 = tpu.memref_slice %arg5[%add3A_706, %dma_start3A_707] : memref<51200x1536xf32, #tpu.memory_space<hbm>> -> memref<80x128xf32, #tpu.memory_space<hbm>>
      %dma_start3A_709 = arith.constant 896 : i32
      %dma_start3A_710 = tpu.memref_slice %arg5[%add3A_706, %dma_start3A_709] : memref<51200x1536xf32, #tpu.memory_space<hbm>> -> memref<80x128xf32, #tpu.memory_space<hbm>>
      tpu.enqueue_dma source(%arg11 : memref<80x128xf32, #tpu.memory_space<vmem>>) target(%dma_start3A_710 : memref<80x128xf32, #tpu.memory_space<hbm>>) target_semaphore(%arg21 : memref<!tpu.dma_semaphore, #tpu.memory_space<semaphore_mem>>)
      %sub3A_711 = arith.constant 1 : i32
      %sub3A_712 = arith.subi %mul3A_656, %sub3A_711 : i32
      %mul3A_713 = arith.constant 80 : i32
      %mul3A_714 = arith.muli %sub3A_712, %mul3A_713 : i32
      %add3A_715 = arith.addi %mul3A_2, %mul3A_714 : i32
      %dma_wait3A_716 = arith.constant 640 : i32
      %dma_wait3A_717 = tpu.memref_slice %arg5[%add3A_715, %dma_wait3A_716] : memref<51200x1536xf32, #tpu.memory_space<hbm>> -> memref<80x128xf32, #tpu.memory_space<hbm>>
      %dma_wait3A_718 = arith.constant 640 : i32
      %dma_wait3A_719 = tpu.memref_slice %arg5[%add3A_715, %dma_wait3A_718] : memref<51200x1536xf32, #tpu.memory_space<hbm>> -> memref<80x128xf32, #tpu.memory_space<hbm>>
      tpu.wait_dma2 semaphore(%arg19 : memref<!tpu.dma_semaphore, #tpu.memory_space<semaphore_mem>>) src(%arg9 : memref<80x128xf32, #tpu.memory_space<vmem>>) dst(%dma_wait3A_719 : memref<80x128xf32, #tpu.memory_space<hbm>>)
      %dma_start3A_720 = arith.constant 1 : i32
      %dma_start3A_721 = arith.constant 0 : i32
      %dma_start3A_722 = tpu.memref_slice %arg7[%mul3A_656, %dma_start3A_721] : memref<20x80xi32, #tpu.memory_space<vmem>> -> memref<1x80xi32, #tpu.memory_space<vmem>>
      %dma_start3A_723 = tpu.memref_squeeze %dma_start3A_722 : memref<1x80xi32, #tpu.memory_space<vmem>> -> memref<80xi32, #tpu.memory_space<vmem>>
      %dma_start3A_724 = arith.constant 0 : i32
      %dma_start3A_725 = arith.constant 0 : i32
      %dma_start3A_726 = tpu.memref_slice %arg3[%dma_start3A_720, %dma_start3A_724, %dma_start3A_725] : memref<8x100000x128xf32, #tpu.memory_space<hbm>> -> memref<1x100000x128xf32, #tpu.memory_space<hbm>>
      %dma_start3A_727 = tpu.memref_squeeze %dma_start3A_726 : memref<1x100000x128xf32, #tpu.memory_space<hbm>> -> memref<100000x128xf32, #tpu.memory_space<hbm>>
      %dma_start3A_728 = arith.constant 0 : i32
      %dma_start3A_729 = arith.constant 0 : i32
      %dma_start3A_730 = tpu.memref_slice %dma_start3A_727[%dma_start3A_728, %dma_start3A_729] : memref<100000x128xf32, #tpu.memory_space<hbm>> -> memref<100000x128xf32, #tpu.memory_space<hbm>>
      tpu.enqueue_indirect_dma source(%dma_start3A_730 : memref<100000x128xf32, #tpu.memory_space<hbm>>) target(%arg9 : memref<80x128xf32, #tpu.memory_space<vmem>>) offsets(%dma_start3A_723 : memref<80xi32, #tpu.memory_space<vmem>>) semaphore(%arg15 : memref<!tpu.dma_semaphore, #tpu.memory_space<semaphore_mem>>)
      %dma_wait3A_731 = arith.constant 0 : i32
      %dma_wait3A_732 = arith.constant 0 : i32
      %dma_wait3A_733 = tpu.memref_slice %arg7[%mul3A_656, %dma_wait3A_732] : memref<20x80xi32, #tpu.memory_space<vmem>> -> memref<1x80xi32, #tpu.memory_space<vmem>>
      %dma_wait3A_734 = tpu.memref_squeeze %dma_wait3A_733 : memref<1x80xi32, #tpu.memory_space<vmem>> -> memref<80xi32, #tpu.memory_space<vmem>>
      %dma_wait3A_735 = arith.constant 0 : i32
      %dma_wait3A_736 = arith.constant 0 : i32
      %dma_wait3A_737 = tpu.memref_slice %arg3[%dma_wait3A_731, %dma_wait3A_735, %dma_wait3A_736] : memref<8x100000x128xf32, #tpu.memory_space<hbm>> -> memref<1x100000x128xf32, #tpu.memory_space<hbm>>
      %dma_wait3A_738 = tpu.memref_squeeze %dma_wait3A_737 : memref<1x100000x128xf32, #tpu.memory_space<hbm>> -> memref<100000x128xf32, #tpu.memory_space<hbm>>
      %dma_wait3A_739 = arith.constant 0 : i32
      %dma_wait3A_740 = arith.constant 0 : i32
      %dma_wait3A_741 = tpu.memref_slice %dma_wait3A_738[%dma_wait3A_739, %dma_wait3A_740] : memref<100000x128xf32, #tpu.memory_space<hbm>> -> memref<100000x128xf32, #tpu.memory_space<hbm>>
      tpu.wait_indirect_dma semaphore(%arg14 : memref<!tpu.dma_semaphore, #tpu.memory_space<semaphore_mem>>) src(%dma_wait3A_741 : memref<100000x128xf32, #tpu.memory_space<hbm>>) dst(%arg8 : memref<80x128xf32, #tpu.memory_space<vmem>>)
      %mul3A_742 = arith.constant 80 : i32
      %mul3A_743 = arith.muli %mul3A_656, %mul3A_742 : i32
      %add3A_744 = arith.addi %mul3A_2, %mul3A_743 : i32
      %dma_start3A_745 = arith.constant 0 : i32
      %dma_start3A_746 = tpu.memref_slice %arg5[%add3A_744, %dma_start3A_745] : memref<51200x1536xf32, #tpu.memory_space<hbm>> -> memref<80x128xf32, #tpu.memory_space<hbm>>
      %dma_start3A_747 = arith.constant 0 : i32
      %dma_start3A_748 = tpu.memref_slice %arg5[%add3A_744, %dma_start3A_747] : memref<51200x1536xf32, #tpu.memory_space<hbm>> -> memref<80x128xf32, #tpu.memory_space<hbm>>
      tpu.enqueue_dma source(%arg8 : memref<80x128xf32, #tpu.memory_space<vmem>>) target(%dma_start3A_748 : memref<80x128xf32, #tpu.memory_space<hbm>>) target_semaphore(%arg18 : memref<!tpu.dma_semaphore, #tpu.memory_space<semaphore_mem>>)
      %sub3A_749 = arith.constant 1 : i32
      %sub3A_750 = arith.subi %mul3A_656, %sub3A_749 : i32
      %mul3A_751 = arith.constant 80 : i32
      %mul3A_752 = arith.muli %sub3A_750, %mul3A_751 : i32
      %add3A_753 = arith.addi %mul3A_2, %mul3A_752 : i32
      %dma_wait3A_754 = arith.constant 768 : i32
      %dma_wait3A_755 = tpu.memref_slice %arg5[%add3A_753, %dma_wait3A_754] : memref<51200x1536xf32, #tpu.memory_space<hbm>> -> memref<80x128xf32, #tpu.memory_space<hbm>>
      %dma_wait3A_756 = arith.constant 768 : i32
      %dma_wait3A_757 = tpu.memref_slice %arg5[%add3A_753, %dma_wait3A_756] : memref<51200x1536xf32, #tpu.memory_space<hbm>> -> memref<80x128xf32, #tpu.memory_space<hbm>>
      tpu.wait_dma2 semaphore(%arg20 : memref<!tpu.dma_semaphore, #tpu.memory_space<semaphore_mem>>) src(%arg10 : memref<80x128xf32, #tpu.memory_space<vmem>>) dst(%dma_wait3A_757 : memref<80x128xf32, #tpu.memory_space<hbm>>)
      %dma_start3A_758 = arith.constant 2 : i32
      %dma_start3A_759 = arith.constant 0 : i32
      %dma_start3A_760 = tpu.memref_slice %arg7[%mul3A_656, %dma_start3A_759] : memref<20x80xi32, #tpu.memory_space<vmem>> -> memref<1x80xi32, #tpu.memory_space<vmem>>
      %dma_start3A_761 = tpu.memref_squeeze %dma_start3A_760 : memref<1x80xi32, #tpu.memory_space<vmem>> -> memref<80xi32, #tpu.memory_space<vmem>>
      %dma_start3A_762 = arith.constant 0 : i32
      %dma_start3A_763 = arith.constant 0 : i32
      %dma_start3A_764 = tpu.memref_slice %arg3[%dma_start3A_758, %dma_start3A_762, %dma_start3A_763] : memref<8x100000x128xf32, #tpu.memory_space<hbm>> -> memref<1x100000x128xf32, #tpu.memory_space<hbm>>
      %dma_start3A_765 = tpu.memref_squeeze %dma_start3A_764 : memref<1x100000x128xf32, #tpu.memory_space<hbm>> -> memref<100000x128xf32, #tpu.memory_space<hbm>>
      %dma_start3A_766 = arith.constant 0 : i32
      %dma_start3A_767 = arith.constant 0 : i32
      %dma_start3A_768 = tpu.memref_slice %dma_start3A_765[%dma_start3A_766, %dma_start3A_767] : memref<100000x128xf32, #tpu.memory_space<hbm>> -> memref<100000x128xf32, #tpu.memory_space<hbm>>
      tpu.enqueue_indirect_dma source(%dma_start3A_768 : memref<100000x128xf32, #tpu.memory_space<hbm>>) target(%arg10 : memref<80x128xf32, #tpu.memory_space<vmem>>) offsets(%dma_start3A_761 : memref<80xi32, #tpu.memory_space<vmem>>) semaphore(%arg16 : memref<!tpu.dma_semaphore, #tpu.memory_space<semaphore_mem>>)
      %dma_wait3A_769 = arith.constant 1 : i32
      %dma_wait3A_770 = arith.constant 0 : i32
      %dma_wait3A_771 = tpu.memref_slice %arg7[%mul3A_656, %dma_wait3A_770] : memref<20x80xi32, #tpu.memory_space<vmem>> -> memref<1x80xi32, #tpu.memory_space<vmem>>
      %dma_wait3A_772 = tpu.memref_squeeze %dma_wait3A_771 : memref<1x80xi32, #tpu.memory_space<vmem>> -> memref<80xi32, #tpu.memory_space<vmem>>
      %dma_wait3A_773 = arith.constant 0 : i32
      %dma_wait3A_774 = arith.constant 0 : i32
      %dma_wait3A_775 = tpu.memref_slice %arg3[%dma_wait3A_769, %dma_wait3A_773, %dma_wait3A_774] : memref<8x100000x128xf32, #tpu.memory_space<hbm>> -> memref<1x100000x128xf32, #tpu.memory_space<hbm>>
      %dma_wait3A_776 = tpu.memref_squeeze %dma_wait3A_775 : memref<1x100000x128xf32, #tpu.memory_space<hbm>> -> memref<100000x128xf32, #tpu.memory_space<hbm>>
      %dma_wait3A_777 = arith.constant 0 : i32
      %dma_wait3A_778 = arith.constant 0 : i32
      %dma_wait3A_779 = tpu.memref_slice %dma_wait3A_776[%dma_wait3A_777, %dma_wait3A_778] : memref<100000x128xf32, #tpu.memory_space<hbm>> -> memref<100000x128xf32, #tpu.memory_space<hbm>>
      tpu.wait_indirect_dma semaphore(%arg15 : memref<!tpu.dma_semaphore, #tpu.memory_space<semaphore_mem>>) src(%dma_wait3A_779 : memref<100000x128xf32, #tpu.memory_space<hbm>>) dst(%arg9 : memref<80x128xf32, #tpu.memory_space<vmem>>)
      %mul3A_780 = arith.constant 80 : i32
      %mul3A_781 = arith.muli %mul3A_656, %mul3A_780 : i32
      %add3A_782 = arith.addi %mul3A_2, %mul3A_781 : i32
      %dma_start3A_783 = arith.constant 128 : i32
      %dma_start3A_784 = tpu.memref_slice %arg5[%add3A_782, %dma_start3A_783] : memref<51200x1536xf32, #tpu.memory_space<hbm>> -> memref<80x128xf32, #tpu.memory_space<hbm>>
      %dma_start3A_785 = arith.constant 128 : i32
      %dma_start3A_786 = tpu.memref_slice %arg5[%add3A_782, %dma_start3A_785] : memref<51200x1536xf32, #tpu.memory_space<hbm>> -> memref<80x128xf32, #tpu.memory_space<hbm>>
      tpu.enqueue_dma source(%arg9 : memref<80x128xf32, #tpu.memory_space<vmem>>) target(%dma_start3A_786 : memref<80x128xf32, #tpu.memory_space<hbm>>) target_semaphore(%arg19 : memref<!tpu.dma_semaphore, #tpu.memory_space<semaphore_mem>>)
      %sub3A_787 = arith.constant 1 : i32
      %sub3A_788 = arith.subi %mul3A_656, %sub3A_787 : i32
      %mul3A_789 = arith.constant 80 : i32
      %mul3A_790 = arith.muli %sub3A_788, %mul3A_789 : i32
      %add3A_791 = arith.addi %mul3A_2, %mul3A_790 : i32
      %dma_wait3A_792 = arith.constant 896 : i32
      %dma_wait3A_793 = tpu.memref_slice %arg5[%add3A_791, %dma_wait3A_792] : memref<51200x1536xf32, #tpu.memory_space<hbm>> -> memref<80x128xf32, #tpu.memory_space<hbm>>
      %dma_wait3A_794 = arith.constant 896 : i32
      %dma_wait3A_795 = tpu.memref_slice %arg5[%add3A_791, %dma_wait3A_794] : memref<51200x1536xf32, #tpu.memory_space<hbm>> -> memref<80x128xf32, #tpu.memory_space<hbm>>
      tpu.wait_dma2 semaphore(%arg21 : memref<!tpu.dma_semaphore, #tpu.memory_space<semaphore_mem>>) src(%arg11 : memref<80x128xf32, #tpu.memory_space<vmem>>) dst(%dma_wait3A_795 : memref<80x128xf32, #tpu.memory_space<hbm>>)
      %dma_start3A_796 = arith.constant 3 : i32
      %dma_start3A_797 = arith.constant 0 : i32
      %dma_start3A_798 = tpu.memref_slice %arg7[%mul3A_656, %dma_start3A_797] : memref<20x80xi32, #tpu.memory_space<vmem>> -> memref<1x80xi32, #tpu.memory_space<vmem>>
      %dma_start3A_799 = tpu.memref_squeeze %dma_start3A_798 : memref<1x80xi32, #tpu.memory_space<vmem>> -> memref<80xi32, #tpu.memory_space<vmem>>
      %dma_start3A_800 = arith.constant 0 : i32
      %dma_start3A_801 = arith.constant 0 : i32
      %dma_start3A_802 = tpu.memref_slice %arg3[%dma_start3A_796, %dma_start3A_800, %dma_start3A_801] : memref<8x100000x128xf32, #tpu.memory_space<hbm>> -> memref<1x100000x128xf32, #tpu.memory_space<hbm>>
      %dma_start3A_803 = tpu.memref_squeeze %dma_start3A_802 : memref<1x100000x128xf32, #tpu.memory_space<hbm>> -> memref<100000x128xf32, #tpu.memory_space<hbm>>
      %dma_start3A_804 = arith.constant 0 : i32
      %dma_start3A_805 = arith.constant 0 : i32
      %dma_start3A_806 = tpu.memref_slice %dma_start3A_803[%dma_start3A_804, %dma_start3A_805] : memref<100000x128xf32, #tpu.memory_space<hbm>> -> memref<100000x128xf32, #tpu.memory_space<hbm>>
      tpu.enqueue_indirect_dma source(%dma_start3A_806 : memref<100000x128xf32, #tpu.memory_space<hbm>>) target(%arg11 : memref<80x128xf32, #tpu.memory_space<vmem>>) offsets(%dma_start3A_799 : memref<80xi32, #tpu.memory_space<vmem>>) semaphore(%arg17 : memref<!tpu.dma_semaphore, #tpu.memory_space<semaphore_mem>>)
      %dma_wait3A_807 = arith.constant 2 : i32
      %dma_wait3A_808 = arith.constant 0 : i32
      %dma_wait3A_809 = tpu.memref_slice %arg7[%mul3A_656, %dma_wait3A_808] : memref<20x80xi32, #tpu.memory_space<vmem>> -> memref<1x80xi32, #tpu.memory_space<vmem>>
      %dma_wait3A_810 = tpu.memref_squeeze %dma_wait3A_809 : memref<1x80xi32, #tpu.memory_space<vmem>> -> memref<80xi32, #tpu.memory_space<vmem>>
      %dma_wait3A_811 = arith.constant 0 : i32
      %dma_wait3A_812 = arith.constant 0 : i32
      %dma_wait3A_813 = tpu.memref_slice %arg3[%dma_wait3A_807, %dma_wait3A_811, %dma_wait3A_812] : memref<8x100000x128xf32, #tpu.memory_space<hbm>> -> memref<1x100000x128xf32, #tpu.memory_space<hbm>>
      %dma_wait3A_814 = tpu.memref_squeeze %dma_wait3A_813 : memref<1x100000x128xf32, #tpu.memory_space<hbm>> -> memref<100000x128xf32, #tpu.memory_space<hbm>>
      %dma_wait3A_815 = arith.constant 0 : i32
      %dma_wait3A_816 = arith.constant 0 : i32
      %dma_wait3A_817 = tpu.memref_slice %dma_wait3A_814[%dma_wait3A_815, %dma_wait3A_816] : memref<100000x128xf32, #tpu.memory_space<hbm>> -> memref<100000x128xf32, #tpu.memory_space<hbm>>
      tpu.wait_indirect_dma semaphore(%arg16 : memref<!tpu.dma_semaphore, #tpu.memory_space<semaphore_mem>>) src(%dma_wait3A_817 : memref<100000x128xf32, #tpu.memory_space<hbm>>) dst(%arg10 : memref<80x128xf32, #tpu.memory_space<vmem>>)
      %mul3A_818 = arith.constant 80 : i32
      %mul3A_819 = arith.muli %mul3A_656, %mul3A_818 : i32
      %add3A_820 = arith.addi %mul3A_2, %mul3A_819 : i32
      %dma_start3A_821 = arith.constant 256 : i32
      %dma_start3A_822 = tpu.memref_slice %arg5[%add3A_820, %dma_start3A_821] : memref<51200x1536xf32, #tpu.memory_space<hbm>> -> memref<80x128xf32, #tpu.memory_space<hbm>>
      %dma_start3A_823 = arith.constant 256 : i32
      %dma_start3A_824 = tpu.memref_slice %arg5[%add3A_820, %dma_start3A_823] : memref<51200x1536xf32, #tpu.memory_space<hbm>> -> memref<80x128xf32, #tpu.memory_space<hbm>>
      tpu.enqueue_dma source(%arg10 : memref<80x128xf32, #tpu.memory_space<vmem>>) target(%dma_start3A_824 : memref<80x128xf32, #tpu.memory_space<hbm>>) target_semaphore(%arg20 : memref<!tpu.dma_semaphore, #tpu.memory_space<semaphore_mem>>)
      %mul3A_825 = arith.constant 80 : i32
      %mul3A_826 = arith.muli %mul3A_656, %mul3A_825 : i32
      %add3A_827 = arith.addi %mul3A_2, %mul3A_826 : i32
      %dma_wait3A_828 = arith.constant 0 : i32
      %dma_wait3A_829 = tpu.memref_slice %arg5[%add3A_827, %dma_wait3A_828] : memref<51200x1536xf32, #tpu.memory_space<hbm>> -> memref<80x128xf32, #tpu.memory_space<hbm>>
      %dma_wait3A_830 = arith.constant 0 : i32
      %dma_wait3A_831 = tpu.memref_slice %arg5[%add3A_827, %dma_wait3A_830] : memref<51200x1536xf32, #tpu.memory_space<hbm>> -> memref<80x128xf32, #tpu.memory_space<hbm>>
      tpu.wait_dma2 semaphore(%arg18 : memref<!tpu.dma_semaphore, #tpu.memory_space<semaphore_mem>>) src(%arg8 : memref<80x128xf32, #tpu.memory_space<vmem>>) dst(%dma_wait3A_831 : memref<80x128xf32, #tpu.memory_space<hbm>>)
      %dma_start3A_832 = arith.constant 4 : i32
      %dma_start3A_833 = arith.constant 0 : i32
      %dma_start3A_834 = tpu.memref_slice %arg7[%mul3A_656, %dma_start3A_833] : memref<20x80xi32, #tpu.memory_space<vmem>> -> memref<1x80xi32, #tpu.memory_space<vmem>>
      %dma_start3A_835 = tpu.memref_squeeze %dma_start3A_834 : memref<1x80xi32, #tpu.memory_space<vmem>> -> memref<80xi32, #tpu.memory_space<vmem>>
      %dma_start3A_836 = arith.constant 0 : i32
      %dma_start3A_837 = arith.constant 0 : i32
      %dma_start3A_838 = tpu.memref_slice %arg3[%dma_start3A_832, %dma_start3A_836, %dma_start3A_837] : memref<8x100000x128xf32, #tpu.memory_space<hbm>> -> memref<1x100000x128xf32, #tpu.memory_space<hbm>>
      %dma_start3A_839 = tpu.memref_squeeze %dma_start3A_838 : memref<1x100000x128xf32, #tpu.memory_space<hbm>> -> memref<100000x128xf32, #tpu.memory_space<hbm>>
      %dma_start3A_840 = arith.constant 0 : i32
      %dma_start3A_841 = arith.constant 0 : i32
      %dma_start3A_842 = tpu.memref_slice %dma_start3A_839[%dma_start3A_840, %dma_start3A_841] : memref<100000x128xf32, #tpu.memory_space<hbm>> -> memref<100000x128xf32, #tpu.memory_space<hbm>>
      tpu.enqueue_indirect_dma source(%dma_start3A_842 : memref<100000x128xf32, #tpu.memory_space<hbm>>) target(%arg8 : memref<80x128xf32, #tpu.memory_space<vmem>>) offsets(%dma_start3A_835 : memref<80xi32, #tpu.memory_space<vmem>>) semaphore(%arg14 : memref<!tpu.dma_semaphore, #tpu.memory_space<semaphore_mem>>)
      %dma_wait3A_843 = arith.constant 3 : i32
      %dma_wait3A_844 = arith.constant 0 : i32
      %dma_wait3A_845 = tpu.memref_slice %arg7[%mul3A_656, %dma_wait3A_844] : memref<20x80xi32, #tpu.memory_space<vmem>> -> memref<1x80xi32, #tpu.memory_space<vmem>>
      %dma_wait3A_846 = tpu.memref_squeeze %dma_wait3A_845 : memref<1x80xi32, #tpu.memory_space<vmem>> -> memref<80xi32, #tpu.memory_space<vmem>>
      %dma_wait3A_847 = arith.constant 0 : i32
      %dma_wait3A_848 = arith.constant 0 : i32
      %dma_wait3A_849 = tpu.memref_slice %arg3[%dma_wait3A_843, %dma_wait3A_847, %dma_wait3A_848] : memref<8x100000x128xf32, #tpu.memory_space<hbm>> -> memref<1x100000x128xf32, #tpu.memory_space<hbm>>
      %dma_wait3A_850 = tpu.memref_squeeze %dma_wait3A_849 : memref<1x100000x128xf32, #tpu.memory_space<hbm>> -> memref<100000x128xf32, #tpu.memory_space<hbm>>
      %dma_wait3A_851 = arith.constant 0 : i32
      %dma_wait3A_852 = arith.constant 0 : i32
      %dma_wait3A_853 = tpu.memref_slice %dma_wait3A_850[%dma_wait3A_851, %dma_wait3A_852] : memref<100000x128xf32, #tpu.memory_space<hbm>> -> memref<100000x128xf32, #tpu.memory_space<hbm>>
      tpu.wait_indirect_dma semaphore(%arg17 : memref<!tpu.dma_semaphore, #tpu.memory_space<semaphore_mem>>) src(%dma_wait3A_853 : memref<100000x128xf32, #tpu.memory_space<hbm>>) dst(%arg11 : memref<80x128xf32, #tpu.memory_space<vmem>>)
      %mul3A_854 = arith.constant 80 : i32
      %mul3A_855 = arith.muli %mul3A_656, %mul3A_854 : i32
      %add3A_856 = arith.addi %mul3A_2, %mul3A_855 : i32
      %dma_start3A_857 = arith.constant 384 : i32
      %dma_start3A_858 = tpu.memref_slice %arg5[%add3A_856, %dma_start3A_857] : memref<51200x1536xf32, #tpu.memory_space<hbm>> -> memref<80x128xf32, #tpu.memory_space<hbm>>
      %dma_start3A_859 = arith.constant 384 : i32
      %dma_start3A_860 = tpu.memref_slice %arg5[%add3A_856, %dma_start3A_859] : memref<51200x1536xf32, #tpu.memory_space<hbm>> -> memref<80x128xf32, #tpu.memory_space<hbm>>
      tpu.enqueue_dma source(%arg11 : memref<80x128xf32, #tpu.memory_space<vmem>>) target(%dma_start3A_860 : memref<80x128xf32, #tpu.memory_space<hbm>>) target_semaphore(%arg21 : memref<!tpu.dma_semaphore, #tpu.memory_space<semaphore_mem>>)
      %mul3A_861 = arith.constant 80 : i32
      %mul3A_862 = arith.muli %mul3A_656, %mul3A_861 : i32
      %add3A_863 = arith.addi %mul3A_2, %mul3A_862 : i32
      %dma_wait3A_864 = arith.constant 128 : i32
      %dma_wait3A_865 = tpu.memref_slice %arg5[%add3A_863, %dma_wait3A_864] : memref<51200x1536xf32, #tpu.memory_space<hbm>> -> memref<80x128xf32, #tpu.memory_space<hbm>>
      %dma_wait3A_866 = arith.constant 128 : i32
      %dma_wait3A_867 = tpu.memref_slice %arg5[%add3A_863, %dma_wait3A_866] : memref<51200x1536xf32, #tpu.memory_space<hbm>> -> memref<80x128xf32, #tpu.memory_space<hbm>>
      tpu.wait_dma2 semaphore(%arg19 : memref<!tpu.dma_semaphore, #tpu.memory_space<semaphore_mem>>) src(%arg9 : memref<80x128xf32, #tpu.memory_space<vmem>>) dst(%dma_wait3A_867 : memref<80x128xf32, #tpu.memory_space<hbm>>)
      %dma_start3A_868 = arith.constant 5 : i32
      %dma_start3A_869 = arith.constant 0 : i32
      %dma_start3A_870 = tpu.memref_slice %arg7[%mul3A_656, %dma_start3A_869] : memref<20x80xi32, #tpu.memory_space<vmem>> -> memref<1x80xi32, #tpu.memory_space<vmem>>
      %dma_start3A_871 = tpu.memref_squeeze %dma_start3A_870 : memref<1x80xi32, #tpu.memory_space<vmem>> -> memref<80xi32, #tpu.memory_space<vmem>>
      %dma_start3A_872 = arith.constant 0 : i32
      %dma_start3A_873 = arith.constant 0 : i32
      %dma_start3A_874 = tpu.memref_slice %arg3[%dma_start3A_868, %dma_start3A_872, %dma_start3A_873] : memref<8x100000x128xf32, #tpu.memory_space<hbm>> -> memref<1x100000x128xf32, #tpu.memory_space<hbm>>
      %dma_start3A_875 = tpu.memref_squeeze %dma_start3A_874 : memref<1x100000x128xf32, #tpu.memory_space<hbm>> -> memref<100000x128xf32, #tpu.memory_space<hbm>>
      %dma_start3A_876 = arith.constant 0 : i32
      %dma_start3A_877 = arith.constant 0 : i32
      %dma_start3A_878 = tpu.memref_slice %dma_start3A_875[%dma_start3A_876, %dma_start3A_877] : memref<100000x128xf32, #tpu.memory_space<hbm>> -> memref<100000x128xf32, #tpu.memory_space<hbm>>
      tpu.enqueue_indirect_dma source(%dma_start3A_878 : memref<100000x128xf32, #tpu.memory_space<hbm>>) target(%arg9 : memref<80x128xf32, #tpu.memory_space<vmem>>) offsets(%dma_start3A_871 : memref<80xi32, #tpu.memory_space<vmem>>) semaphore(%arg15 : memref<!tpu.dma_semaphore, #tpu.memory_space<semaphore_mem>>)
      %dma_wait3A_879 = arith.constant 4 : i32
      %dma_wait3A_880 = arith.constant 0 : i32
      %dma_wait3A_881 = tpu.memref_slice %arg7[%mul3A_656, %dma_wait3A_880] : memref<20x80xi32, #tpu.memory_space<vmem>> -> memref<1x80xi32, #tpu.memory_space<vmem>>
      %dma_wait3A_882 = tpu.memref_squeeze %dma_wait3A_881 : memref<1x80xi32, #tpu.memory_space<vmem>> -> memref<80xi32, #tpu.memory_space<vmem>>
      %dma_wait3A_883 = arith.constant 0 : i32
      %dma_wait3A_884 = arith.constant 0 : i32
      %dma_wait3A_885 = tpu.memref_slice %arg3[%dma_wait3A_879, %dma_wait3A_883, %dma_wait3A_884] : memref<8x100000x128xf32, #tpu.memory_space<hbm>> -> memref<1x100000x128xf32, #tpu.memory_space<hbm>>
      %dma_wait3A_886 = tpu.memref_squeeze %dma_wait3A_885 : memref<1x100000x128xf32, #tpu.memory_space<hbm>> -> memref<100000x128xf32, #tpu.memory_space<hbm>>
      %dma_wait3A_887 = arith.constant 0 : i32
      %dma_wait3A_888 = arith.constant 0 : i32
      %dma_wait3A_889 = tpu.memref_slice %dma_wait3A_886[%dma_wait3A_887, %dma_wait3A_888] : memref<100000x128xf32, #tpu.memory_space<hbm>> -> memref<100000x128xf32, #tpu.memory_space<hbm>>
      tpu.wait_indirect_dma semaphore(%arg14 : memref<!tpu.dma_semaphore, #tpu.memory_space<semaphore_mem>>) src(%dma_wait3A_889 : memref<100000x128xf32, #tpu.memory_space<hbm>>) dst(%arg8 : memref<80x128xf32, #tpu.memory_space<vmem>>)
      %mul3A_890 = arith.constant 80 : i32
      %mul3A_891 = arith.muli %mul3A_656, %mul3A_890 : i32
      %add3A_892 = arith.addi %mul3A_2, %mul3A_891 : i32
      %dma_start3A_893 = arith.constant 512 : i32
      %dma_start3A_894 = tpu.memref_slice %arg5[%add3A_892, %dma_start3A_893] : memref<51200x1536xf32, #tpu.memory_space<hbm>> -> memref<80x128xf32, #tpu.memory_space<hbm>>
      %dma_start3A_895 = arith.constant 512 : i32
      %dma_start3A_896 = tpu.memref_slice %arg5[%add3A_892, %dma_start3A_895] : memref<51200x1536xf32, #tpu.memory_space<hbm>> -> memref<80x128xf32, #tpu.memory_space<hbm>>
      tpu.enqueue_dma source(%arg8 : memref<80x128xf32, #tpu.memory_space<vmem>>) target(%dma_start3A_896 : memref<80x128xf32, #tpu.memory_space<hbm>>) target_semaphore(%arg18 : memref<!tpu.dma_semaphore, #tpu.memory_space<semaphore_mem>>)
      %mul3A_897 = arith.constant 80 : i32
      %mul3A_898 = arith.muli %mul3A_656, %mul3A_897 : i32
      %add3A_899 = arith.addi %mul3A_2, %mul3A_898 : i32
      %dma_wait3A_900 = arith.constant 256 : i32
      %dma_wait3A_901 = tpu.memref_slice %arg5[%add3A_899, %dma_wait3A_900] : memref<51200x1536xf32, #tpu.memory_space<hbm>> -> memref<80x128xf32, #tpu.memory_space<hbm>>
      %dma_wait3A_902 = arith.constant 256 : i32
      %dma_wait3A_903 = tpu.memref_slice %arg5[%add3A_899, %dma_wait3A_902] : memref<51200x1536xf32, #tpu.memory_space<hbm>> -> memref<80x128xf32, #tpu.memory_space<hbm>>
      tpu.wait_dma2 semaphore(%arg20 : memref<!tpu.dma_semaphore, #tpu.memory_space<semaphore_mem>>) src(%arg10 : memref<80x128xf32, #tpu.memory_space<vmem>>) dst(%dma_wait3A_903 : memref<80x128xf32, #tpu.memory_space<hbm>>)
      %dma_start3A_904 = arith.constant 6 : i32
      %dma_start3A_905 = arith.constant 0 : i32
      %dma_start3A_906 = tpu.memref_slice %arg7[%mul3A_656, %dma_start3A_905] : memref<20x80xi32, #tpu.memory_space<vmem>> -> memref<1x80xi32, #tpu.memory_space<vmem>>
      %dma_start3A_907 = tpu.memref_squeeze %dma_start3A_906 : memref<1x80xi32, #tpu.memory_space<vmem>> -> memref<80xi32, #tpu.memory_space<vmem>>
      %dma_start3A_908 = arith.constant 0 : i32
      %dma_start3A_909 = arith.constant 0 : i32
      %dma_start3A_910 = tpu.memref_slice %arg3[%dma_start3A_904, %dma_start3A_908, %dma_start3A_909] : memref<8x100000x128xf32, #tpu.memory_space<hbm>> -> memref<1x100000x128xf32, #tpu.memory_space<hbm>>
      %dma_start3A_911 = tpu.memref_squeeze %dma_start3A_910 : memref<1x100000x128xf32, #tpu.memory_space<hbm>> -> memref<100000x128xf32, #tpu.memory_space<hbm>>
      %dma_start3A_912 = arith.constant 0 : i32
      %dma_start3A_913 = arith.constant 0 : i32
      %dma_start3A_914 = tpu.memref_slice %dma_start3A_911[%dma_start3A_912, %dma_start3A_913] : memref<100000x128xf32, #tpu.memory_space<hbm>> -> memref<100000x128xf32, #tpu.memory_space<hbm>>
      tpu.enqueue_indirect_dma source(%dma_start3A_914 : memref<100000x128xf32, #tpu.memory_space<hbm>>) target(%arg10 : memref<80x128xf32, #tpu.memory_space<vmem>>) offsets(%dma_start3A_907 : memref<80xi32, #tpu.memory_space<vmem>>) semaphore(%arg16 : memref<!tpu.dma_semaphore, #tpu.memory_space<semaphore_mem>>)
      %dma_wait3A_915 = arith.constant 5 : i32
      %dma_wait3A_916 = arith.constant 0 : i32
      %dma_wait3A_917 = tpu.memref_slice %arg7[%mul3A_656, %dma_wait3A_916] : memref<20x80xi32, #tpu.memory_space<vmem>> -> memref<1x80xi32, #tpu.memory_space<vmem>>
      %dma_wait3A_918 = tpu.memref_squeeze %dma_wait3A_917 : memref<1x80xi32, #tpu.memory_space<vmem>> -> memref<80xi32, #tpu.memory_space<vmem>>
      %dma_wait3A_919 = arith.constant 0 : i32
      %dma_wait3A_920 = arith.constant 0 : i32
      %dma_wait3A_921 = tpu.memref_slice %arg3[%dma_wait3A_915, %dma_wait3A_919, %dma_wait3A_920] : memref<8x100000x128xf32, #tpu.memory_space<hbm>> -> memref<1x100000x128xf32, #tpu.memory_space<hbm>>
      %dma_wait3A_922 = tpu.memref_squeeze %dma_wait3A_921 : memref<1x100000x128xf32, #tpu.memory_space<hbm>> -> memref<100000x128xf32, #tpu.memory_space<hbm>>
      %dma_wait3A_923 = arith.constant 0 : i32
      %dma_wait3A_924 = arith.constant 0 : i32
      %dma_wait3A_925 = tpu.memref_slice %dma_wait3A_922[%dma_wait3A_923, %dma_wait3A_924] : memref<100000x128xf32, #tpu.memory_space<hbm>> -> memref<100000x128xf32, #tpu.memory_space<hbm>>
      tpu.wait_indirect_dma semaphore(%arg15 : memref<!tpu.dma_semaphore, #tpu.memory_space<semaphore_mem>>) src(%dma_wait3A_925 : memref<100000x128xf32, #tpu.memory_space<hbm>>) dst(%arg9 : memref<80x128xf32, #tpu.memory_space<vmem>>)
      %mul3A_926 = arith.constant 80 : i32
      %mul3A_927 = arith.muli %mul3A_656, %mul3A_926 : i32
      %add3A_928 = arith.addi %mul3A_2, %mul3A_927 : i32
      %dma_start3A_929 = arith.constant 640 : i32
      %dma_start3A_930 = tpu.memref_slice %arg5[%add3A_928, %dma_start3A_929] : memref<51200x1536xf32, #tpu.memory_space<hbm>> -> memref<80x128xf32, #tpu.memory_space<hbm>>
      %dma_start3A_931 = arith.constant 640 : i32
      %dma_start3A_932 = tpu.memref_slice %arg5[%add3A_928, %dma_start3A_931] : memref<51200x1536xf32, #tpu.memory_space<hbm>> -> memref<80x128xf32, #tpu.memory_space<hbm>>
      tpu.enqueue_dma source(%arg9 : memref<80x128xf32, #tpu.memory_space<vmem>>) target(%dma_start3A_932 : memref<80x128xf32, #tpu.memory_space<hbm>>) target_semaphore(%arg19 : memref<!tpu.dma_semaphore, #tpu.memory_space<semaphore_mem>>)
      %mul3A_933 = arith.constant 80 : i32
      %mul3A_934 = arith.muli %mul3A_656, %mul3A_933 : i32
      %add3A_935 = arith.addi %mul3A_2, %mul3A_934 : i32
      %dma_wait3A_936 = arith.constant 384 : i32
      %dma_wait3A_937 = tpu.memref_slice %arg5[%add3A_935, %dma_wait3A_936] : memref<51200x1536xf32, #tpu.memory_space<hbm>> -> memref<80x128xf32, #tpu.memory_space<hbm>>
      %dma_wait3A_938 = arith.constant 384 : i32
      %dma_wait3A_939 = tpu.memref_slice %arg5[%add3A_935, %dma_wait3A_938] : memref<51200x1536xf32, #tpu.memory_space<hbm>> -> memref<80x128xf32, #tpu.memory_space<hbm>>
      tpu.wait_dma2 semaphore(%arg21 : memref<!tpu.dma_semaphore, #tpu.memory_space<semaphore_mem>>) src(%arg11 : memref<80x128xf32, #tpu.memory_space<vmem>>) dst(%dma_wait3A_939 : memref<80x128xf32, #tpu.memory_space<hbm>>)
      %dma_start3A_940 = arith.constant 7 : i32
      %dma_start3A_941 = arith.constant 0 : i32
      %dma_start3A_942 = tpu.memref_slice %arg7[%mul3A_656, %dma_start3A_941] : memref<20x80xi32, #tpu.memory_space<vmem>> -> memref<1x80xi32, #tpu.memory_space<vmem>>
      %dma_start3A_943 = tpu.memref_squeeze %dma_start3A_942 : memref<1x80xi32, #tpu.memory_space<vmem>> -> memref<80xi32, #tpu.memory_space<vmem>>
      %dma_start3A_944 = arith.constant 0 : i32
      %dma_start3A_945 = arith.constant 0 : i32
      %dma_start3A_946 = tpu.memref_slice %arg3[%dma_start3A_940, %dma_start3A_944, %dma_start3A_945] : memref<8x100000x128xf32, #tpu.memory_space<hbm>> -> memref<1x100000x128xf32, #tpu.memory_space<hbm>>
      %dma_start3A_947 = tpu.memref_squeeze %dma_start3A_946 : memref<1x100000x128xf32, #tpu.memory_space<hbm>> -> memref<100000x128xf32, #tpu.memory_space<hbm>>
      %dma_start3A_948 = arith.constant 0 : i32
      %dma_start3A_949 = arith.constant 0 : i32
      %dma_start3A_950 = tpu.memref_slice %dma_start3A_947[%dma_start3A_948, %dma_start3A_949] : memref<100000x128xf32, #tpu.memory_space<hbm>> -> memref<100000x128xf32, #tpu.memory_space<hbm>>
      tpu.enqueue_indirect_dma source(%dma_start3A_950 : memref<100000x128xf32, #tpu.memory_space<hbm>>) target(%arg11 : memref<80x128xf32, #tpu.memory_space<vmem>>) offsets(%dma_start3A_943 : memref<80xi32, #tpu.memory_space<vmem>>) semaphore(%arg17 : memref<!tpu.dma_semaphore, #tpu.memory_space<semaphore_mem>>)
      %dma_wait3A_951 = arith.constant 6 : i32
      %dma_wait3A_952 = arith.constant 0 : i32
      %dma_wait3A_953 = tpu.memref_slice %arg7[%mul3A_656, %dma_wait3A_952] : memref<20x80xi32, #tpu.memory_space<vmem>> -> memref<1x80xi32, #tpu.memory_space<vmem>>
      %dma_wait3A_954 = tpu.memref_squeeze %dma_wait3A_953 : memref<1x80xi32, #tpu.memory_space<vmem>> -> memref<80xi32, #tpu.memory_space<vmem>>
      %dma_wait3A_955 = arith.constant 0 : i32
      %dma_wait3A_956 = arith.constant 0 : i32
      %dma_wait3A_957 = tpu.memref_slice %arg3[%dma_wait3A_951, %dma_wait3A_955, %dma_wait3A_956] : memref<8x100000x128xf32, #tpu.memory_space<hbm>> -> memref<1x100000x128xf32, #tpu.memory_space<hbm>>
      %dma_wait3A_958 = tpu.memref_squeeze %dma_wait3A_957 : memref<1x100000x128xf32, #tpu.memory_space<hbm>> -> memref<100000x128xf32, #tpu.memory_space<hbm>>
      %dma_wait3A_959 = arith.constant 0 : i32
      %dma_wait3A_960 = arith.constant 0 : i32
      %dma_wait3A_961 = tpu.memref_slice %dma_wait3A_958[%dma_wait3A_959, %dma_wait3A_960] : memref<100000x128xf32, #tpu.memory_space<hbm>> -> memref<100000x128xf32, #tpu.memory_space<hbm>>
      tpu.wait_indirect_dma semaphore(%arg16 : memref<!tpu.dma_semaphore, #tpu.memory_space<semaphore_mem>>) src(%dma_wait3A_961 : memref<100000x128xf32, #tpu.memory_space<hbm>>) dst(%arg10 : memref<80x128xf32, #tpu.memory_space<vmem>>)
      %mul3A_962 = arith.constant 80 : i32
      %mul3A_963 = arith.muli %mul3A_656, %mul3A_962 : i32
      %add3A_964 = arith.addi %mul3A_2, %mul3A_963 : i32
      %dma_start3A_965 = arith.constant 768 : i32
      %dma_start3A_966 = tpu.memref_slice %arg5[%add3A_964, %dma_start3A_965] : memref<51200x1536xf32, #tpu.memory_space<hbm>> -> memref<80x128xf32, #tpu.memory_space<hbm>>
      %dma_start3A_967 = arith.constant 768 : i32
      %dma_start3A_968 = tpu.memref_slice %arg5[%add3A_964, %dma_start3A_967] : memref<51200x1536xf32, #tpu.memory_space<hbm>> -> memref<80x128xf32, #tpu.memory_space<hbm>>
      tpu.enqueue_dma source(%arg10 : memref<80x128xf32, #tpu.memory_space<vmem>>) target(%dma_start3A_968 : memref<80x128xf32, #tpu.memory_space<hbm>>) target_semaphore(%arg20 : memref<!tpu.dma_semaphore, #tpu.memory_space<semaphore_mem>>)
      %mul3A_969 = arith.constant 80 : i32
      %mul3A_970 = arith.muli %mul3A_656, %mul3A_969 : i32
      %add3A_971 = arith.addi %mul3A_2, %mul3A_970 : i32
      %dma_wait3A_972 = arith.constant 1024 : i32
      %dma_wait3A_973 = tpu.memref_slice %arg5[%add3A_971, %dma_wait3A_972] : memref<51200x1536xf32, #tpu.memory_space<hbm>> -> memref<80x512xf32, #tpu.memory_space<hbm>>
      %dma_wait3A_974 = arith.constant 1024 : i32
      %dma_wait3A_975 = tpu.memref_slice %arg5[%add3A_971, %dma_wait3A_974] : memref<51200x1536xf32, #tpu.memory_space<hbm>> -> memref<80x512xf32, #tpu.memory_space<hbm>>
      tpu.wait_dma2 semaphore(%arg24 : memref<!tpu.dma_semaphore, #tpu.memory_space<semaphore_mem>>) src(%arg12 : memref<80x512xf32, #tpu.memory_space<vmem>>) dst(%dma_wait3A_975 : memref<80x512xf32, #tpu.memory_space<hbm>>)
      %lt3A = arith.constant 9 : i32
      %lt3A_976 = arith.cmpi slt, %scan3A_654, %lt3A : i32
      %convert_element_type3A = arith.extui %lt3A_976 : i1 to i32
      %cond3A = arith.constant 0 : i32
      %cond3A_977 = arith.cmpi ne, %convert_element_type3A, %cond3A : i32
      scf.if %cond3A_977 {
        %add3A_1307 = arith.constant 2 : i32
        %add3A_1308 = arith.addi %mul3A_656, %add3A_1307 : i32
        %dma_start3A_1309 = arith.constant 0 : i32
        %dma_start3A_1310 = tpu.memref_slice %arg7[%add3A_1308, %dma_start3A_1309] : memref<20x80xi32, #tpu.memory_space<vmem>> -> memref<1x80xi32, #tpu.memory_space<vmem>>
        %dma_start3A_1311 = tpu.memref_squeeze %dma_start3A_1310 : memref<1x80xi32, #tpu.memory_space<vmem>> -> memref<80xi32, #tpu.memory_space<vmem>>
        %dma_start3A_1312 = arith.constant 0 : i32
        %dma_start3A_1313 = arith.constant 0 : i32
        %dma_start3A_1314 = tpu.memref_slice %arg4[%dma_start3A_1312, %dma_start3A_1313] : memref<100000x512xf32, #tpu.memory_space<hbm>> -> memref<100000x512xf32, #tpu.memory_space<hbm>>
        tpu.enqueue_indirect_dma source(%dma_start3A_1314 : memref<100000x512xf32, #tpu.memory_space<hbm>>) target(%arg12 : memref<80x512xf32, #tpu.memory_space<vmem>>) offsets(%dma_start3A_1311 : memref<80xi32, #tpu.memory_space<vmem>>) semaphore(%arg22 : memref<!tpu.dma_semaphore, #tpu.memory_space<semaphore_mem>>)
      } else {
      }
      %mul3A_978 = arith.constant 2 : i32
      %mul3A_979 = arith.muli %mul3A_978, %scan3A_654 : i32
      %add3A_980 = arith.constant 1 : i32
      %add3A_981 = arith.addi %mul3A_979, %add3A_980 : i32
      %dma_wait3A_982 = arith.constant 0 : i32
      %dma_wait3A_983 = tpu.memref_slice %arg7[%add3A_981, %dma_wait3A_982] : memref<20x80xi32, #tpu.memory_space<vmem>> -> memref<1x80xi32, #tpu.memory_space<vmem>>
      %dma_wait3A_984 = tpu.memref_squeeze %dma_wait3A_983 : memref<1x80xi32, #tpu.memory_space<vmem>> -> memref<80xi32, #tpu.memory_space<vmem>>
      %dma_wait3A_985 = arith.constant 0 : i32
      %dma_wait3A_986 = arith.constant 0 : i32
      %dma_wait3A_987 = tpu.memref_slice %arg4[%dma_wait3A_985, %dma_wait3A_986] : memref<100000x512xf32, #tpu.memory_space<hbm>> -> memref<100000x512xf32, #tpu.memory_space<hbm>>
      tpu.wait_indirect_dma semaphore(%arg23 : memref<!tpu.dma_semaphore, #tpu.memory_space<semaphore_mem>>) src(%dma_wait3A_987 : memref<100000x512xf32, #tpu.memory_space<hbm>>) dst(%arg13 : memref<80x512xf32, #tpu.memory_space<vmem>>)
      %mul3A_988 = arith.constant 80 : i32
      %mul3A_989 = arith.muli %add3A_981, %mul3A_988 : i32
      %add3A_990 = arith.addi %mul3A_2, %mul3A_989 : i32
      %dma_start3A_991 = arith.constant 1024 : i32
      %dma_start3A_992 = tpu.memref_slice %arg5[%add3A_990, %dma_start3A_991] : memref<51200x1536xf32, #tpu.memory_space<hbm>> -> memref<80x512xf32, #tpu.memory_space<hbm>>
      %dma_start3A_993 = arith.constant 1024 : i32
      %dma_start3A_994 = tpu.memref_slice %arg5[%add3A_990, %dma_start3A_993] : memref<51200x1536xf32, #tpu.memory_space<hbm>> -> memref<80x512xf32, #tpu.memory_space<hbm>>
      tpu.enqueue_dma source(%arg13 : memref<80x512xf32, #tpu.memory_space<vmem>>) target(%dma_start3A_994 : memref<80x512xf32, #tpu.memory_space<hbm>>) target_semaphore(%arg25 : memref<!tpu.dma_semaphore, #tpu.memory_space<semaphore_mem>>)
      %sub3A_995 = arith.constant 1 : i32
      %sub3A_996 = arith.subi %add3A_981, %sub3A_995 : i32
      %mul3A_997 = arith.constant 80 : i32
      %mul3A_998 = arith.muli %sub3A_996, %mul3A_997 : i32
      %add3A_999 = arith.addi %mul3A_2, %mul3A_998 : i32
      %dma_wait3A_1000 = arith.constant 512 : i32
      %dma_wait3A_1001 = tpu.memref_slice %arg5[%add3A_999, %dma_wait3A_1000] : memref<51200x1536xf32, #tpu.memory_space<hbm>> -> memref<80x128xf32, #tpu.memory_space<hbm>>
      %dma_wait3A_1002 = arith.constant 512 : i32
      %dma_wait3A_1003 = tpu.memref_slice %arg5[%add3A_999, %dma_wait3A_1002] : memref<51200x1536xf32, #tpu.memory_space<hbm>> -> memref<80x128xf32, #tpu.memory_space<hbm>>
      tpu.wait_dma2 semaphore(%arg18 : memref<!tpu.dma_semaphore, #tpu.memory_space<semaphore_mem>>) src(%arg8 : memref<80x128xf32, #tpu.memory_space<vmem>>) dst(%dma_wait3A_1003 : memref<80x128xf32, #tpu.memory_space<hbm>>)
      %dma_start3A_1004 = arith.constant 0 : i32
      %dma_start3A_1005 = arith.constant 0 : i32
      %dma_start3A_1006 = tpu.memref_slice %arg7[%add3A_981, %dma_start3A_1005] : memref<20x80xi32, #tpu.memory_space<vmem>> -> memref<1x80xi32, #tpu.memory_space<vmem>>
      %dma_start3A_1007 = tpu.memref_squeeze %dma_start3A_1006 : memref<1x80xi32, #tpu.memory_space<vmem>> -> memref<80xi32, #tpu.memory_space<vmem>>
      %dma_start3A_1008 = arith.constant 0 : i32
      %dma_start3A_1009 = arith.constant 0 : i32
      %dma_start3A_1010 = tpu.memref_slice %arg3[%dma_start3A_1004, %dma_start3A_1008, %dma_start3A_1009] : memref<8x100000x128xf32, #tpu.memory_space<hbm>> -> memref<1x100000x128xf32, #tpu.memory_space<hbm>>
      %dma_start3A_1011 = tpu.memref_squeeze %dma_start3A_1010 : memref<1x100000x128xf32, #tpu.memory_space<hbm>> -> memref<100000x128xf32, #tpu.memory_space<hbm>>
      %dma_start3A_1012 = arith.constant 0 : i32
      %dma_start3A_1013 = arith.constant 0 : i32
      %dma_start3A_1014 = tpu.memref_slice %dma_start3A_1011[%dma_start3A_1012, %dma_start3A_1013] : memref<100000x128xf32, #tpu.memory_space<hbm>> -> memref<100000x128xf32, #tpu.memory_space<hbm>>
      tpu.enqueue_indirect_dma source(%dma_start3A_1014 : memref<100000x128xf32, #tpu.memory_space<hbm>>) target(%arg8 : memref<80x128xf32, #tpu.memory_space<vmem>>) offsets(%dma_start3A_1007 : memref<80xi32, #tpu.memory_space<vmem>>) semaphore(%arg14 : memref<!tpu.dma_semaphore, #tpu.memory_space<semaphore_mem>>)
      %sub3A_1015 = arith.constant 1 : i32
      %sub3A_1016 = arith.subi %add3A_981, %sub3A_1015 : i32
      %dma_wait3A_1017 = arith.constant 7 : i32
      %dma_wait3A_1018 = arith.constant 0 : i32
      %dma_wait3A_1019 = tpu.memref_slice %arg7[%sub3A_1016, %dma_wait3A_1018] : memref<20x80xi32, #tpu.memory_space<vmem>> -> memref<1x80xi32, #tpu.memory_space<vmem>>
      %dma_wait3A_1020 = tpu.memref_squeeze %dma_wait3A_1019 : memref<1x80xi32, #tpu.memory_space<vmem>> -> memref<80xi32, #tpu.memory_space<vmem>>
      %dma_wait3A_1021 = arith.constant 0 : i32
      %dma_wait3A_1022 = arith.constant 0 : i32
      %dma_wait3A_1023 = tpu.memref_slice %arg3[%dma_wait3A_1017, %dma_wait3A_1021, %dma_wait3A_1022] : memref<8x100000x128xf32, #tpu.memory_space<hbm>> -> memref<1x100000x128xf32, #tpu.memory_space<hbm>>
      %dma_wait3A_1024 = tpu.memref_squeeze %dma_wait3A_1023 : memref<1x100000x128xf32, #tpu.memory_space<hbm>> -> memref<100000x128xf32, #tpu.memory_space<hbm>>
      %dma_wait3A_1025 = arith.constant 0 : i32
      %dma_wait3A_1026 = arith.constant 0 : i32
      %dma_wait3A_1027 = tpu.memref_slice %dma_wait3A_1024[%dma_wait3A_1025, %dma_wait3A_1026] : memref<100000x128xf32, #tpu.memory_space<hbm>> -> memref<100000x128xf32, #tpu.memory_space<hbm>>
      tpu.wait_indirect_dma semaphore(%arg17 : memref<!tpu.dma_semaphore, #tpu.memory_space<semaphore_mem>>) src(%dma_wait3A_1027 : memref<100000x128xf32, #tpu.memory_space<hbm>>) dst(%arg11 : memref<80x128xf32, #tpu.memory_space<vmem>>)
      %sub3A_1028 = arith.constant 1 : i32
      %sub3A_1029 = arith.subi %add3A_981, %sub3A_1028 : i32
      %mul3A_1030 = arith.constant 80 : i32
      %mul3A_1031 = arith.muli %sub3A_1029, %mul3A_1030 : i32
      %add3A_1032 = arith.addi %mul3A_2, %mul3A_1031 : i32
      %dma_start3A_1033 = arith.constant 896 : i32
      %dma_start3A_1034 = tpu.memref_slice %arg5[%add3A_1032, %dma_start3A_1033] : memref<51200x1536xf32, #tpu.memory_space<hbm>> -> memref<80x128xf32, #tpu.memory_space<hbm>>
      %dma_start3A_1035 = arith.constant 896 : i32
      %dma_start3A_1036 = tpu.memref_slice %arg5[%add3A_1032, %dma_start3A_1035] : memref<51200x1536xf32, #tpu.memory_space<hbm>> -> memref<80x128xf32, #tpu.memory_space<hbm>>
      tpu.enqueue_dma source(%arg11 : memref<80x128xf32, #tpu.memory_space<vmem>>) target(%dma_start3A_1036 : memref<80x128xf32, #tpu.memory_space<hbm>>) target_semaphore(%arg21 : memref<!tpu.dma_semaphore, #tpu.memory_space<semaphore_mem>>)
      %sub3A_1037 = arith.constant 1 : i32
      %sub3A_1038 = arith.subi %add3A_981, %sub3A_1037 : i32
      %mul3A_1039 = arith.constant 80 : i32
      %mul3A_1040 = arith.muli %sub3A_1038, %mul3A_1039 : i32
      %add3A_1041 = arith.addi %mul3A_2, %mul3A_1040 : i32
      %dma_wait3A_1042 = arith.constant 640 : i32
      %dma_wait3A_1043 = tpu.memref_slice %arg5[%add3A_1041, %dma_wait3A_1042] : memref<51200x1536xf32, #tpu.memory_space<hbm>> -> memref<80x128xf32, #tpu.memory_space<hbm>>
      %dma_wait3A_1044 = arith.constant 640 : i32
      %dma_wait3A_1045 = tpu.memref_slice %arg5[%add3A_1041, %dma_wait3A_1044] : memref<51200x1536xf32, #tpu.memory_space<hbm>> -> memref<80x128xf32, #tpu.memory_space<hbm>>
      tpu.wait_dma2 semaphore(%arg19 : memref<!tpu.dma_semaphore, #tpu.memory_space<semaphore_mem>>) src(%arg9 : memref<80x128xf32, #tpu.memory_space<vmem>>) dst(%dma_wait3A_1045 : memref<80x128xf32, #tpu.memory_space<hbm>>)
      %dma_start3A_1046 = arith.constant 1 : i32
      %dma_start3A_1047 = arith.constant 0 : i32
      %dma_start3A_1048 = tpu.memref_slice %arg7[%add3A_981, %dma_start3A_1047] : memref<20x80xi32, #tpu.memory_space<vmem>> -> memref<1x80xi32, #tpu.memory_space<vmem>>
      %dma_start3A_1049 = tpu.memref_squeeze %dma_start3A_1048 : memref<1x80xi32, #tpu.memory_space<vmem>> -> memref<80xi32, #tpu.memory_space<vmem>>
      %dma_start3A_1050 = arith.constant 0 : i32
      %dma_start3A_1051 = arith.constant 0 : i32
      %dma_start3A_1052 = tpu.memref_slice %arg3[%dma_start3A_1046, %dma_start3A_1050, %dma_start3A_1051] : memref<8x100000x128xf32, #tpu.memory_space<hbm>> -> memref<1x100000x128xf32, #tpu.memory_space<hbm>>
      %dma_start3A_1053 = tpu.memref_squeeze %dma_start3A_1052 : memref<1x100000x128xf32, #tpu.memory_space<hbm>> -> memref<100000x128xf32, #tpu.memory_space<hbm>>
      %dma_start3A_1054 = arith.constant 0 : i32
      %dma_start3A_1055 = arith.constant 0 : i32
      %dma_start3A_1056 = tpu.memref_slice %dma_start3A_1053[%dma_start3A_1054, %dma_start3A_1055] : memref<100000x128xf32, #tpu.memory_space<hbm>> -> memref<100000x128xf32, #tpu.memory_space<hbm>>
      tpu.enqueue_indirect_dma source(%dma_start3A_1056 : memref<100000x128xf32, #tpu.memory_space<hbm>>) target(%arg9 : memref<80x128xf32, #tpu.memory_space<vmem>>) offsets(%dma_start3A_1049 : memref<80xi32, #tpu.memory_space<vmem>>) semaphore(%arg15 : memref<!tpu.dma_semaphore, #tpu.memory_space<semaphore_mem>>)
      %dma_wait3A_1057 = arith.constant 0 : i32
      %dma_wait3A_1058 = arith.constant 0 : i32
      %dma_wait3A_1059 = tpu.memref_slice %arg7[%add3A_981, %dma_wait3A_1058] : memref<20x80xi32, #tpu.memory_space<vmem>> -> memref<1x80xi32, #tpu.memory_space<vmem>>
      %dma_wait3A_1060 = tpu.memref_squeeze %dma_wait3A_1059 : memref<1x80xi32, #tpu.memory_space<vmem>> -> memref<80xi32, #tpu.memory_space<vmem>>
      %dma_wait3A_1061 = arith.constant 0 : i32
      %dma_wait3A_1062 = arith.constant 0 : i32
      %dma_wait3A_1063 = tpu.memref_slice %arg3[%dma_wait3A_1057, %dma_wait3A_1061, %dma_wait3A_1062] : memref<8x100000x128xf32, #tpu.memory_space<hbm>> -> memref<1x100000x128xf32, #tpu.memory_space<hbm>>
      %dma_wait3A_1064 = tpu.memref_squeeze %dma_wait3A_1063 : memref<1x100000x128xf32, #tpu.memory_space<hbm>> -> memref<100000x128xf32, #tpu.memory_space<hbm>>
      %dma_wait3A_1065 = arith.constant 0 : i32
      %dma_wait3A_1066 = arith.constant 0 : i32
      %dma_wait3A_1067 = tpu.memref_slice %dma_wait3A_1064[%dma_wait3A_1065, %dma_wait3A_1066] : memref<100000x128xf32, #tpu.memory_space<hbm>> -> memref<100000x128xf32, #tpu.memory_space<hbm>>
      tpu.wait_indirect_dma semaphore(%arg14 : memref<!tpu.dma_semaphore, #tpu.memory_space<semaphore_mem>>) src(%dma_wait3A_1067 : memref<100000x128xf32, #tpu.memory_space<hbm>>) dst(%arg8 : memref<80x128xf32, #tpu.memory_space<vmem>>)
      %mul3A_1068 = arith.constant 80 : i32
      %mul3A_1069 = arith.muli %add3A_981, %mul3A_1068 : i32
      %add3A_1070 = arith.addi %mul3A_2, %mul3A_1069 : i32
      %dma_start3A_1071 = arith.constant 0 : i32
      %dma_start3A_1072 = tpu.memref_slice %arg5[%add3A_1070, %dma_start3A_1071] : memref<51200x1536xf32, #tpu.memory_space<hbm>> -> memref<80x128xf32, #tpu.memory_space<hbm>>
      %dma_start3A_1073 = arith.constant 0 : i32
      %dma_start3A_1074 = tpu.memref_slice %arg5[%add3A_1070, %dma_start3A_1073] : memref<51200x1536xf32, #tpu.memory_space<hbm>> -> memref<80x128xf32, #tpu.memory_space<hbm>>
      tpu.enqueue_dma source(%arg8 : memref<80x128xf32, #tpu.memory_space<vmem>>) target(%dma_start3A_1074 : memref<80x128xf32, #tpu.memory_space<hbm>>) target_semaphore(%arg18 : memref<!tpu.dma_semaphore, #tpu.memory_space<semaphore_mem>>)
      %sub3A_1075 = arith.constant 1 : i32
      %sub3A_1076 = arith.subi %add3A_981, %sub3A_1075 : i32
      %mul3A_1077 = arith.constant 80 : i32
      %mul3A_1078 = arith.muli %sub3A_1076, %mul3A_1077 : i32
      %add3A_1079 = arith.addi %mul3A_2, %mul3A_1078 : i32
      %dma_wait3A_1080 = arith.constant 768 : i32
      %dma_wait3A_1081 = tpu.memref_slice %arg5[%add3A_1079, %dma_wait3A_1080] : memref<51200x1536xf32, #tpu.memory_space<hbm>> -> memref<80x128xf32, #tpu.memory_space<hbm>>
      %dma_wait3A_1082 = arith.constant 768 : i32
      %dma_wait3A_1083 = tpu.memref_slice %arg5[%add3A_1079, %dma_wait3A_1082] : memref<51200x1536xf32, #tpu.memory_space<hbm>> -> memref<80x128xf32, #tpu.memory_space<hbm>>
      tpu.wait_dma2 semaphore(%arg20 : memref<!tpu.dma_semaphore, #tpu.memory_space<semaphore_mem>>) src(%arg10 : memref<80x128xf32, #tpu.memory_space<vmem>>) dst(%dma_wait3A_1083 : memref<80x128xf32, #tpu.memory_space<hbm>>)
      %dma_start3A_1084 = arith.constant 2 : i32
      %dma_start3A_1085 = arith.constant 0 : i32
      %dma_start3A_1086 = tpu.memref_slice %arg7[%add3A_981, %dma_start3A_1085] : memref<20x80xi32, #tpu.memory_space<vmem>> -> memref<1x80xi32, #tpu.memory_space<vmem>>
      %dma_start3A_1087 = tpu.memref_squeeze %dma_start3A_1086 : memref<1x80xi32, #tpu.memory_space<vmem>> -> memref<80xi32, #tpu.memory_space<vmem>>
      %dma_start3A_1088 = arith.constant 0 : i32
      %dma_start3A_1089 = arith.constant 0 : i32
      %dma_start3A_1090 = tpu.memref_slice %arg3[%dma_start3A_1084, %dma_start3A_1088, %dma_start3A_1089] : memref<8x100000x128xf32, #tpu.memory_space<hbm>> -> memref<1x100000x128xf32, #tpu.memory_space<hbm>>
      %dma_start3A_1091 = tpu.memref_squeeze %dma_start3A_1090 : memref<1x100000x128xf32, #tpu.memory_space<hbm>> -> memref<100000x128xf32, #tpu.memory_space<hbm>>
      %dma_start3A_1092 = arith.constant 0 : i32
      %dma_start3A_1093 = arith.constant 0 : i32
      %dma_start3A_1094 = tpu.memref_slice %dma_start3A_1091[%dma_start3A_1092, %dma_start3A_1093] : memref<100000x128xf32, #tpu.memory_space<hbm>> -> memref<100000x128xf32, #tpu.memory_space<hbm>>
      tpu.enqueue_indirect_dma source(%dma_start3A_1094 : memref<100000x128xf32, #tpu.memory_space<hbm>>) target(%arg10 : memref<80x128xf32, #tpu.memory_space<vmem>>) offsets(%dma_start3A_1087 : memref<80xi32, #tpu.memory_space<vmem>>) semaphore(%arg16 : memref<!tpu.dma_semaphore, #tpu.memory_space<semaphore_mem>>)
      %dma_wait3A_1095 = arith.constant 1 : i32
      %dma_wait3A_1096 = arith.constant 0 : i32
      %dma_wait3A_1097 = tpu.memref_slice %arg7[%add3A_981, %dma_wait3A_1096] : memref<20x80xi32, #tpu.memory_space<vmem>> -> memref<1x80xi32, #tpu.memory_space<vmem>>
      %dma_wait3A_1098 = tpu.memref_squeeze %dma_wait3A_1097 : memref<1x80xi32, #tpu.memory_space<vmem>> -> memref<80xi32, #tpu.memory_space<vmem>>
      %dma_wait3A_1099 = arith.constant 0 : i32
      %dma_wait3A_1100 = arith.constant 0 : i32
      %dma_wait3A_1101 = tpu.memref_slice %arg3[%dma_wait3A_1095, %dma_wait3A_1099, %dma_wait3A_1100] : memref<8x100000x128xf32, #tpu.memory_space<hbm>> -> memref<1x100000x128xf32, #tpu.memory_space<hbm>>
      %dma_wait3A_1102 = tpu.memref_squeeze %dma_wait3A_1101 : memref<1x100000x128xf32, #tpu.memory_space<hbm>> -> memref<100000x128xf32, #tpu.memory_space<hbm>>
      %dma_wait3A_1103 = arith.constant 0 : i32
      %dma_wait3A_1104 = arith.constant 0 : i32
      %dma_wait3A_1105 = tpu.memref_slice %dma_wait3A_1102[%dma_wait3A_1103, %dma_wait3A_1104] : memref<100000x128xf32, #tpu.memory_space<hbm>> -> memref<100000x128xf32, #tpu.memory_space<hbm>>
      tpu.wait_indirect_dma semaphore(%arg15 : memref<!tpu.dma_semaphore, #tpu.memory_space<semaphore_mem>>) src(%dma_wait3A_1105 : memref<100000x128xf32, #tpu.memory_space<hbm>>) dst(%arg9 : memref<80x128xf32, #tpu.memory_space<vmem>>)
      %mul3A_1106 = arith.constant 80 : i32
      %mul3A_1107 = arith.muli %add3A_981, %mul3A_1106 : i32
      %add3A_1108 = arith.addi %mul3A_2, %mul3A_1107 : i32
      %dma_start3A_1109 = arith.constant 128 : i32
      %dma_start3A_1110 = tpu.memref_slice %arg5[%add3A_1108, %dma_start3A_1109] : memref<51200x1536xf32, #tpu.memory_space<hbm>> -> memref<80x128xf32, #tpu.memory_space<hbm>>
      %dma_start3A_1111 = arith.constant 128 : i32
      %dma_start3A_1112 = tpu.memref_slice %arg5[%add3A_1108, %dma_start3A_1111] : memref<51200x1536xf32, #tpu.memory_space<hbm>> -> memref<80x128xf32, #tpu.memory_space<hbm>>
      tpu.enqueue_dma source(%arg9 : memref<80x128xf32, #tpu.memory_space<vmem>>) target(%dma_start3A_1112 : memref<80x128xf32, #tpu.memory_space<hbm>>) target_semaphore(%arg19 : memref<!tpu.dma_semaphore, #tpu.memory_space<semaphore_mem>>)
      %sub3A_1113 = arith.constant 1 : i32
      %sub3A_1114 = arith.subi %add3A_981, %sub3A_1113 : i32
      %mul3A_1115 = arith.constant 80 : i32
      %mul3A_1116 = arith.muli %sub3A_1114, %mul3A_1115 : i32
      %add3A_1117 = arith.addi %mul3A_2, %mul3A_1116 : i32
      %dma_wait3A_1118 = arith.constant 896 : i32
      %dma_wait3A_1119 = tpu.memref_slice %arg5[%add3A_1117, %dma_wait3A_1118] : memref<51200x1536xf32, #tpu.memory_space<hbm>> -> memref<80x128xf32, #tpu.memory_space<hbm>>
      %dma_wait3A_1120 = arith.constant 896 : i32
      %dma_wait3A_1121 = tpu.memref_slice %arg5[%add3A_1117, %dma_wait3A_1120] : memref<51200x1536xf32, #tpu.memory_space<hbm>> -> memref<80x128xf32, #tpu.memory_space<hbm>>
      tpu.wait_dma2 semaphore(%arg21 : memref<!tpu.dma_semaphore, #tpu.memory_space<semaphore_mem>>) src(%arg11 : memref<80x128xf32, #tpu.memory_space<vmem>>) dst(%dma_wait3A_1121 : memref<80x128xf32, #tpu.memory_space<hbm>>)
      %dma_start3A_1122 = arith.constant 3 : i32
      %dma_start3A_1123 = arith.constant 0 : i32
      %dma_start3A_1124 = tpu.memref_slice %arg7[%add3A_981, %dma_start3A_1123] : memref<20x80xi32, #tpu.memory_space<vmem>> -> memref<1x80xi32, #tpu.memory_space<vmem>>
      %dma_start3A_1125 = tpu.memref_squeeze %dma_start3A_1124 : memref<1x80xi32, #tpu.memory_space<vmem>> -> memref<80xi32, #tpu.memory_space<vmem>>
      %dma_start3A_1126 = arith.constant 0 : i32
      %dma_start3A_1127 = arith.constant 0 : i32
      %dma_start3A_1128 = tpu.memref_slice %arg3[%dma_start3A_1122, %dma_start3A_1126, %dma_start3A_1127] : memref<8x100000x128xf32, #tpu.memory_space<hbm>> -> memref<1x100000x128xf32, #tpu.memory_space<hbm>>
      %dma_start3A_1129 = tpu.memref_squeeze %dma_start3A_1128 : memref<1x100000x128xf32, #tpu.memory_space<hbm>> -> memref<100000x128xf32, #tpu.memory_space<hbm>>
      %dma_start3A_1130 = arith.constant 0 : i32
      %dma_start3A_1131 = arith.constant 0 : i32
      %dma_start3A_1132 = tpu.memref_slice %dma_start3A_1129[%dma_start3A_1130, %dma_start3A_1131] : memref<100000x128xf32, #tpu.memory_space<hbm>> -> memref<100000x128xf32, #tpu.memory_space<hbm>>
      tpu.enqueue_indirect_dma source(%dma_start3A_1132 : memref<100000x128xf32, #tpu.memory_space<hbm>>) target(%arg11 : memref<80x128xf32, #tpu.memory_space<vmem>>) offsets(%dma_start3A_1125 : memref<80xi32, #tpu.memory_space<vmem>>) semaphore(%arg17 : memref<!tpu.dma_semaphore, #tpu.memory_space<semaphore_mem>>)
      %dma_wait3A_1133 = arith.constant 2 : i32
      %dma_wait3A_1134 = arith.constant 0 : i32
      %dma_wait3A_1135 = tpu.memref_slice %arg7[%add3A_981, %dma_wait3A_1134] : memref<20x80xi32, #tpu.memory_space<vmem>> -> memref<1x80xi32, #tpu.memory_space<vmem>>
      %dma_wait3A_1136 = tpu.memref_squeeze %dma_wait3A_1135 : memref<1x80xi32, #tpu.memory_space<vmem>> -> memref<80xi32, #tpu.memory_space<vmem>>
      %dma_wait3A_1137 = arith.constant 0 : i32
      %dma_wait3A_1138 = arith.constant 0 : i32
      %dma_wait3A_1139 = tpu.memref_slice %arg3[%dma_wait3A_1133, %dma_wait3A_1137, %dma_wait3A_1138] : memref<8x100000x128xf32, #tpu.memory_space<hbm>> -> memref<1x100000x128xf32, #tpu.memory_space<hbm>>
      %dma_wait3A_1140 = tpu.memref_squeeze %dma_wait3A_1139 : memref<1x100000x128xf32, #tpu.memory_space<hbm>> -> memref<100000x128xf32, #tpu.memory_space<hbm>>
      %dma_wait3A_1141 = arith.constant 0 : i32
      %dma_wait3A_1142 = arith.constant 0 : i32
      %dma_wait3A_1143 = tpu.memref_slice %dma_wait3A_1140[%dma_wait3A_1141, %dma_wait3A_1142] : memref<100000x128xf32, #tpu.memory_space<hbm>> -> memref<100000x128xf32, #tpu.memory_space<hbm>>
      tpu.wait_indirect_dma semaphore(%arg16 : memref<!tpu.dma_semaphore, #tpu.memory_space<semaphore_mem>>) src(%dma_wait3A_1143 : memref<100000x128xf32, #tpu.memory_space<hbm>>) dst(%arg10 : memref<80x128xf32, #tpu.memory_space<vmem>>)
      %mul3A_1144 = arith.constant 80 : i32
      %mul3A_1145 = arith.muli %add3A_981, %mul3A_1144 : i32
      %add3A_1146 = arith.addi %mul3A_2, %mul3A_1145 : i32
      %dma_start3A_1147 = arith.constant 256 : i32
      %dma_start3A_1148 = tpu.memref_slice %arg5[%add3A_1146, %dma_start3A_1147] : memref<51200x1536xf32, #tpu.memory_space<hbm>> -> memref<80x128xf32, #tpu.memory_space<hbm>>
      %dma_start3A_1149 = arith.constant 256 : i32
      %dma_start3A_1150 = tpu.memref_slice %arg5[%add3A_1146, %dma_start3A_1149] : memref<51200x1536xf32, #tpu.memory_space<hbm>> -> memref<80x128xf32, #tpu.memory_space<hbm>>
      tpu.enqueue_dma source(%arg10 : memref<80x128xf32, #tpu.memory_space<vmem>>) target(%dma_start3A_1150 : memref<80x128xf32, #tpu.memory_space<hbm>>) target_semaphore(%arg20 : memref<!tpu.dma_semaphore, #tpu.memory_space<semaphore_mem>>)
      %mul3A_1151 = arith.constant 80 : i32
      %mul3A_1152 = arith.muli %add3A_981, %mul3A_1151 : i32
      %add3A_1153 = arith.addi %mul3A_2, %mul3A_1152 : i32
      %dma_wait3A_1154 = arith.constant 0 : i32
      %dma_wait3A_1155 = tpu.memref_slice %arg5[%add3A_1153, %dma_wait3A_1154] : memref<51200x1536xf32, #tpu.memory_space<hbm>> -> memref<80x128xf32, #tpu.memory_space<hbm>>
      %dma_wait3A_1156 = arith.constant 0 : i32
      %dma_wait3A_1157 = tpu.memref_slice %arg5[%add3A_1153, %dma_wait3A_1156] : memref<51200x1536xf32, #tpu.memory_space<hbm>> -> memref<80x128xf32, #tpu.memory_space<hbm>>
      tpu.wait_dma2 semaphore(%arg18 : memref<!tpu.dma_semaphore, #tpu.memory_space<semaphore_mem>>) src(%arg8 : memref<80x128xf32, #tpu.memory_space<vmem>>) dst(%dma_wait3A_1157 : memref<80x128xf32, #tpu.memory_space<hbm>>)
      %dma_start3A_1158 = arith.constant 4 : i32
      %dma_start3A_1159 = arith.constant 0 : i32
      %dma_start3A_1160 = tpu.memref_slice %arg7[%add3A_981, %dma_start3A_1159] : memref<20x80xi32, #tpu.memory_space<vmem>> -> memref<1x80xi32, #tpu.memory_space<vmem>>
      %dma_start3A_1161 = tpu.memref_squeeze %dma_start3A_1160 : memref<1x80xi32, #tpu.memory_space<vmem>> -> memref<80xi32, #tpu.memory_space<vmem>>
      %dma_start3A_1162 = arith.constant 0 : i32
      %dma_start3A_1163 = arith.constant 0 : i32
      %dma_start3A_1164 = tpu.memref_slice %arg3[%dma_start3A_1158, %dma_start3A_1162, %dma_start3A_1163] : memref<8x100000x128xf32, #tpu.memory_space<hbm>> -> memref<1x100000x128xf32, #tpu.memory_space<hbm>>
      %dma_start3A_1165 = tpu.memref_squeeze %dma_start3A_1164 : memref<1x100000x128xf32, #tpu.memory_space<hbm>> -> memref<100000x128xf32, #tpu.memory_space<hbm>>
      %dma_start3A_1166 = arith.constant 0 : i32
      %dma_start3A_1167 = arith.constant 0 : i32
      %dma_start3A_1168 = tpu.memref_slice %dma_start3A_1165[%dma_start3A_1166, %dma_start3A_1167] : memref<100000x128xf32, #tpu.memory_space<hbm>> -> memref<100000x128xf32, #tpu.memory_space<hbm>>
      tpu.enqueue_indirect_dma source(%dma_start3A_1168 : memref<100000x128xf32, #tpu.memory_space<hbm>>) target(%arg8 : memref<80x128xf32, #tpu.memory_space<vmem>>) offsets(%dma_start3A_1161 : memref<80xi32, #tpu.memory_space<vmem>>) semaphore(%arg14 : memref<!tpu.dma_semaphore, #tpu.memory_space<semaphore_mem>>)
      %dma_wait3A_1169 = arith.constant 3 : i32
      %dma_wait3A_1170 = arith.constant 0 : i32
      %dma_wait3A_1171 = tpu.memref_slice %arg7[%add3A_981, %dma_wait3A_1170] : memref<20x80xi32, #tpu.memory_space<vmem>> -> memref<1x80xi32, #tpu.memory_space<vmem>>
      %dma_wait3A_1172 = tpu.memref_squeeze %dma_wait3A_1171 : memref<1x80xi32, #tpu.memory_space<vmem>> -> memref<80xi32, #tpu.memory_space<vmem>>
      %dma_wait3A_1173 = arith.constant 0 : i32
      %dma_wait3A_1174 = arith.constant 0 : i32
      %dma_wait3A_1175 = tpu.memref_slice %arg3[%dma_wait3A_1169, %dma_wait3A_1173, %dma_wait3A_1174] : memref<8x100000x128xf32, #tpu.memory_space<hbm>> -> memref<1x100000x128xf32, #tpu.memory_space<hbm>>
      %dma_wait3A_1176 = tpu.memref_squeeze %dma_wait3A_1175 : memref<1x100000x128xf32, #tpu.memory_space<hbm>> -> memref<100000x128xf32, #tpu.memory_space<hbm>>
      %dma_wait3A_1177 = arith.constant 0 : i32
      %dma_wait3A_1178 = arith.constant 0 : i32
      %dma_wait3A_1179 = tpu.memref_slice %dma_wait3A_1176[%dma_wait3A_1177, %dma_wait3A_1178] : memref<100000x128xf32, #tpu.memory_space<hbm>> -> memref<100000x128xf32, #tpu.memory_space<hbm>>
      tpu.wait_indirect_dma semaphore(%arg17 : memref<!tpu.dma_semaphore, #tpu.memory_space<semaphore_mem>>) src(%dma_wait3A_1179 : memref<100000x128xf32, #tpu.memory_space<hbm>>) dst(%arg11 : memref<80x128xf32, #tpu.memory_space<vmem>>)
      %mul3A_1180 = arith.constant 80 : i32
      %mul3A_1181 = arith.muli %add3A_981, %mul3A_1180 : i32
      %add3A_1182 = arith.addi %mul3A_2, %mul3A_1181 : i32
      %dma_start3A_1183 = arith.constant 384 : i32
      %dma_start3A_1184 = tpu.memref_slice %arg5[%add3A_1182, %dma_start3A_1183] : memref<51200x1536xf32, #tpu.memory_space<hbm>> -> memref<80x128xf32, #tpu.memory_space<hbm>>
      %dma_start3A_1185 = arith.constant 384 : i32
      %dma_start3A_1186 = tpu.memref_slice %arg5[%add3A_1182, %dma_start3A_1185] : memref<51200x1536xf32, #tpu.memory_space<hbm>> -> memref<80x128xf32, #tpu.memory_space<hbm>>
      tpu.enqueue_dma source(%arg11 : memref<80x128xf32, #tpu.memory_space<vmem>>) target(%dma_start3A_1186 : memref<80x128xf32, #tpu.memory_space<hbm>>) target_semaphore(%arg21 : memref<!tpu.dma_semaphore, #tpu.memory_space<semaphore_mem>>)
      %mul3A_1187 = arith.constant 80 : i32
      %mul3A_1188 = arith.muli %add3A_981, %mul3A_1187 : i32
      %add3A_1189 = arith.addi %mul3A_2, %mul3A_1188 : i32
      %dma_wait3A_1190 = arith.constant 128 : i32
      %dma_wait3A_1191 = tpu.memref_slice %arg5[%add3A_1189, %dma_wait3A_1190] : memref<51200x1536xf32, #tpu.memory_space<hbm>> -> memref<80x128xf32, #tpu.memory_space<hbm>>
      %dma_wait3A_1192 = arith.constant 128 : i32
      %dma_wait3A_1193 = tpu.memref_slice %arg5[%add3A_1189, %dma_wait3A_1192] : memref<51200x1536xf32, #tpu.memory_space<hbm>> -> memref<80x128xf32, #tpu.memory_space<hbm>>
      tpu.wait_dma2 semaphore(%arg19 : memref<!tpu.dma_semaphore, #tpu.memory_space<semaphore_mem>>) src(%arg9 : memref<80x128xf32, #tpu.memory_space<vmem>>) dst(%dma_wait3A_1193 : memref<80x128xf32, #tpu.memory_space<hbm>>)
      %dma_start3A_1194 = arith.constant 5 : i32
      %dma_start3A_1195 = arith.constant 0 : i32
      %dma_start3A_1196 = tpu.memref_slice %arg7[%add3A_981, %dma_start3A_1195] : memref<20x80xi32, #tpu.memory_space<vmem>> -> memref<1x80xi32, #tpu.memory_space<vmem>>
      %dma_start3A_1197 = tpu.memref_squeeze %dma_start3A_1196 : memref<1x80xi32, #tpu.memory_space<vmem>> -> memref<80xi32, #tpu.memory_space<vmem>>
      %dma_start3A_1198 = arith.constant 0 : i32
      %dma_start3A_1199 = arith.constant 0 : i32
      %dma_start3A_1200 = tpu.memref_slice %arg3[%dma_start3A_1194, %dma_start3A_1198, %dma_start3A_1199] : memref<8x100000x128xf32, #tpu.memory_space<hbm>> -> memref<1x100000x128xf32, #tpu.memory_space<hbm>>
      %dma_start3A_1201 = tpu.memref_squeeze %dma_start3A_1200 : memref<1x100000x128xf32, #tpu.memory_space<hbm>> -> memref<100000x128xf32, #tpu.memory_space<hbm>>
      %dma_start3A_1202 = arith.constant 0 : i32
      %dma_start3A_1203 = arith.constant 0 : i32
      %dma_start3A_1204 = tpu.memref_slice %dma_start3A_1201[%dma_start3A_1202, %dma_start3A_1203] : memref<100000x128xf32, #tpu.memory_space<hbm>> -> memref<100000x128xf32, #tpu.memory_space<hbm>>
      tpu.enqueue_indirect_dma source(%dma_start3A_1204 : memref<100000x128xf32, #tpu.memory_space<hbm>>) target(%arg9 : memref<80x128xf32, #tpu.memory_space<vmem>>) offsets(%dma_start3A_1197 : memref<80xi32, #tpu.memory_space<vmem>>) semaphore(%arg15 : memref<!tpu.dma_semaphore, #tpu.memory_space<semaphore_mem>>)
      %dma_wait3A_1205 = arith.constant 4 : i32
      %dma_wait3A_1206 = arith.constant 0 : i32
      %dma_wait3A_1207 = tpu.memref_slice %arg7[%add3A_981, %dma_wait3A_1206] : memref<20x80xi32, #tpu.memory_space<vmem>> -> memref<1x80xi32, #tpu.memory_space<vmem>>
      %dma_wait3A_1208 = tpu.memref_squeeze %dma_wait3A_1207 : memref<1x80xi32, #tpu.memory_space<vmem>> -> memref<80xi32, #tpu.memory_space<vmem>>
      %dma_wait3A_1209 = arith.constant 0 : i32
      %dma_wait3A_1210 = arith.constant 0 : i32
      %dma_wait3A_1211 = tpu.memref_slice %arg3[%dma_wait3A_1205, %dma_wait3A_1209, %dma_wait3A_1210] : memref<8x100000x128xf32, #tpu.memory_space<hbm>> -> memref<1x100000x128xf32, #tpu.memory_space<hbm>>
      %dma_wait3A_1212 = tpu.memref_squeeze %dma_wait3A_1211 : memref<1x100000x128xf32, #tpu.memory_space<hbm>> -> memref<100000x128xf32, #tpu.memory_space<hbm>>
      %dma_wait3A_1213 = arith.constant 0 : i32
      %dma_wait3A_1214 = arith.constant 0 : i32
      %dma_wait3A_1215 = tpu.memref_slice %dma_wait3A_1212[%dma_wait3A_1213, %dma_wait3A_1214] : memref<100000x128xf32, #tpu.memory_space<hbm>> -> memref<100000x128xf32, #tpu.memory_space<hbm>>
      tpu.wait_indirect_dma semaphore(%arg14 : memref<!tpu.dma_semaphore, #tpu.memory_space<semaphore_mem>>) src(%dma_wait3A_1215 : memref<100000x128xf32, #tpu.memory_space<hbm>>) dst(%arg8 : memref<80x128xf32, #tpu.memory_space<vmem>>)
      %mul3A_1216 = arith.constant 80 : i32
      %mul3A_1217 = arith.muli %add3A_981, %mul3A_1216 : i32
      %add3A_1218 = arith.addi %mul3A_2, %mul3A_1217 : i32
      %dma_start3A_1219 = arith.constant 512 : i32
      %dma_start3A_1220 = tpu.memref_slice %arg5[%add3A_1218, %dma_start3A_1219] : memref<51200x1536xf32, #tpu.memory_space<hbm>> -> memref<80x128xf32, #tpu.memory_space<hbm>>
      %dma_start3A_1221 = arith.constant 512 : i32
      %dma_start3A_1222 = tpu.memref_slice %arg5[%add3A_1218, %dma_start3A_1221] : memref<51200x1536xf32, #tpu.memory_space<hbm>> -> memref<80x128xf32, #tpu.memory_space<hbm>>
      tpu.enqueue_dma source(%arg8 : memref<80x128xf32, #tpu.memory_space<vmem>>) target(%dma_start3A_1222 : memref<80x128xf32, #tpu.memory_space<hbm>>) target_semaphore(%arg18 : memref<!tpu.dma_semaphore, #tpu.memory_space<semaphore_mem>>)
      %mul3A_1223 = arith.constant 80 : i32
      %mul3A_1224 = arith.muli %add3A_981, %mul3A_1223 : i32
      %add3A_1225 = arith.addi %mul3A_2, %mul3A_1224 : i32
      %dma_wait3A_1226 = arith.constant 256 : i32
      %dma_wait3A_1227 = tpu.memref_slice %arg5[%add3A_1225, %dma_wait3A_1226] : memref<51200x1536xf32, #tpu.memory_space<hbm>> -> memref<80x128xf32, #tpu.memory_space<hbm>>
      %dma_wait3A_1228 = arith.constant 256 : i32
      %dma_wait3A_1229 = tpu.memref_slice %arg5[%add3A_1225, %dma_wait3A_1228] : memref<51200x1536xf32, #tpu.memory_space<hbm>> -> memref<80x128xf32, #tpu.memory_space<hbm>>
      tpu.wait_dma2 semaphore(%arg20 : memref<!tpu.dma_semaphore, #tpu.memory_space<semaphore_mem>>) src(%arg10 : memref<80x128xf32, #tpu.memory_space<vmem>>) dst(%dma_wait3A_1229 : memref<80x128xf32, #tpu.memory_space<hbm>>)
      %dma_start3A_1230 = arith.constant 6 : i32
      %dma_start3A_1231 = arith.constant 0 : i32
      %dma_start3A_1232 = tpu.memref_slice %arg7[%add3A_981, %dma_start3A_1231] : memref<20x80xi32, #tpu.memory_space<vmem>> -> memref<1x80xi32, #tpu.memory_space<vmem>>
      %dma_start3A_1233 = tpu.memref_squeeze %dma_start3A_1232 : memref<1x80xi32, #tpu.memory_space<vmem>> -> memref<80xi32, #tpu.memory_space<vmem>>
      %dma_start3A_1234 = arith.constant 0 : i32
      %dma_start3A_1235 = arith.constant 0 : i32
      %dma_start3A_1236 = tpu.memref_slice %arg3[%dma_start3A_1230, %dma_start3A_1234, %dma_start3A_1235] : memref<8x100000x128xf32, #tpu.memory_space<hbm>> -> memref<1x100000x128xf32, #tpu.memory_space<hbm>>
      %dma_start3A_1237 = tpu.memref_squeeze %dma_start3A_1236 : memref<1x100000x128xf32, #tpu.memory_space<hbm>> -> memref<100000x128xf32, #tpu.memory_space<hbm>>
      %dma_start3A_1238 = arith.constant 0 : i32
      %dma_start3A_1239 = arith.constant 0 : i32
      %dma_start3A_1240 = tpu.memref_slice %dma_start3A_1237[%dma_start3A_1238, %dma_start3A_1239] : memref<100000x128xf32, #tpu.memory_space<hbm>> -> memref<100000x128xf32, #tpu.memory_space<hbm>>
      tpu.enqueue_indirect_dma source(%dma_start3A_1240 : memref<100000x128xf32, #tpu.memory_space<hbm>>) target(%arg10 : memref<80x128xf32, #tpu.memory_space<vmem>>) offsets(%dma_start3A_1233 : memref<80xi32, #tpu.memory_space<vmem>>) semaphore(%arg16 : memref<!tpu.dma_semaphore, #tpu.memory_space<semaphore_mem>>)
      %dma_wait3A_1241 = arith.constant 5 : i32
      %dma_wait3A_1242 = arith.constant 0 : i32
      %dma_wait3A_1243 = tpu.memref_slice %arg7[%add3A_981, %dma_wait3A_1242] : memref<20x80xi32, #tpu.memory_space<vmem>> -> memref<1x80xi32, #tpu.memory_space<vmem>>
      %dma_wait3A_1244 = tpu.memref_squeeze %dma_wait3A_1243 : memref<1x80xi32, #tpu.memory_space<vmem>> -> memref<80xi32, #tpu.memory_space<vmem>>
      %dma_wait3A_1245 = arith.constant 0 : i32
      %dma_wait3A_1246 = arith.constant 0 : i32
      %dma_wait3A_1247 = tpu.memref_slice %arg3[%dma_wait3A_1241, %dma_wait3A_1245, %dma_wait3A_1246] : memref<8x100000x128xf32, #tpu.memory_space<hbm>> -> memref<1x100000x128xf32, #tpu.memory_space<hbm>>
      %dma_wait3A_1248 = tpu.memref_squeeze %dma_wait3A_1247 : memref<1x100000x128xf32, #tpu.memory_space<hbm>> -> memref<100000x128xf32, #tpu.memory_space<hbm>>
      %dma_wait3A_1249 = arith.constant 0 : i32
      %dma_wait3A_1250 = arith.constant 0 : i32
      %dma_wait3A_1251 = tpu.memref_slice %dma_wait3A_1248[%dma_wait3A_1249, %dma_wait3A_1250] : memref<100000x128xf32, #tpu.memory_space<hbm>> -> memref<100000x128xf32, #tpu.memory_space<hbm>>
      tpu.wait_indirect_dma semaphore(%arg15 : memref<!tpu.dma_semaphore, #tpu.memory_space<semaphore_mem>>) src(%dma_wait3A_1251 : memref<100000x128xf32, #tpu.memory_space<hbm>>) dst(%arg9 : memref<80x128xf32, #tpu.memory_space<vmem>>)
      %mul3A_1252 = arith.constant 80 : i32
      %mul3A_1253 = arith.muli %add3A_981, %mul3A_1252 : i32
      %add3A_1254 = arith.addi %mul3A_2, %mul3A_1253 : i32
      %dma_start3A_1255 = arith.constant 640 : i32
      %dma_start3A_1256 = tpu.memref_slice %arg5[%add3A_1254, %dma_start3A_1255] : memref<51200x1536xf32, #tpu.memory_space<hbm>> -> memref<80x128xf32, #tpu.memory_space<hbm>>
      %dma_start3A_1257 = arith.constant 640 : i32
      %dma_start3A_1258 = tpu.memref_slice %arg5[%add3A_1254, %dma_start3A_1257] : memref<51200x1536xf32, #tpu.memory_space<hbm>> -> memref<80x128xf32, #tpu.memory_space<hbm>>
      tpu.enqueue_dma source(%arg9 : memref<80x128xf32, #tpu.memory_space<vmem>>) target(%dma_start3A_1258 : memref<80x128xf32, #tpu.memory_space<hbm>>) target_semaphore(%arg19 : memref<!tpu.dma_semaphore, #tpu.memory_space<semaphore_mem>>)
      %mul3A_1259 = arith.constant 80 : i32
      %mul3A_1260 = arith.muli %add3A_981, %mul3A_1259 : i32
      %add3A_1261 = arith.addi %mul3A_2, %mul3A_1260 : i32
      %dma_wait3A_1262 = arith.constant 384 : i32
      %dma_wait3A_1263 = tpu.memref_slice %arg5[%add3A_1261, %dma_wait3A_1262] : memref<51200x1536xf32, #tpu.memory_space<hbm>> -> memref<80x128xf32, #tpu.memory_space<hbm>>
      %dma_wait3A_1264 = arith.constant 384 : i32
      %dma_wait3A_1265 = tpu.memref_slice %arg5[%add3A_1261, %dma_wait3A_1264] : memref<51200x1536xf32, #tpu.memory_space<hbm>> -> memref<80x128xf32, #tpu.memory_space<hbm>>
      tpu.wait_dma2 semaphore(%arg21 : memref<!tpu.dma_semaphore, #tpu.memory_space<semaphore_mem>>) src(%arg11 : memref<80x128xf32, #tpu.memory_space<vmem>>) dst(%dma_wait3A_1265 : memref<80x128xf32, #tpu.memory_space<hbm>>)
      %dma_start3A_1266 = arith.constant 7 : i32
      %dma_start3A_1267 = arith.constant 0 : i32
      %dma_start3A_1268 = tpu.memref_slice %arg7[%add3A_981, %dma_start3A_1267] : memref<20x80xi32, #tpu.memory_space<vmem>> -> memref<1x80xi32, #tpu.memory_space<vmem>>
      %dma_start3A_1269 = tpu.memref_squeeze %dma_start3A_1268 : memref<1x80xi32, #tpu.memory_space<vmem>> -> memref<80xi32, #tpu.memory_space<vmem>>
      %dma_start3A_1270 = arith.constant 0 : i32
      %dma_start3A_1271 = arith.constant 0 : i32
      %dma_start3A_1272 = tpu.memref_slice %arg3[%dma_start3A_1266, %dma_start3A_1270, %dma_start3A_1271] : memref<8x100000x128xf32, #tpu.memory_space<hbm>> -> memref<1x100000x128xf32, #tpu.memory_space<hbm>>
      %dma_start3A_1273 = tpu.memref_squeeze %dma_start3A_1272 : memref<1x100000x128xf32, #tpu.memory_space<hbm>> -> memref<100000x128xf32, #tpu.memory_space<hbm>>
      %dma_start3A_1274 = arith.constant 0 : i32
      %dma_start3A_1275 = arith.constant 0 : i32
      %dma_start3A_1276 = tpu.memref_slice %dma_start3A_1273[%dma_start3A_1274, %dma_start3A_1275] : memref<100000x128xf32, #tpu.memory_space<hbm>> -> memref<100000x128xf32, #tpu.memory_space<hbm>>
      tpu.enqueue_indirect_dma source(%dma_start3A_1276 : memref<100000x128xf32, #tpu.memory_space<hbm>>) target(%arg11 : memref<80x128xf32, #tpu.memory_space<vmem>>) offsets(%dma_start3A_1269 : memref<80xi32, #tpu.memory_space<vmem>>) semaphore(%arg17 : memref<!tpu.dma_semaphore, #tpu.memory_space<semaphore_mem>>)
      %dma_wait3A_1277 = arith.constant 6 : i32
      %dma_wait3A_1278 = arith.constant 0 : i32
      %dma_wait3A_1279 = tpu.memref_slice %arg7[%add3A_981, %dma_wait3A_1278] : memref<20x80xi32, #tpu.memory_space<vmem>> -> memref<1x80xi32, #tpu.memory_space<vmem>>
      %dma_wait3A_1280 = tpu.memref_squeeze %dma_wait3A_1279 : memref<1x80xi32, #tpu.memory_space<vmem>> -> memref<80xi32, #tpu.memory_space<vmem>>
      %dma_wait3A_1281 = arith.constant 0 : i32
      %dma_wait3A_1282 = arith.constant 0 : i32
      %dma_wait3A_1283 = tpu.memref_slice %arg3[%dma_wait3A_1277, %dma_wait3A_1281, %dma_wait3A_1282] : memref<8x100000x128xf32, #tpu.memory_space<hbm>> -> memref<1x100000x128xf32, #tpu.memory_space<hbm>>
      %dma_wait3A_1284 = tpu.memref_squeeze %dma_wait3A_1283 : memref<1x100000x128xf32, #tpu.memory_space<hbm>> -> memref<100000x128xf32, #tpu.memory_space<hbm>>
      %dma_wait3A_1285 = arith.constant 0 : i32
      %dma_wait3A_1286 = arith.constant 0 : i32
      %dma_wait3A_1287 = tpu.memref_slice %dma_wait3A_1284[%dma_wait3A_1285, %dma_wait3A_1286] : memref<100000x128xf32, #tpu.memory_space<hbm>> -> memref<100000x128xf32, #tpu.memory_space<hbm>>
      tpu.wait_indirect_dma semaphore(%arg16 : memref<!tpu.dma_semaphore, #tpu.memory_space<semaphore_mem>>) src(%dma_wait3A_1287 : memref<100000x128xf32, #tpu.memory_space<hbm>>) dst(%arg10 : memref<80x128xf32, #tpu.memory_space<vmem>>)
      %mul3A_1288 = arith.constant 80 : i32
      %mul3A_1289 = arith.muli %add3A_981, %mul3A_1288 : i32
      %add3A_1290 = arith.addi %mul3A_2, %mul3A_1289 : i32
      %dma_start3A_1291 = arith.constant 768 : i32
      %dma_start3A_1292 = tpu.memref_slice %arg5[%add3A_1290, %dma_start3A_1291] : memref<51200x1536xf32, #tpu.memory_space<hbm>> -> memref<80x128xf32, #tpu.memory_space<hbm>>
      %dma_start3A_1293 = arith.constant 768 : i32
      %dma_start3A_1294 = tpu.memref_slice %arg5[%add3A_1290, %dma_start3A_1293] : memref<51200x1536xf32, #tpu.memory_space<hbm>> -> memref<80x128xf32, #tpu.memory_space<hbm>>
      tpu.enqueue_dma source(%arg10 : memref<80x128xf32, #tpu.memory_space<vmem>>) target(%dma_start3A_1294 : memref<80x128xf32, #tpu.memory_space<hbm>>) target_semaphore(%arg20 : memref<!tpu.dma_semaphore, #tpu.memory_space<semaphore_mem>>)
      %mul3A_1295 = arith.constant 80 : i32
      %mul3A_1296 = arith.muli %add3A_981, %mul3A_1295 : i32
      %add3A_1297 = arith.addi %mul3A_2, %mul3A_1296 : i32
      %dma_wait3A_1298 = arith.constant 1024 : i32
      %dma_wait3A_1299 = tpu.memref_slice %arg5[%add3A_1297, %dma_wait3A_1298] : memref<51200x1536xf32, #tpu.memory_space<hbm>> -> memref<80x512xf32, #tpu.memory_space<hbm>>
      %dma_wait3A_1300 = arith.constant 1024 : i32
      %dma_wait3A_1301 = tpu.memref_slice %arg5[%add3A_1297, %dma_wait3A_1300] : memref<51200x1536xf32, #tpu.memory_space<hbm>> -> memref<80x512xf32, #tpu.memory_space<hbm>>
      tpu.wait_dma2 semaphore(%arg25 : memref<!tpu.dma_semaphore, #tpu.memory_space<semaphore_mem>>) src(%arg13 : memref<80x512xf32, #tpu.memory_space<vmem>>) dst(%dma_wait3A_1301 : memref<80x512xf32, #tpu.memory_space<hbm>>)
      %lt3A_1302 = arith.constant 9 : i32
      %lt3A_1303 = arith.cmpi slt, %scan3A_654, %lt3A_1302 : i32
      %convert_element_type3A_1304 = arith.extui %lt3A_1303 : i1 to i32
      %cond3A_1305 = arith.constant 0 : i32
      %cond3A_1306 = arith.cmpi ne, %convert_element_type3A_1304, %cond3A_1305 : i32
      scf.if %cond3A_1306 {
        %add3A_1307 = arith.constant 2 : i32
        %add3A_1308 = arith.addi %add3A_981, %add3A_1307 : i32
        %dma_start3A_1309 = arith.constant 0 : i32
        %dma_start3A_1310 = tpu.memref_slice %arg7[%add3A_1308, %dma_start3A_1309] : memref<20x80xi32, #tpu.memory_space<vmem>> -> memref<1x80xi32, #tpu.memory_space<vmem>>
        %dma_start3A_1311 = tpu.memref_squeeze %dma_start3A_1310 : memref<1x80xi32, #tpu.memory_space<vmem>> -> memref<80xi32, #tpu.memory_space<vmem>>
        %dma_start3A_1312 = arith.constant 0 : i32
        %dma_start3A_1313 = arith.constant 0 : i32
        %dma_start3A_1314 = tpu.memref_slice %arg4[%dma_start3A_1312, %dma_start3A_1313] : memref<100000x512xf32, #tpu.memory_space<hbm>> -> memref<100000x512xf32, #tpu.memory_space<hbm>>
        tpu.enqueue_indirect_dma source(%dma_start3A_1314 : memref<100000x512xf32, #tpu.memory_space<hbm>>) target(%arg13 : memref<80x512xf32, #tpu.memory_space<vmem>>) offsets(%dma_start3A_1311 : memref<80xi32, #tpu.memory_space<vmem>>) semaphore(%arg23 : memref<!tpu.dma_semaphore, #tpu.memory_space<semaphore_mem>>)
      } else {
      }
    }
    %scan3A_611 = arith.constant 9 : i32
    %dma_wait3A_612 = arith.constant 7 : i32
    %dma_wait3A_613 = arith.constant 19 : i32
    %dma_wait3A_614 = arith.constant 0 : i32
    %dma_wait3A_615 = tpu.memref_slice %arg7[%dma_wait3A_613, %dma_wait3A_614] : memref<20x80xi32, #tpu.memory_space<vmem>> -> memref<1x80xi32, #tpu.memory_space<vmem>>
    %dma_wait3A_616 = tpu.memref_squeeze %dma_wait3A_615 : memref<1x80xi32, #tpu.memory_space<vmem>> -> memref<80xi32, #tpu.memory_space<vmem>>
    %dma_wait3A_617 = arith.constant 0 : i32
    %dma_wait3A_618 = arith.constant 0 : i32
    %dma_wait3A_619 = tpu.memref_slice %arg3[%dma_wait3A_612, %dma_wait3A_617, %dma_wait3A_618] : memref<8x100000x128xf32, #tpu.memory_space<hbm>> -> memref<1x100000x128xf32, #tpu.memory_space<hbm>>
    %dma_wait3A_620 = tpu.memref_squeeze %dma_wait3A_619 : memref<1x100000x128xf32, #tpu.memory_space<hbm>> -> memref<100000x128xf32, #tpu.memory_space<hbm>>
    %dma_wait3A_621 = arith.constant 0 : i32
    %dma_wait3A_622 = arith.constant 0 : i32
    %dma_wait3A_623 = tpu.memref_slice %dma_wait3A_620[%dma_wait3A_621, %dma_wait3A_622] : memref<100000x128xf32, #tpu.memory_space<hbm>> -> memref<100000x128xf32, #tpu.memory_space<hbm>>
    tpu.wait_indirect_dma semaphore(%arg17 : memref<!tpu.dma_semaphore, #tpu.memory_space<semaphore_mem>>) src(%dma_wait3A_623 : memref<100000x128xf32, #tpu.memory_space<hbm>>) dst(%arg11 : memref<80x128xf32, #tpu.memory_space<vmem>>)
    %add3A_624 = arith.constant 1520 : i32
    %add3A_625 = arith.addi %mul3A_2, %add3A_624 : i32
    %dma_start3A_626 = arith.constant 896 : i32
    %dma_start3A_627 = tpu.memref_slice %arg5[%add3A_625, %dma_start3A_626] : memref<51200x1536xf32, #tpu.memory_space<hbm>> -> memref<80x128xf32, #tpu.memory_space<hbm>>
    %dma_start3A_628 = arith.constant 896 : i32
    %dma_start3A_629 = tpu.memref_slice %arg5[%add3A_625, %dma_start3A_628] : memref<51200x1536xf32, #tpu.memory_space<hbm>> -> memref<80x128xf32, #tpu.memory_space<hbm>>
    tpu.enqueue_dma source(%arg11 : memref<80x128xf32, #tpu.memory_space<vmem>>) target(%dma_start3A_629 : memref<80x128xf32, #tpu.memory_space<hbm>>) target_semaphore(%arg21 : memref<!tpu.dma_semaphore, #tpu.memory_space<semaphore_mem>>)
    %add3A_630 = arith.constant 1520 : i32
    %add3A_631 = arith.addi %mul3A_2, %add3A_630 : i32
    %dma_wait3A_632 = arith.constant 512 : i32
    %dma_wait3A_633 = tpu.memref_slice %arg5[%add3A_631, %dma_wait3A_632] : memref<51200x1536xf32, #tpu.memory_space<hbm>> -> memref<80x128xf32, #tpu.memory_space<hbm>>
    %dma_wait3A_634 = arith.constant 512 : i32
    %dma_wait3A_635 = tpu.memref_slice %arg5[%add3A_631, %dma_wait3A_634] : memref<51200x1536xf32, #tpu.memory_space<hbm>> -> memref<80x128xf32, #tpu.memory_space<hbm>>
    tpu.wait_dma2 semaphore(%arg18 : memref<!tpu.dma_semaphore, #tpu.memory_space<semaphore_mem>>) src(%arg8 : memref<80x128xf32, #tpu.memory_space<vmem>>) dst(%dma_wait3A_635 : memref<80x128xf32, #tpu.memory_space<hbm>>)
    %add3A_636 = arith.constant 1520 : i32
    %add3A_637 = arith.addi %mul3A_2, %add3A_636 : i32
    %dma_wait3A_638 = arith.constant 640 : i32
    %dma_wait3A_639 = tpu.memref_slice %arg5[%add3A_637, %dma_wait3A_638] : memref<51200x1536xf32, #tpu.memory_space<hbm>> -> memref<80x128xf32, #tpu.memory_space<hbm>>
    %dma_wait3A_640 = arith.constant 640 : i32
    %dma_wait3A_641 = tpu.memref_slice %arg5[%add3A_637, %dma_wait3A_640] : memref<51200x1536xf32, #tpu.memory_space<hbm>> -> memref<80x128xf32, #tpu.memory_space<hbm>>
    tpu.wait_dma2 semaphore(%arg19 : memref<!tpu.dma_semaphore, #tpu.memory_space<semaphore_mem>>) src(%arg9 : memref<80x128xf32, #tpu.memory_space<vmem>>) dst(%dma_wait3A_641 : memref<80x128xf32, #tpu.memory_space<hbm>>)
    %add3A_642 = arith.constant 1520 : i32
    %add3A_643 = arith.addi %mul3A_2, %add3A_642 : i32
    %dma_wait3A_644 = arith.constant 768 : i32
    %dma_wait3A_645 = tpu.memref_slice %arg5[%add3A_643, %dma_wait3A_644] : memref<51200x1536xf32, #tpu.memory_space<hbm>> -> memref<80x128xf32, #tpu.memory_space<hbm>>
    %dma_wait3A_646 = arith.constant 768 : i32
    %dma_wait3A_647 = tpu.memref_slice %arg5[%add3A_643, %dma_wait3A_646] : memref<51200x1536xf32, #tpu.memory_space<hbm>> -> memref<80x128xf32, #tpu.memory_space<hbm>>
    tpu.wait_dma2 semaphore(%arg20 : memref<!tpu.dma_semaphore, #tpu.memory_space<semaphore_mem>>) src(%arg10 : memref<80x128xf32, #tpu.memory_space<vmem>>) dst(%dma_wait3A_647 : memref<80x128xf32, #tpu.memory_space<hbm>>)
    %add3A_648 = arith.constant 1520 : i32
    %add3A_649 = arith.addi %mul3A_2, %add3A_648 : i32
    %dma_wait3A_650 = arith.constant 896 : i32
    %dma_wait3A_651 = tpu.memref_slice %arg5[%add3A_649, %dma_wait3A_650] : memref<51200x1536xf32, #tpu.memory_space<hbm>> -> memref<80x128xf32, #tpu.memory_space<hbm>>
    %dma_wait3A_652 = arith.constant 896 : i32
    %dma_wait3A_653 = tpu.memref_slice %arg5[%add3A_649, %dma_wait3A_652] : memref<51200x1536xf32, #tpu.memory_space<hbm>> -> memref<80x128xf32, #tpu.memory_space<hbm>>
    tpu.wait_dma2 semaphore(%arg21 : memref<!tpu.dma_semaphore, #tpu.memory_space<semaphore_mem>>) src(%arg11 : memref<80x128xf32, #tpu.memory_space<vmem>>) dst(%dma_wait3A_653 : memref<80x128xf32, #tpu.memory_space<hbm>>)
    return
  }
}

</mosaic_0001>

<sc_bundles>
// kernel: _lookup.3.cloned.1.call-start
scs
__scs_entry_jumppad:
0x0: {  	(pc) =	sbr.rel $0x88, $3  }
0x1: {  	(tag) =	ssettag $0x0;
	lr =	simm.s32 $0x1  }
0x2: {  	[smem:$0x3F9E] =	sst lr;
	_ =	strace $0xD0000000  }
0x3: {  	_ = 	snop  }
0x4: {  	_ = 	snop  }
0x5: {  	_ = 	snop  }
0x6: {  	_ = 	snop  }
0x7: {  	_ = 	snop  }
__scs_overlays_trampoline_lowered:
0x8: {  	[smem:$0x3FAD] =	sst s0  }
0x9: {  	[smem:$0x3FAE] =	sst s1  }
0xa: {  	[smem:$0x3FAF] =	sst s2  }
0xb: {  	[smem:$0x3FB0] =	sst s3  }
0xc: {  	[smem:$0x3FB1] =	sst s4  }
0xd: {  	[smem:$0x3FB2] =	sst s5  }
0xe: {  	[smem:$0x3FB3] =	sst s6  }
0xf: {  	[smem:$0x3FB4] =	sst s7  }
0x10: {  	[smem:$0x3FB5] =	sst s8  }
0x11: {  	[smem:$0x3FB6] =	sst s9;
	s0 =	simm.s32 @!p0 $0x0  }
0x12: {  	s1 =	sld [smem:$0x3F9C];
	s0 =	simm.s32 @p0 $0x1  }
0x13: {  	[smem:$0x3FB7] =	sst s0;
	s0 =	simm.s32 @!p1 $0x0  }
0x14: {  	s2 =	sld [smem:$0x3F9B];
	s0 =	simm.s32 @p1 $0x1  }
0x15: {  	[smem:$0x3FB8] =	sst s0;
	s0 =	simm.s32 @!p2 $0x0  }
0x16: {  	s3 =	sld [smem:$0x3FDB];
	s0 =	simm.s32 @p2 $0x1  }
0x17: {  	s4 =	simm.s32 $0x1BF5;
	[smem:$0x3FBA] =	sst s0  }
0x18: {  	s0 =	sld [smem:$0x3F9D];
	_ =	swait.ge [sflag:s4], $0x0  }
0x19: {  	s7 =	sld [smem:$0x3F9E]  }
0x1a: {  	s8 =	sadd.s32 $0xFFFFE003, lr  }
0x1b: {  	s9 =	sadd.s32 $0xFFFFFEF7, lr;
	s5 =	simm.s32 $0xFFFFFFFF;
	p2 =	slt.u32 s8, $0xFFFFF086  }
0x1c: {  	p1 =	slt.u32 s9, $0xF7A;
	s5 =	simm.s32 @!p2 $0x0  }
0x1d: {  	s5 =	simm.s32 @p1 $0x1;
	p0 =	seq.s32 s7, s2  }
0x1e: {  	s7 =	smul.u32 @!p0 $0xF7A, s2;
	p2 =	seq.s32 @!p0 s5, $0x0  }
0x1f: {  	s9 =	smul.u32 $0xF7A, s1;
	s8 =	simm.s32 @!p0 $0x1BF5;
	p2 =	por !p2, p0  }
0x20: {  	[sflag:s8] =	ssyncset.s32 @!p0 $0xFFFFF086;
	s6 =	sadd.s32 @!p0 s3, s7;
	s7 =	simm.s32 @!p0 $0x108  }
0x21: {  	s3 =	sadd.s32 s3, s9;
	s6 =	sadd.s32 @!p0 $0x88, s6;
	s7 =	simm.s32 @p2 $0x1082  }
0x22: {  	[simem:s7], [sflag:s8] =	dma.local @!p0 [hbm:s6], $0xF7A  }
0x23: {  	s9 =	sor.u32 $0xD0000000, s2;
	s6 =	simm.s32 $0x108;
	_ =	swait.ge @!p0 [sflag:s8], $0x0  }
0x24: {  	s3 =	sadd.s32 $0x88, s3;
	s6 =	simm.s32 @!p1 $0x1082;
	[sflag:s4] =	ssyncset.s32 $0xFFFFF086  }
0x25: {  	[simem:s6], [sflag:s4] =	dma.local [hbm:s3], $0xF7A  }
0x26: {  	[smem:$0x3F9E] =	sst s1;
	(tag) =	ssettag s2;
	_ =	strace s9  }
0x27: {  	s1 =	sld [smem:$0x3FAE]  }
0x28: {  	s2 =	sld [smem:$0x3FAF]  }
0x29: {  	s4 =	sld [smem:$0x3FB1]  }
0x2a: {  	p0 =	seq.s32 s5, $0x0;
	s5 =	sld [smem:$0x3FB2]  }
0x2b: {  	s6 =	sld [smem:$0x3FB3]  }
0x2c: {  	s7 =	sld [smem:$0x3FB4]  }
0x2d: {  	s3 =	simm.s32 $0x108;
	s8 =	sld [smem:$0x3FB5]  }
0x2e: {  	s3 =	simm.s32 @!p0 $0x1082;
	s9 =	sld [smem:$0x3FB6]  }
0x2f: {  	lr =	sadd.s32 s0, s3;
	s0 =	sld [smem:$0x3FAD]  }
0x30: {  	s3 =	sld [smem:$0x3FB0]  }
0x31: {  	[smem:$0x3FB9] =	sst s10  }
0x32: {  	s10 =	sld [smem:$0x3FB7];
	_ =	sdelay $0x3  }
0x33: {  	p0 =	seq.s32 s10, $0x1;
	s10 =	sld [smem:$0x3FB9];
	_ =	sdelay $0x3  }
0x34: {  	[smem:$0x3FB9] =	sst s10  }
0x35: {  	s10 =	sld [smem:$0x3FB8];
	_ =	sdelay $0x3  }
0x36: {  	p1 =	seq.s32 s10, $0x1;
	s10 =	sld [smem:$0x3FB9];
	_ =	sdelay $0x3  }
0x37: {  	[smem:$0x3FB9] =	sst s10  }
0x38: {  	s10 =	sld [smem:$0x3FBA]  }
0x39: {  	_ = 	snop;
	(pc) =	sbr.ind lr, $3  }
0x3a: {  	_ = 	snop  }
0x3b: {  	_ = 	snop  }
0x3c: {  	p2 =	seq.s32 s10, $0x1;
	s10 =	sld [smem:$0x3FB9]  }
0x3d: {  	_ =	shalt  }
0x3e: {  	_ =	shalt  }
0x3f: {  	_ =	shalt  }
0x40: {  	_ =	shalt  }
0x41: {  	_ =	shalt  }
0x42: {  	_ =	shalt  }
0x43: {  	_ =	shalt  }
0x44: {  	_ =	shalt  }
0x45: {  	_ =	shalt  }
0x46: {  	_ =	shalt  }
0x47: {  	_ =	shalt  }
0x48: {  	_ =	shalt  }
0x49: {  	_ =	shalt  }
0x4a: {  	_ =	shalt  }
0x4b: {  	_ =	shalt  }
0x4c: {  	_ =	shalt  }
0x4d: {  	_ =	shalt  }
0x4e: {  	_ =	shalt  }
0x4f: {  	_ =	shalt  }
0x50: {  	_ =	shalt  }
0x51: {  	_ =	shalt  }
0x52: {  	_ =	shalt  }
0x53: {  	_ =	shalt  }
0x54: {  	_ =	shalt  }
0x55: {  	_ =	shalt  }
0x56: {  	_ =	shalt  }
0x57: {  	_ =	shalt  }
0x58: {  	_ =	shalt  }
0x59: {  	_ =	shalt  }
0x5a: {  	_ =	shalt  }
0x5b: {  	_ =	shalt  }
0x5c: {  	_ =	shalt  }
0x5d: {  	_ =	shalt  }
0x5e: {  	_ =	shalt  }
0x5f: {  	_ =	shalt  }
0x60: {  	_ =	shalt  }
0x61: {  	_ =	shalt  }
0x62: {  	_ =	shalt  }
0x63: {  	_ =	shalt  }
0x64: {  	_ =	shalt  }
0x65: {  	_ =	shalt  }
0x66: {  	_ =	shalt  }
0x67: {  	_ =	shalt  }
0x68: {  	_ =	shalt  }
0x69: {  	_ =	shalt  }
0x6a: {  	_ =	shalt  }
0x6b: {  	_ =	shalt  }
0x6c: {  	_ =	shalt  }
0x6d: {  	_ =	shalt  }
0x6e: {  	_ =	shalt  }
0x6f: {  	_ =	shalt  }
0x70: {  	_ =	shalt  }
0x71: {  	_ =	shalt  }
0x72: {  	_ =	shalt  }
0x73: {  	_ =	shalt  }
0x74: {  	_ =	shalt  }
0x75: {  	_ =	shalt  }
0x76: {  	_ =	shalt  }
0x77: {  	_ =	shalt  }
0x78: {  	_ =	shalt  }
0x79: {  	_ =	shalt  }
0x7a: {  	_ =	shalt  }
0x7b: {  	_ =	shalt  }
0x7c: {  	_ =	shalt  }
0x7d: {  	_ =	shalt  }
0x7e: {  	_ =	shalt  }
0x7f: {  	_ =	shalt  }
0x80: {  	_ =	shalt  }
0x81: {  	_ =	shalt  }
0x82: {  	_ =	shalt  }
0x83: {  	_ =	shalt  }
0x84: {  	_ =	shalt  }
0x85: {  	_ =	shalt  }
0x86: {  	_ =	shalt  }
0x87: {  	_ =	shalt  }
.Lfunc_end0:
.L_simem_size_0:
called_computation_lowered:
.L_overlay_start_0:
0x88: {  	s2 =	sld [smem:$0x3FD9]  }
0x89: {  	s3 =	sld [smem:$0x3FFE];
	_ =	sdelay $0x1  }
0x8a: {  	s1 =	srdreg.scid  }
0x8b: {  	s0 =	sand.u32 $0x1, s1  }
0x8c: {  	s18 =	sshll.u32 s0, $0xA;
	s2 =	sadd.s32 s3, s2  }
0x8d: {  	s2 =	sadd.s32 s2, s18  }
0x8e: {  	[smem:$0x3FC5] =	sst s2  }
0x8f: {  	_ = 	snop  }
0x90: {  	s2 =	sld [smem:$0x3FC9]  }
0x91: {  	s19 =	sld [smem:$0x3FC8]  }
0x92: {  	s4 =	sld [smem:$0x3FC7]  }
0x93: {  	s5 =	sld [smem:$0x3FD0];
	(tm) =	ssettm $0x1  }
0x94: {  	s6 =	sld [smem:$0x3FFB];
	_ =	sdelay $0x3  }
0x95: {  	_ =	strace s6  }
0x96: {  	s6 =	sld [smem:$0x3FFC];
	_ =	sdelay $0x3  }
0x97: {  	_ =	strace s6  }
0x98: {  	s6 =	sld [smem:$0x3FFD];
	_ =	sdelay $0x3  }
0x99: {  	_ =	strace s6  }
0x9a: {  	_ =	strace $0x8FFFFFFF  }
0x9b: {  	s20 =	sld [smem:$0x3FDB];
	_ =	sdelay $0x1  }
0x9c: {  	s7 =	simm.s32 $_scs_section_size  }
0x9d: {  	s8 =	simm.s32 $_size__tile_overlayer_lowered;
	s9 =	simm.s32 $_tile_overlayer_lowered  }
0x9e: {  	s23 =	simm.s32 $0x1BFF;
	s22 =	sshll.u32 s9, $0x1;
	s6 =	sadd.s32 s7, s20  }
0x9f: {  	s10 =	simm.s32 $0x0;
	s21 =	sshll.u32 s8, $0x1;
	s8 =	sadd.s32 s22, s6  }
0xa0: {  	[timem:s10], [sflag:s23] =	dma.local [hbm:s8], s21  }
0xa1: {  	_ =	swait.ge [sflag:s23], s21  }
0xa2: {  	s7 =	ssub.s32 $0x0, s21;
	[sflag:s23] =	ssyncset.done $0x0  }
0xa3: {  	[sflag:s23] =	ssyncadd.s32 s7;
	_ =	sdelay $0x1  }
0xa4: {  	s24 =	simm.s32 $0x1B8B  }
0xa5: {  	_ =	swait.ge [sflag:s24], $0x1  }
0xa6: {  	[sflag:s24] =	ssyncset.done $0x0  }
0xa7: {  	s25 =	simm.s32 $0x1B8E;
	[sflag:s24] =	ssyncadd.s32 $0xFFFFFFFF  }
0xa8: {  	s26 =	simm.s32 $execute0_lowered;
	[smem:$0x3FD2] =	sst s25  }
0xa9: {  	s7 =	sshll.u32 s26, $0x1;
	_ =	strace $0x80000046;
	[dreg:$0x1] =	wrdreg $0xFFFFFFFF  }
0xaa: {  	s28 =	simm.s32 $_size_execute0_lowered;
	s6 =	sadd.s32 s6, s7;
	[dreg:$0x0] =	wrdreg $0x0  }
0xab: {  	s7 =	sshll.u32 s28, $0x1;
	[dreg:$0x2] =	wrdreg s6  }
0xac: {  	[dreg:$0x3] =	wrdreg s7  }
0xad: {  	[dreg:$0x4] =	wrdreg $0xC0  }
0xae: {  	_ =	task [dreg:s10], $0x5FFFF  }
0xaf: {  	[dreg:$0x1] =	wrdreg $0xFFFFFFFF  }
0xb0: {  	[dreg:$0x0] =	wrdreg $0x60  }
0xb1: {  	[dreg:$0x2] =	wrdreg s2  }
0xb2: {  	[dreg:$0x3] =	wrdreg s19  }
0xb3: {  	[dreg:$0x4] =	wrdreg s4  }
0xb4: {  	[dreg:$0x5] =	wrdreg s5  }
0xb5: {  	[dreg:$0x6] =	wrdreg $0x9  }
0xb6: {  	_ =	task.clear_ibuf [dreg:s10], $0x7FFFF;
	_ =	strace $0x90000046  }
0xb7: {  	s29 =	simm.s32 $0x9;
	_ =	strace $0x80000048  }
0xb8: {  	_ =	swait.ge [sflag:s29], $0x1  }
0xb9: {  	[sflag:s29] =	ssyncadd.s32 $0xFFFFFFFF  }
0xba: {  	_ =	strace $0x90000048  }
0xbb: {  	_ =	sfence  }
0xbc: {  	s30 =	sld [smem:$0x0];
	_ =	sdelay $0x2  }
0xbd: {  	s31 =	sshll.u32 s1, $0xD;
	s1 =	sshrl.u32 s1, $0x2  }
0xbe: {  	s3 =	sand.u32 $0x4000, s31;
	s1 =	sadd.s32 s1, s30  }
0xbf: {  	s0 =	sor.u32 s3, s0;
	s1 =	sshll.u32 s1, $0x11  }
0xc0: {  	s0 =	sor.u32 s1, s0  }
0xc1: {  	s0 =	sadd.s32 $0x8F2B, s0  }
0xc2: {  	[sflag:s0] =	ssyncadd.remote.s32 $0x1  }
0xc3: {  	_ =	sfence.sel $0xFFFF  }
0xc4: {  	[dreg:$0x0] =	wrdreg $0xFFFFFFFF;
	(pc) =	sbr.abs _section_cstart, $3  }
0xc5: {  	[dreg:$0x1] =	wrdreg $0xFFFFFFFF  }
0xc6: {  	_ =	task.clear_ibuf [dreg:s10], $0x2FFFF;
	_ =	strace $0x9FFFFFFF  }
0xc7: {  	(tm) =	ssettm $0x7FFFFFFF  }
tec
execute0_lowered:
.L_overlay_start_1:
0x0: {  	(tag) =	ssettag $0x1  }
0x1: {  	s0 =	rddreg [dreg:$0x0]  }
0x2: {  	s9 =	rddreg [dreg:$0x1]  }
0x3: {  	s1 =	srdreg.scid;
	s3 =	rddreg [dreg:$0x2]  }
0x4: {  	s8 =	stileid.u32;
	s10 =	rddreg [dreg:$0x3]  }
0x5: {  	s5 =	simm.s32 $0x0;
	s1 =	sand.u32 $0x1, s1;
	s2 =	sshll.u32 s8, $0x1  }
0x6: {  	[smem:$0x7FF] =	sst s5;
	s15 =	sadd.s32 $0x400, s10;
	s17 =	sadd.s32 $0x80, s10  }
0x7: {  	s11 =	sadd.s32 $0x100, s10;
	_ =	strace $0x80000047;
	[dreg:$0x5] =	wrdreg s15  }
0x8: {  	s12 =	sadd.s32 $0x180, s10;
	s13 =	sadd.s32 $0x200, s10;
	[dreg:$0x8] =	wrdreg s17  }
0x9: {  	s24 =	smul.u32 $0xC80, s8;
	s26 =	sadd.s32 $0x280, s10;
	[dreg:$0xb] =	wrdreg s11  }
0xa: {  	s29 =	sadd.s32 $0x300, s10;
	s2 =	sor.u32 s1, s2;
	[dreg:$0xd] =	wrdreg s12  }
0xb: {  	s4 =	ssub.s32 $0x2, s1;
	s1 =	smul.u32 $0x640, s1;
	[dreg:$0xf] =	wrdreg s13  }
0xc: {  	[dreg:$0x11] =	wrdreg s26;
	s2 =	smul.u32 $0x640, s2;
	s6 =	sshrl.u32 s4, $0x1  }
0xd: {  	[dreg:$0x13] =	wrdreg s29;
	s4 =	ssub.s32 s4, s6  }
0xe: {  	s1 =	sadd.s32 s1, s24;
	s24 =	sadd.s32 $0x186A00, s9;
	s2 =	sshrl.u32 s2, $0x3  }
0xf: {  	s4 =	smax.u32 s4, $0x1;
	[smem:$0x7F8] =	sst s24;
	s7 =	smul.u32 $0x600, s2  }
0x10: {  	s0 =	sadd.s32 s0, s2;
	[dreg:$0x1e] =	wrdreg s4  }
0x11: {  	[dreg:$0x6] =	wrdreg s0;
	s16 =	sadd.s32 s7, s15  }
0x12: {  	s28 =	simm.s32 $0x1;
	s19 =	sadd.s32 s10, s7;
	[dreg:$0x7] =	wrdreg s16  }
0x13: {  	s30 =	simm.s32 $0x6280;
	s20 =	sadd.s32 s7, s17;
	[dreg:$0x9] =	wrdreg s19  }
0x14: {  	s6 =	simm.s32 $0x2;
	s21 =	sadd.s32 s7, s11;
	[dreg:$0xa] =	wrdreg s20  }
0x15: {  	s24 =	simm.s32 $0x400;
	s23 =	sadd.s32 s7, s12;
	[dreg:$0xc] =	wrdreg s21  }
0x16: {  	s22 =	smul.u32 $0x3000, s2;
	s25 =	sadd.s32 s7, s13;
	[dreg:$0xe] =	wrdreg s23  }
0x17: {  	s4 =	simm.s32 $0x1280;
	s14 =	sadd.s32 s7, s26;
	[dreg:$0x10] =	wrdreg s25  }
0x18: {  	s0 =	sadd.s32 $0x1E000, s22;
	s31 =	sadd.s32 s7, s29;
	[dreg:$0x12] =	wrdreg s14  }
0x19: {  	s15 =	sadd.s32 $0x380, s10;
	s0 =	sshrl.u32 s0, $0x3;
	[dreg:$0x15] =	wrdreg s31  }
0x1a: {  	s16 =	sadd.s32 s7, s15;
	s21 =	sadd.s32 $0xF0, s1;
	s23 =	sadd.s32 $0x50, s1  }
0x1b: {  	s1 =	sadd.s32 $0xA0, s1;
	s25 =	sadd.s32 $0x493E00, s9;
	[dreg:$0x14] =	wrdreg s15  }
0x1c: {  	s14 =	simm.s32 $0x5;
	s18 =	sadd.s32 s10, s0;
	[dreg:$0x1f] =	wrdreg s1  }
0x1d: {  	s7 =	sadd.s32 s0, s17;
	s11 =	sadd.s32 s0, s11;
	[smem:$0x7FA] =	sst s25  }
0x1e: {  	s17 =	sadd.s32 s0, s12;
	s19 =	sadd.s32 s0, s13;
	[dreg:$0x16] =	wrdreg s16  }
0x1f: {  	s20 =	sadd.s32 s0, s26;
	s0 =	sadd.s32 s0, s29;
	[dreg:$0x18] =	wrdreg s7  }
0x20: {  	s22 =	sshrl.u32 s21, $0x3;
	s2 =	sshrl.u32 s23, $0x3;
	[dreg:$0x19] =	wrdreg s11  }
0x21: {  	s25 =	sadd.s32 $0xAAE600, s9;
	s31 =	sadd.s32 $0x47400, s16;
	[dreg:$0x1a] =	wrdreg s17  }
0x22: {  	s13 =	simm.s32 $0x15280;
	s23 =	simm.s32 $0x3A80;
	[dreg:$0x1b] =	wrdreg s19  }
0x23: {  	s12 =	simm.s32 $0x3;
	s16 =	simm.s32 $0x4;
	[dreg:$0x1c] =	wrdreg s20  }
0x24: {  	s1 =	simm.s32 $0x6;
	[dreg:$0x1d] =	wrdreg s0;
	s0 =	smul.u32 $0x600, s22  }
0x25: {  	s2 =	smul.u32 $0x600, s2;
	s17 =	sadd.s32 $0x7A1200, s9;
	s19 =	sadd.s32 $0x100, s3  }
0x26: {  	s22 =	sadd.s32 $0x927C00, s9;
	[dreg:$0x17] =	wrdreg s18;
	s29 =	sadd.s32 $0x400, s18  }
.Ltmp0:
0x27: {  	[smem:$0x7FD] =	sst s31;
	s18 =	simm.s32 $0x7;
	(pc) =	sbr.rel .LBB2_1-.Ltmp0, $4  }
0x28: {  	s20 =	simm.s32 $0x8;
	s7 =	simm.s32 $0x0;
	[smem:$0x7FC] =	sst s29  }
0x29: {  	v2 =	vlaneseq.u32;
	s0 =	sadd.s32 s0, s10;
	s10 =	sadd.s32 $0x30D400, s9;
	s26 =	sadd.s32 s2, s15  }
0x2a: {  	vm0 =	vmmov $0xffff;
	v1 =	vshrl.u32 v2, $0x3;
	s15 =	sadd.s32 $0x61A800, s9;
	s2 =	simm.s32 $0x3000;
	[smem:$0x7F9] =	sst s0  }
0x2b: {  	v0 =	vand.u32 $0x7, v2;
	v2 =	vor.u32 $0x8, v2;
	v1 =	vmul.u32 $0x8, v1;
	s9 =	simm.s32 $0x8A80;
	[smem:$0x7FB] =	sst s26;
	s0 =	simm.s32 $0x50  }
.LBB2_8:
0x2c: {  	_ =	swait.ge [sflag:s16], $0x2800  }
0x2d: {  	s8 =	sld [smem:$0x7FD]  }
0x2e: {  	[sflag:s16] =	ssyncset.done $0x0  }
0x2f: {  	[sflag:s16] =	ssyncadd.s32 $0xFFFFD800  }
0x30: {  	[hbm4b:s8+s24] =	stream.strided.scatter [tilespmem:s9], [sflag:$0x8], $0x2800, s2, s24, $0x38;
	[tilespmem:$0x1F280] =	vst v63  }
0x31: {  	_ =	swait.ge [sflag:s14], $0x2800  }
0x32: {  	[sflag:s14] =	ssyncset.done $0x0  }
0x33: {  	[sflag:s14] =	ssyncadd.s32 $0xFFFFD800  }
0x34: {  	_ =	swait.ge [sflag:s1], $0x2800  }
0x35: {  	[sflag:s1] =	ssyncset.done $0x0  }
0x36: {  	[sflag:s1] =	ssyncadd.s32 $0xFFFFD800  }
0x37: {  	_ =	swait.ge [sflag:s18], $0x2800  }
0x38: {  	[sflag:s18] =	ssyncset.done $0x0  }
0x39: {  	[sflag:s18] =	ssyncadd.s32 $0xFFFFD800  }
0x3a: {  	_ =	swait.ge [sflag:s20], $0x2800  }
0x3b: {  	s7 =	sld [smem:$0x7F7];
	_ =	sdelay $0x2  }
0x3c: {  	s31 =	rddreg [dreg:$0x1e];
	s7 =	sadd.s32 $0x1, s7  }
0x3d: {  	p0 =	sne.s32 s7, s31  }
.Ltmp1:
0x3e: {  	_ = 	snop;
	(pc) =	sbr.rel @!p0 .LBB2_9-.Ltmp1, $3  }
0x3f: {  	_ =	sdelay $0x1  }
0x40: {  	[sflag:s20] =	ssyncset.done $0x0  }
0x41: {  	s13 =	simm.s32 $0x15280;
	[sflag:s20] =	ssyncadd.s32 $0xFFFFD800  }
.LBB2_1:
0x42: {  	[smem:$0x7F7] =	sst s7  }
0x43: {  	s8 =	rddreg [dreg:$0x6];
	s31 =	simm.s32 $0xD  }
0x44: {  	[tilespmem:s5], [sflag:$0xD] =	stream.linear.gather [hbm4b:s8+s5], $0x640, $0x38;
	[tilespmem:$0x1F280] =	vst v63  }
0x45: {  	_ =	swait.ge [sflag:s31], $0x640  }
0x46: {  	[sflag:s31] =	ssyncset.done $0x0  }
0x47: {  	s21 =	simm.s32 $0x0;
	[sflag:s31] =	ssyncadd.s32 $0xFFFFF9C0  }
0x48: {  	v3 =	vld [tilespmem:s21+$0x0];
	_ =	sdelay $0x3  }
0x49: {  	s8 =	simm.s32 $0x6A0  }
0x4a: {  	[tilespmem:s8+$0xFFFFFFE0] =	vst v3  }
0x4b: {  	v3 =	vld [tilespmem:s21+$0x10];
	_ =	sdelay $0x4  }
0x4c: {  	[tilespmem:s8+$0xFFFFFFF0] =	vst v3  }
0x4d: {  	v3 =	vld [tilespmem:s21+$0x20];
	_ =	sdelay $0x4  }
0x4e: {  	[tilespmem:s8+$0x0] =	vst v3  }
0x4f: {  	v3 =	vld [tilespmem:s21+$0x30];
	_ =	sdelay $0x4  }
0x50: {  	[tilespmem:s8+$0x10] =	vst v3  }
0x51: {  	v3 =	vld [tilespmem:s21+$0x40];
	_ =	sdelay $0x4  }
0x52: {  	s26 =	simm.s32 $0x280;
	s21 =	simm.s32 $0x50;
	[tilespmem:s8+$0x20] =	vst v3  }
.LBB2_2:
0x53: {  	p0 =	sne.s32 s26, $0x17C0;
	v3 =	vld [tilespmem:s21+$0x0];
	_ =	sdelay $0x3  }
0x54: {  	s8 =	sadd.s32 $0x80, s8  }
0x55: {  	[tilespmem:s8+$0xFFFFFFE0] =	vst v3  }
0x56: {  	v3 =	vld [tilespmem:s21+$0x10];
	_ =	sdelay $0x4  }
0x57: {  	[tilespmem:s8+$0xFFFFFFF0] =	vst v3  }
0x58: {  	v3 =	vld [tilespmem:s21+$0x20];
	_ =	sdelay $0x4  }
0x59: {  	[tilespmem:s8+$0x0] =	vst v3  }
0x5a: {  	v3 =	vld [tilespmem:s21+$0x30];
	_ =	sdelay $0x4  }
0x5b: {  	[tilespmem:s8+$0x10] =	vst v3  }
0x5c: {  	v3 =	vld [tilespmem:s21+$0x40]  }
.Ltmp2:
0x5d: {  	(pc) =	sbr.rel @p0 .LBB2_2-.Ltmp2, $2  }
0x5e: {  	_ =	sdelay $0x2  }
0x5f: {  	s21 =	sshra.s32 s26, $0x2;
	s26 =	sadd.s32 $0x140, s26;
	[tilespmem:s8+$0x20] =	vst v3  }
0x60: {  	v3 =	vld [tilespmem:s21+$0x0];
	_ =	sdelay $0x3  }
0x61: {  	s8 =	sadd.s32 $0x80, s8  }
0x62: {  	[tilespmem:s8+$0xFFFFFFE0] =	vst v3  }
0x63: {  	v3 =	vld [tilespmem:s21+$0x10];
	_ =	sdelay $0x4  }
0x64: {  	[tilespmem:s8+$0xFFFFFFF0] =	vst v3  }
0x65: {  	v3 =	vld [tilespmem:s21+$0x20];
	_ =	sdelay $0x4  }
0x66: {  	[tilespmem:s8+$0x0] =	vst v3  }
0x67: {  	v3 =	vld [tilespmem:s21+$0x30];
	_ =	sdelay $0x4  }
0x68: {  	[tilespmem:s8+$0x10] =	vst v3  }
0x69: {  	v3 =	vld [tilespmem:s21+$0x40];
	_ =	sdelay $0x4  }
0x6a: {  	[tilespmem:s8+$0x20] =	vst v3  }
0x6b: {  	v3 =	vld [tilespmem:$0x680];
	_ =	sdelay $0x4  }
0x6c: {  	v4 =	vshll.u32 v3, $0x2  }
0x6d: {  	v3 =	vand.u32 $0x7, v3;
	v4 =	vand.u32 $0xFFFFFFE0, v4  }
0x6e: {  	v3 =	vor.u32 v3, v4  }
0x6f: {  	v4 =	vperm.xlane v3, v0;
	_ =	sdelay $0x1  }
0x70: {  	v4 =	vadd.s32 v1, v4;
	_ =	sdelay $0x1  }
0x71: {  	v3 =	vperm.xlane v3, v2;
	_ =	sdelay $0x1  }
0x72: {  	s26 =	simm.s32 $0x0;
	s31 =	simm.s32 $0xB280;
	v3 =	vadd.s32 v1, v3  }
0x73: {  	[tilespmem:s31], [sflag:$0x9] =	stream.indirect_vreg.gather [hbm4b:s3+s26], $0x80, v4, vm0, $0xb8;
	[tilespmem:$0x1F280] =	vst v63  }
0x74: {  	s7 =	simm.s32 $0xBA80  }
0x75: {  	[tilespmem:s7], [sflag:$0x9] =	stream.indirect_vreg.gather [hbm4b:s19+s26], $0x80, v4, vm0, $0xb8;
	[tilespmem:$0x1F280] =	vst v63  }
0x76: {  	s21 =	simm.s32 $0xC280  }
0x77: {  	[tilespmem:s21], [sflag:$0x9] =	stream.indirect_vreg.gather [hbm4b:s3+s26], $0x80, v3, vm0, $0xb8;
	[tilespmem:$0x1F280] =	vst v63  }
0x78: {  	s8 =	simm.s32 $0xCA80  }
0x79: {  	[tilespmem:s8], [sflag:$0x9] =	stream.indirect_vreg.gather [hbm4b:s19+s26], $0x80, v3, vm0, $0xb8;
	[tilespmem:$0x1F280] =	vst v63  }
0x7a: {  	v3 =	vld [tilespmem:$0x690];
	_ =	sdelay $0x4  }
0x7b: {  	v45 =	vshll.u32 v3, $0x2  }
0x7c: {  	v3 =	vand.u32 $0x7, v3;
	v4 =	vand.u32 $0xFFFFFFE0, v45  }
0x7d: {  	v3 =	vor.u32 v3, v4  }
0x7e: {  	v4 =	vperm.xlane v3, v0;
	_ =	sdelay $0x1  }
0x7f: {  	v4 =	vadd.s32 v1, v4;
	_ =	sdelay $0x1  }
0x80: {  	v3 =	vperm.xlane v3, v2;
	_ =	sdelay $0x1  }
0x81: {  	s11 =	simm.s32 $0xD280;
	v3 =	vadd.s32 v1, v3  }
0x82: {  	[tilespmem:s11], [sflag:$0x9] =	stream.indirect_vreg.gather [hbm4b:s3+s26], $0x80, v4, vm0, $0xb8;
	[tilespmem:$0x1F280] =	vst v63  }
0x83: {  	s21 =	simm.s32 $0xDA80  }
0x84: {  	[tilespmem:s21], [sflag:$0x9] =	stream.indirect_vreg.gather [hbm4b:s19+s26], $0x80, v4, vm0, $0xb8;
	[tilespmem:$0x1F280] =	vst v63  }
0x85: {  	s8 =	simm.s32 $0xE280  }
0x86: {  	[tilespmem:s8], [sflag:$0x9] =	stream.indirect_vreg.gather [hbm4b:s3+s26], $0x80, v3, vm0, $0xb8;
	[tilespmem:$0x1F280] =	vst v63  }
0x87: {  	s11 =	simm.s32 $0xEA80  }
0x88: {  	[tilespmem:s11], [sflag:$0x9] =	stream.indirect_vreg.gather [hbm4b:s19+s26], $0x80, v3, vm0, $0xb8;
	[tilespmem:$0x1F280] =	vst v63  }
0x89: {  	v3 =	vld [tilespmem:$0x6A0];
	_ =	sdelay $0x4  }
0x8a: {  	v46 =	vshll.u32 v3, $0x2  }
0x8b: {  	v3 =	vand.u32 $0x7, v3;
	v4 =	vand.u32 $0xFFFFFFE0, v46  }
0x8c: {  	v3 =	vor.u32 v3, v4  }
0x8d: {  	v4 =	vperm.xlane v3, v0;
	_ =	sdelay $0x1  }
0x8e: {  	v4 =	vadd.s32 v1, v4;
	_ =	sdelay $0x1  }
0x8f: {  	v3 =	vperm.xlane v3, v2;
	_ =	sdelay $0x1  }
0x90: {  	s21 =	simm.s32 $0xF280;
	v3 =	vadd.s32 v1, v3  }
0x91: {  	[tilespmem:s21], [sflag:$0x9] =	stream.indirect_vreg.gather [hbm4b:s3+s26], $0x80, v4, vm0, $0xb8;
	[tilespmem:$0x1F280] =	vst v63  }
0x92: {  	s8 =	simm.s32 $0xFA80  }
0x93: {  	[tilespmem:s8], [sflag:$0x9] =	stream.indirect_vreg.gather [hbm4b:s19+s26], $0x80, v4, vm0, $0xb8;
	[tilespmem:$0x1F280] =	vst v63  }
0x94: {  	s11 =	simm.s32 $0x10280  }
0x95: {  	[tilespmem:s11], [sflag:$0x9] =	stream.indirect_vreg.gather [hbm4b:s3+s26], $0x80, v3, vm0, $0xb8;
	[tilespmem:$0x1F280] =	vst v63  }
0x96: {  	s21 =	simm.s32 $0x10A80  }
0x97: {  	[tilespmem:s21], [sflag:$0x9] =	stream.indirect_vreg.gather [hbm4b:s19+s26], $0x80, v3, vm0, $0xb8;
	[tilespmem:$0x1F280] =	vst v63  }
0x98: {  	v3 =	vld [tilespmem:$0x6B0];
	_ =	sdelay $0x4  }
0x99: {  	v47 =	vshll.u32 v3, $0x2  }
0x9a: {  	v3 =	vand.u32 $0x7, v3;
	v4 =	vand.u32 $0xFFFFFFE0, v47  }
0x9b: {  	v3 =	vor.u32 v3, v4  }
0x9c: {  	v4 =	vperm.xlane v3, v0;
	_ =	sdelay $0x1  }
0x9d: {  	v4 =	vadd.s32 v1, v4;
	_ =	sdelay $0x1  }
0x9e: {  	v3 =	vperm.xlane v3, v2;
	_ =	sdelay $0x1  }
0x9f: {  	s8 =	simm.s32 $0x11280;
	v3 =	vadd.s32 v1, v3  }
0xa0: {  	[tilespmem:s8], [sflag:$0x9] =	stream.indirect_vreg.gather [hbm4b:s3+s26], $0x80, v4, vm0, $0xb8;
	[tilespmem:$0x1F280] =	vst v63  }
0xa1: {  	s11 =	simm.s32 $0x11A80  }
0xa2: {  	[tilespmem:s11], [sflag:$0x9] =	stream.indirect_vreg.gather [hbm4b:s19+s26], $0x80, v4, vm0, $0xb8;
	[tilespmem:$0x1F280] =	vst v63  }
0xa3: {  	s21 =	simm.s32 $0x12280  }
0xa4: {  	[tilespmem:s21], [sflag:$0x9] =	stream.indirect_vreg.gather [hbm4b:s3+s26], $0x80, v3, vm0, $0xb8;
	[tilespmem:$0x1F280] =	vst v63  }
0xa5: {  	s8 =	simm.s32 $0x12A80  }
0xa6: {  	[tilespmem:s8], [sflag:$0x9] =	stream.indirect_vreg.gather [hbm4b:s19+s26], $0x80, v3, vm0, $0xb8;
	[tilespmem:$0x1F280] =	vst v63  }
0xa7: {  	v3 =	vld [tilespmem:$0x6C0];
	_ =	sdelay $0x4  }
0xa8: {  	v48 =	vshll.u32 v3, $0x2  }
0xa9: {  	v3 =	vand.u32 $0x7, v3;
	v4 =	vand.u32 $0xFFFFFFE0, v48  }
0xaa: {  	v3 =	vor.u32 v3, v4  }
0xab: {  	v4 =	vperm.xlane v3, v0;
	_ =	sdelay $0x1  }
0xac: {  	v4 =	vadd.s32 v1, v4;
	_ =	sdelay $0x1  }
0xad: {  	v3 =	vperm.xlane v3, v2;
	_ =	sdelay $0x1  }
0xae: {  	s11 =	simm.s32 $0x13280;
	v3 =	vadd.s32 v1, v3  }
0xaf: {  	[tilespmem:s11], [sflag:$0x9] =	stream.indirect_vreg.gather [hbm4b:s3+s26], $0x80, v4, vm0, $0xb8;
	[tilespmem:$0x1F280] =	vst v63  }
0xb0: {  	s21 =	simm.s32 $0x13A80  }
0xb1: {  	[tilespmem:s21], [sflag:$0x9] =	stream.indirect_vreg.gather [hbm4b:s19+s26], $0x80, v4, vm0, $0xb8;
	[tilespmem:$0x1F280] =	vst v63  }
0xb2: {  	s8 =	simm.s32 $0x14280  }
0xb3: {  	[tilespmem:s8], [sflag:$0x9] =	stream.indirect_vreg.gather [hbm4b:s3+s26], $0x80, v3, vm0, $0xb8;
	[tilespmem:$0x1F280] =	vst v63  }
0xb4: {  	s11 =	simm.s32 $0x14A80  }
0xb5: {  	[tilespmem:s11], [sflag:$0x9] =	stream.indirect_vreg.gather [hbm4b:s19+s26], $0x80, v3, vm0, $0xb8;
	[tilespmem:$0x1F280] =	vst v63  }
0xb6: {  	v3 =	vld [tilespmem:$0x700];
	_ =	sdelay $0x4  }
0xb7: {  	v49 =	vshll.u32 v3, $0x2  }
0xb8: {  	v3 =	vand.u32 $0x7, v3;
	v4 =	vand.u32 $0xFFFFFFE0, v49  }
0xb9: {  	v3 =	vor.u32 v3, v4  }
0xba: {  	v4 =	vperm.xlane v3, v0;
	_ =	sdelay $0x1  }
0xbb: {  	v4 =	vadd.s32 v1, v4;
	_ =	sdelay $0x1  }
0xbc: {  	v3 =	vperm.xlane v3, v2;
	_ =	sdelay $0x1  }
0xbd: {  	v3 =	vadd.s32 v1, v3  }
0xbe: {  	[tilespmem:s13], [sflag:$0xA] =	stream.indirect_vreg.gather [hbm4b:s3+s26], $0x80, v4, vm0, $0xb8;
	[tilespmem:$0x1F280] =	vst v63  }
0xbf: {  	s13 =	simm.s32 $0x15A80  }
0xc0: {  	[tilespmem:s13], [sflag:$0xA] =	stream.indirect_vreg.gather [hbm4b:s19+s26], $0x80, v4, vm0, $0xb8;
	[tilespmem:$0x1F280] =	vst v63  }
0xc1: {  	s21 =	simm.s32 $0x16280  }
0xc2: {  	[tilespmem:s21], [sflag:$0xA] =	stream.indirect_vreg.gather [hbm4b:s3+s26], $0x80, v3, vm0, $0xb8;
	[tilespmem:$0x1F280] =	vst v63  }
0xc3: {  	s8 =	simm.s32 $0x16A80  }
0xc4: {  	[tilespmem:s8], [sflag:$0xA] =	stream.indirect_vreg.gather [hbm4b:s19+s26], $0x80, v3, vm0, $0xb8;
	[tilespmem:$0x1F280] =	vst v63  }
0xc5: {  	v3 =	vld [tilespmem:$0x710];
	_ =	sdelay $0x4  }
0xc6: {  	v50 =	vshll.u32 v3, $0x2  }
0xc7: {  	v3 =	vand.u32 $0x7, v3;
	v4 =	vand.u32 $0xFFFFFFE0, v50  }
0xc8: {  	v3 =	vor.u32 v3, v4  }
0xc9: {  	v4 =	vperm.xlane v3, v0;
	_ =	sdelay $0x1  }
0xca: {  	v4 =	vadd.s32 v1, v4;
	_ =	sdelay $0x1  }
0xcb: {  	v3 =	vperm.xlane v3, v2;
	_ =	sdelay $0x1  }
0xcc: {  	s11 =	simm.s32 $0x17280;
	v3 =	vadd.s32 v1, v3  }
0xcd: {  	[tilespmem:s11], [sflag:$0xA] =	stream.indirect_vreg.gather [hbm4b:s3+s26], $0x80, v4, vm0, $0xb8;
	[tilespmem:$0x1F280] =	vst v63  }
0xce: {  	s13 =	simm.s32 $0x17A80  }
0xcf: {  	[tilespmem:s13], [sflag:$0xA] =	stream.indirect_vreg.gather [hbm4b:s19+s26], $0x80, v4, vm0, $0xb8;
	[tilespmem:$0x1F280] =	vst v63  }
0xd0: {  	s21 =	simm.s32 $0x18280  }
0xd1: {  	[tilespmem:s21], [sflag:$0xA] =	stream.indirect_vreg.gather [hbm4b:s3+s26], $0x80, v3, vm0, $0xb8;
	[tilespmem:$0x1F280] =	vst v63  }
0xd2: {  	s8 =	simm.s32 $0x18A80  }
0xd3: {  	[tilespmem:s8], [sflag:$0xA] =	stream.indirect_vreg.gather [hbm4b:s19+s26], $0x80, v3, vm0, $0xb8;
	[tilespmem:$0x1F280] =	vst v63  }
0xd4: {  	v3 =	vld [tilespmem:$0x720];
	_ =	sdelay $0x4  }
0xd5: {  	v51 =	vshll.u32 v3, $0x2  }
0xd6: {  	v3 =	vand.u32 $0x7, v3;
	v4 =	vand.u32 $0xFFFFFFE0, v51  }
0xd7: {  	v3 =	vor.u32 v3, v4  }
0xd8: {  	v4 =	vperm.xlane v3, v0;
	_ =	sdelay $0x1  }
0xd9: {  	v4 =	vadd.s32 v1, v4;
	_ =	sdelay $0x1  }
0xda: {  	v3 =	vperm.xlane v3, v2;
	_ =	sdelay $0x1  }
0xdb: {  	s11 =	simm.s32 $0x19280;
	v3 =	vadd.s32 v1, v3  }
0xdc: {  	[tilespmem:s11], [sflag:$0xA] =	stream.indirect_vreg.gather [hbm4b:s3+s26], $0x80, v4, vm0, $0xb8;
	[tilespmem:$0x1F280] =	vst v63  }
0xdd: {  	s13 =	simm.s32 $0x19A80  }
0xde: {  	[tilespmem:s13], [sflag:$0xA] =	stream.indirect_vreg.gather [hbm4b:s19+s26], $0x80, v4, vm0, $0xb8;
	[tilespmem:$0x1F280] =	vst v63  }
0xdf: {  	s21 =	simm.s32 $0x1A280  }
0xe0: {  	[tilespmem:s21], [sflag:$0xA] =	stream.indirect_vreg.gather [hbm4b:s3+s26], $0x80, v3, vm0, $0xb8;
	[tilespmem:$0x1F280] =	vst v63  }
0xe1: {  	s8 =	simm.s32 $0x1AA80  }
0xe2: {  	[tilespmem:s8], [sflag:$0xA] =	stream.indirect_vreg.gather [hbm4b:s19+s26], $0x80, v3, vm0, $0xb8;
	[tilespmem:$0x1F280] =	vst v63  }
0xe3: {  	v3 =	vld [tilespmem:$0x730];
	_ =	sdelay $0x4  }
0xe4: {  	v52 =	vshll.u32 v3, $0x2  }
0xe5: {  	v3 =	vand.u32 $0x7, v3;
	v4 =	vand.u32 $0xFFFFFFE0, v52  }
0xe6: {  	v3 =	vor.u32 v3, v4  }
0xe7: {  	v4 =	vperm.xlane v3, v0;
	_ =	sdelay $0x1  }
0xe8: {  	v4 =	vadd.s32 v1, v4;
	_ =	sdelay $0x1  }
0xe9: {  	v3 =	vperm.xlane v3, v2;
	_ =	sdelay $0x1  }
0xea: {  	s11 =	simm.s32 $0x1B280;
	v3 =	vadd.s32 v1, v3  }
0xeb: {  	[tilespmem:s11], [sflag:$0xA] =	stream.indirect_vreg.gather [hbm4b:s3+s26], $0x80, v4, vm0, $0xb8;
	[tilespmem:$0x1F280] =	vst v63  }
0xec: {  	s13 =	simm.s32 $0x1BA80  }
0xed: {  	[tilespmem:s13], [sflag:$0xA] =	stream.indirect_vreg.gather [hbm4b:s19+s26], $0x80, v4, vm0, $0xb8;
	[tilespmem:$0x1F280] =	vst v63  }
0xee: {  	s21 =	simm.s32 $0x1C280  }
0xef: {  	[tilespmem:s21], [sflag:$0xA] =	stream.indirect_vreg.gather [hbm4b:s3+s26], $0x80, v3, vm0, $0xb8;
	[tilespmem:$0x1F280] =	vst v63  }
0xf0: {  	s8 =	simm.s32 $0x1CA80  }
0xf1: {  	[tilespmem:s8], [sflag:$0xA] =	stream.indirect_vreg.gather [hbm4b:s19+s26], $0x80, v3, vm0, $0xb8;
	[tilespmem:$0x1F280] =	vst v63  }
0xf2: {  	v3 =	vld [tilespmem:$0x740];
	_ =	sdelay $0x4  }
0xf3: {  	v53 =	vshll.u32 v3, $0x2  }
0xf4: {  	v3 =	vand.u32 $0x7, v3;
	v4 =	vand.u32 $0xFFFFFFE0, v53  }
0xf5: {  	v3 =	vor.u32 v3, v4  }
0xf6: {  	v4 =	vperm.xlane v3, v0;
	_ =	sdelay $0x1  }
0xf7: {  	v4 =	vadd.s32 v1, v4;
	_ =	sdelay $0x1  }
0xf8: {  	v3 =	vperm.xlane v3, v2;
	_ =	sdelay $0x1  }
0xf9: {  	s11 =	simm.s32 $0x1D280;
	v3 =	vadd.s32 v1, v3  }
0xfa: {  	[tilespmem:s11], [sflag:$0xA] =	stream.indirect_vreg.gather [hbm4b:s3+s26], $0x80, v4, vm0, $0xb8;
	[tilespmem:$0x1F280] =	vst v63  }
0xfb: {  	s13 =	simm.s32 $0x1DA80  }
0xfc: {  	[tilespmem:s13], [sflag:$0xA] =	stream.indirect_vreg.gather [hbm4b:s19+s26], $0x80, v4, vm0, $0xb8;
	[tilespmem:$0x1F280] =	vst v63  }
0xfd: {  	s21 =	simm.s32 $0x1E280  }
0xfe: {  	[tilespmem:s21], [sflag:$0xA] =	stream.indirect_vreg.gather [hbm4b:s3+s26], $0x80, v3, vm0, $0xb8;
	[tilespmem:$0x1F280] =	vst v63  }
0xff: {  	s8 =	simm.s32 $0x1EA80;
	s11 =	simm.s32 $0x9  }
0x100: {  	[tilespmem:s8], [sflag:$0xA] =	stream.indirect_vreg.gather [hbm4b:s19+s26], $0x80, v3, vm0, $0xb8;
	[tilespmem:$0x1F280] =	vst v63  }
0x101: {  	_ =	swait.ge [sflag:s11], $0xA000  }
0x102: {  	[sflag:s11] =	ssyncset.done $0x0;
	s13 =	rddreg [dreg:$0x7]  }
0x103: {  	s29 =	simm.s32 $0x1000;
	[sflag:s11] =	ssyncadd.s32 $0xFFFF6000;
	s11 =	sld [smem:$0x7F8]  }
0x104: {  	[hbm4b:s13+s29] =	stream.strided.scatter [tilespmem:s31], [sflag:$0xB], $0xA000, s2, s29, $0x38;
	[tilespmem:$0x1F280] =	vst v63  }
0x105: {  	s7 =	simm.s32 $0x680;
	s8 =	rddreg [dreg:$0x1]  }
0x106: {  	[tilespmem:s4], [sflag:$0x1] =	stream.indirect.gather [hbm4b:s8+s0], $0x80, s7, s0, $0xb8;
	[tilespmem:$0x1F280] =	vst v63  }
0x107: {  	_ = 	snop  }
0x108: {  	[tilespmem:s23], [sflag:$0x2] =	stream.indirect.gather [hbm4b:s11+s0], $0x80, s7, s0, $0xb8;
	[tilespmem:$0x1F280] =	vst v63  }
0x109: {  	_ =	swait.ge [sflag:s28], $0x2800  }
0x10a: {  	[sflag:s28] =	ssyncset.done $0x0  }
0x10b: {  	s21 =	rddreg [dreg:$0x9];
	[sflag:s28] =	ssyncadd.s32 $0xFFFFD800  }
0x10c: {  	[hbm4b:s21+s24] =	stream.strided.scatter [tilespmem:s4], [sflag:$0x5], $0x2800, s2, s24, $0x38;
	[tilespmem:$0x1F280] =	vst v63  }
0x10d: {  	_ = 	snop  }
0x10e: {  	[tilespmem:s30], [sflag:$0x3] =	stream.indirect.gather [hbm4b:s10+s0], $0x80, s7, s0, $0xb8;
	[tilespmem:$0x1F280] =	vst v63  }
0x10f: {  	_ =	swait.ge [sflag:s6], $0x2800  }
0x110: {  	[sflag:s6] =	ssyncset.done $0x0  }
0x111: {  	s21 =	rddreg [dreg:$0xa];
	[sflag:s6] =	ssyncadd.s32 $0xFFFFD800  }
0x112: {  	[hbm4b:s21+s24] =	stream.strided.scatter [tilespmem:s23], [sflag:$0x6], $0x2800, s2, s24, $0x38;
	[tilespmem:$0x1F280] =	vst v63  }
0x113: {  	s21 =	sld [smem:$0x7FA];
	_ =	sdelay $0x2  }
0x114: {  	[tilespmem:s9], [sflag:$0x4] =	stream.indirect.gather [hbm4b:s21+s0], $0x80, s7, s0, $0xb8;
	[tilespmem:$0x1F280] =	vst v63  }
0x115: {  	_ =	swait.ge [sflag:s12], $0x2800  }
0x116: {  	[sflag:s12] =	ssyncset.done $0x0  }
0x117: {  	s13 =	rddreg [dreg:$0xc];
	[sflag:s12] =	ssyncadd.s32 $0xFFFFD800  }
0x118: {  	[hbm4b:s13+s24] =	stream.strided.scatter [tilespmem:s30], [sflag:$0x7], $0x2800, s2, s24, $0x38;
	[tilespmem:$0x1F280] =	vst v63  }
0x119: {  	_ =	swait.ge [sflag:s14], $0x2800  }
0x11a: {  	[sflag:s14] =	ssyncset.done $0x0  }
0x11b: {  	[sflag:s14] =	ssyncadd.s32 $0xFFFFD800  }
0x11c: {  	[tilespmem:s4], [sflag:$0x1] =	stream.indirect.gather [hbm4b:s15+s0], $0x80, s7, s0, $0xb8;
	[tilespmem:$0x1F280] =	vst v63  }
0x11d: {  	_ =	swait.ge [sflag:s16], $0x2800  }
0x11e: {  	[sflag:s16] =	ssyncset.done $0x0  }
0x11f: {  	s13 =	rddreg [dreg:$0xe];
	[sflag:s16] =	ssyncadd.s32 $0xFFFFD800  }
0x120: {  	[hbm4b:s13+s24] =	stream.strided.scatter [tilespmem:s9], [sflag:$0x8], $0x2800, s2, s24, $0x38;
	[tilespmem:$0x1F280] =	vst v63  }
0x121: {  	_ =	swait.ge [sflag:s1], $0x2800  }
0x122: {  	[sflag:s1] =	ssyncset.done $0x0  }
0x123: {  	[sflag:s1] =	ssyncadd.s32 $0xFFFFD800  }
0x124: {  	[tilespmem:s23], [sflag:$0x2] =	stream.indirect.gather [hbm4b:s17+s0], $0x80, s7, s0, $0xb8;
	[tilespmem:$0x1F280] =	vst v63  }
0x125: {  	_ =	swait.ge [sflag:s28], $0x2800  }
0x126: {  	[sflag:s28] =	ssyncset.done $0x0  }
0x127: {  	s13 =	rddreg [dreg:$0x10];
	[sflag:s28] =	ssyncadd.s32 $0xFFFFD800  }
0x128: {  	[hbm4b:s13+s24] =	stream.strided.scatter [tilespmem:s4], [sflag:$0x5], $0x2800, s2, s24, $0x38;
	[tilespmem:$0x1F280] =	vst v63  }
0x129: {  	_ =	swait.ge [sflag:s18], $0x2800  }
0x12a: {  	[sflag:s18] =	ssyncset.done $0x0  }
0x12b: {  	[sflag:s18] =	ssyncadd.s32 $0xFFFFD800  }
0x12c: {  	[tilespmem:s30], [sflag:$0x3] =	stream.indirect.gather [hbm4b:s22+s0], $0x80, s7, s0, $0xb8;
	[tilespmem:$0x1F280] =	vst v63  }
0x12d: {  	_ =	swait.ge [sflag:s6], $0x2800  }
0x12e: {  	[sflag:s6] =	ssyncset.done $0x0  }
0x12f: {  	s13 =	rddreg [dreg:$0x12];
	[sflag:s6] =	ssyncadd.s32 $0xFFFFD800  }
0x130: {  	[hbm4b:s13+s24] =	stream.strided.scatter [tilespmem:s23], [sflag:$0x6], $0x2800, s2, s24, $0x38;
	[tilespmem:$0x1F280] =	vst v63  }
0x131: {  	_ =	swait.ge [sflag:s20], $0x2800  }
0x132: {  	[sflag:s20] =	ssyncset.done $0x0  }
0x133: {  	[sflag:s20] =	ssyncadd.s32 $0xFFFFD800  }
0x134: {  	[tilespmem:s9], [sflag:$0x4] =	stream.indirect.gather [hbm4b:s25+s0], $0x80, s7, s0, $0xb8;
	[tilespmem:$0x1F280] =	vst v63  }
0x135: {  	_ =	swait.ge [sflag:s12], $0x2800  }
0x136: {  	[sflag:s12] =	ssyncset.done $0x0  }
0x137: {  	s13 =	simm.s32 $0xB;
	s7 =	rddreg [dreg:$0x15];
	[sflag:s12] =	ssyncadd.s32 $0xFFFFD800  }
0x138: {  	[hbm4b:s7+s24] =	stream.strided.scatter [tilespmem:s30], [sflag:$0x7], $0x2800, s2, s24, $0x38;
	[tilespmem:$0x1F280] =	vst v63  }
0x139: {  	_ =	swait.ge [sflag:s13], $0xA000  }
0x13a: {  	[sflag:s13] =	ssyncset.done $0x0  }
0x13b: {  	[sflag:s13] =	ssyncadd.s32 $0xFFFF6000  }
0x13c: {  	v3 =	vld [tilespmem:$0x780];
	_ =	sdelay $0x4  }
0x13d: {  	v54 =	vshll.u32 v3, $0x2  }
0x13e: {  	v3 =	vand.u32 $0x7, v3;
	v4 =	vand.u32 $0xFFFFFFE0, v54  }
0x13f: {  	v3 =	vor.u32 v3, v4  }
0x140: {  	v4 =	vperm.xlane v3, v0;
	_ =	sdelay $0x1  }
0x141: {  	v4 =	vadd.s32 v1, v4;
	_ =	sdelay $0x1  }
0x142: {  	v3 =	vperm.xlane v3, v2;
	_ =	sdelay $0x1  }
0x143: {  	v3 =	vadd.s32 v1, v3  }
0x144: {  	[tilespmem:s31], [sflag:$0x9] =	stream.indirect_vreg.gather [hbm4b:s3+s26], $0x80, v4, vm0, $0xb8;
	[tilespmem:$0x1F280] =	vst v63  }
0x145: {  	s13 =	simm.s32 $0xBA80  }
0x146: {  	[tilespmem:s13], [sflag:$0x9] =	stream.indirect_vreg.gather [hbm4b:s19+s26], $0x80, v4, vm0, $0xb8;
	[tilespmem:$0x1F280] =	vst v63  }
0x147: {  	s13 =	simm.s32 $0xC280  }
0x148: {  	[tilespmem:s13], [sflag:$0x9] =	stream.indirect_vreg.gather [hbm4b:s3+s26], $0x80, v3, vm0, $0xb8;
	[tilespmem:$0x1F280] =	vst v63  }
0x149: {  	s13 =	simm.s32 $0xCA80  }
0x14a: {  	[tilespmem:s13], [sflag:$0x9] =	stream.indirect_vreg.gather [hbm4b:s19+s26], $0x80, v3, vm0, $0xb8;
	[tilespmem:$0x1F280] =	vst v63  }
0x14b: {  	v3 =	vld [tilespmem:$0x790];
	_ =	sdelay $0x4  }
0x14c: {  	v55 =	vshll.u32 v3, $0x2  }
0x14d: {  	v3 =	vand.u32 $0x7, v3;
	v4 =	vand.u32 $0xFFFFFFE0, v55  }
0x14e: {  	v3 =	vor.u32 v3, v4  }
0x14f: {  	v4 =	vperm.xlane v3, v0;
	_ =	sdelay $0x1  }
0x150: {  	v4 =	vadd.s32 v1, v4;
	_ =	sdelay $0x1  }
0x151: {  	v3 =	vperm.xlane v3, v2;
	_ =	sdelay $0x1  }
0x152: {  	s13 =	simm.s32 $0xD280;
	v3 =	vadd.s32 v1, v3  }
0x153: {  	[tilespmem:s13], [sflag:$0x9] =	stream.indirect_vreg.gather [hbm4b:s3+s26], $0x80, v4, vm0, $0xb8;
	[tilespmem:$0x1F280] =	vst v63  }
0x154: {  	s13 =	simm.s32 $0xDA80  }
0x155: {  	[tilespmem:s13], [sflag:$0x9] =	stream.indirect_vreg.gather [hbm4b:s19+s26], $0x80, v4, vm0, $0xb8;
	[tilespmem:$0x1F280] =	vst v63  }
0x156: {  	s13 =	simm.s32 $0xE280  }
0x157: {  	[tilespmem:s13], [sflag:$0x9] =	stream.indirect_vreg.gather [hbm4b:s3+s26], $0x80, v3, vm0, $0xb8;
	[tilespmem:$0x1F280] =	vst v63  }
0x158: {  	s13 =	simm.s32 $0xEA80  }
0x159: {  	[tilespmem:s13], [sflag:$0x9] =	stream.indirect_vreg.gather [hbm4b:s19+s26], $0x80, v3, vm0, $0xb8;
	[tilespmem:$0x1F280] =	vst v63  }
0x15a: {  	v3 =	vld [tilespmem:$0x7A0];
	_ =	sdelay $0x4  }
0x15b: {  	v56 =	vshll.u32 v3, $0x2  }
0x15c: {  	v3 =	vand.u32 $0x7, v3;
	v4 =	vand.u32 $0xFFFFFFE0, v56  }
0x15d: {  	v3 =	vor.u32 v3, v4  }
0x15e: {  	v4 =	vperm.xlane v3, v0;
	_ =	sdelay $0x1  }
0x15f: {  	v4 =	vadd.s32 v1, v4;
	_ =	sdelay $0x1  }
0x160: {  	v3 =	vperm.xlane v3, v2;
	_ =	sdelay $0x1  }
0x161: {  	s13 =	simm.s32 $0xF280;
	v3 =	vadd.s32 v1, v3  }
0x162: {  	[tilespmem:s13], [sflag:$0x9] =	stream.indirect_vreg.gather [hbm4b:s3+s26], $0x80, v4, vm0, $0xb8;
	[tilespmem:$0x1F280] =	vst v63  }
0x163: {  	s13 =	simm.s32 $0xFA80  }
0x164: {  	[tilespmem:s13], [sflag:$0x9] =	stream.indirect_vreg.gather [hbm4b:s19+s26], $0x80, v4, vm0, $0xb8;
	[tilespmem:$0x1F280] =	vst v63  }
0x165: {  	s13 =	simm.s32 $0x10280  }
0x166: {  	[tilespmem:s13], [sflag:$0x9] =	stream.indirect_vreg.gather [hbm4b:s3+s26], $0x80, v3, vm0, $0xb8;
	[tilespmem:$0x1F280] =	vst v63  }
0x167: {  	s13 =	simm.s32 $0x10A80  }
0x168: {  	[tilespmem:s13], [sflag:$0x9] =	stream.indirect_vreg.gather [hbm4b:s19+s26], $0x80, v3, vm0, $0xb8;
	[tilespmem:$0x1F280] =	vst v63  }
0x169: {  	v3 =	vld [tilespmem:$0x7B0];
	_ =	sdelay $0x4  }
0x16a: {  	v57 =	vshll.u32 v3, $0x2  }
0x16b: {  	v3 =	vand.u32 $0x7, v3;
	v4 =	vand.u32 $0xFFFFFFE0, v57  }
0x16c: {  	v3 =	vor.u32 v3, v4  }
0x16d: {  	v4 =	vperm.xlane v3, v0;
	_ =	sdelay $0x1  }
0x16e: {  	v4 =	vadd.s32 v1, v4;
	_ =	sdelay $0x1  }
0x16f: {  	v3 =	vperm.xlane v3, v2;
	_ =	sdelay $0x1  }
0x170: {  	s13 =	simm.s32 $0x11280;
	v3 =	vadd.s32 v1, v3  }
0x171: {  	[tilespmem:s13], [sflag:$0x9] =	stream.indirect_vreg.gather [hbm4b:s3+s26], $0x80, v4, vm0, $0xb8;
	[tilespmem:$0x1F280] =	vst v63  }
0x172: {  	s13 =	simm.s32 $0x11A80  }
0x173: {  	[tilespmem:s13], [sflag:$0x9] =	stream.indirect_vreg.gather [hbm4b:s19+s26], $0x80, v4, vm0, $0xb8;
	[tilespmem:$0x1F280] =	vst v63  }
0x174: {  	s13 =	simm.s32 $0x12280  }
0x175: {  	[tilespmem:s13], [sflag:$0x9] =	stream.indirect_vreg.gather [hbm4b:s3+s26], $0x80, v3, vm0, $0xb8;
	[tilespmem:$0x1F280] =	vst v63  }
0x176: {  	s13 =	simm.s32 $0x12A80  }
0x177: {  	[tilespmem:s13], [sflag:$0x9] =	stream.indirect_vreg.gather [hbm4b:s19+s26], $0x80, v3, vm0, $0xb8;
	[tilespmem:$0x1F280] =	vst v63  }
0x178: {  	v3 =	vld [tilespmem:$0x7C0];
	_ =	sdelay $0x4  }
0x179: {  	v58 =	vshll.u32 v3, $0x2  }
0x17a: {  	v3 =	vand.u32 $0x7, v3;
	v4 =	vand.u32 $0xFFFFFFE0, v58  }
0x17b: {  	v3 =	vor.u32 v3, v4  }
0x17c: {  	v4 =	vperm.xlane v3, v0;
	_ =	sdelay $0x1  }
0x17d: {  	v4 =	vadd.s32 v1, v4;
	_ =	sdelay $0x1  }
0x17e: {  	v3 =	vperm.xlane v3, v2;
	_ =	sdelay $0x1  }
0x17f: {  	s13 =	simm.s32 $0x13280;
	v3 =	vadd.s32 v1, v3  }
0x180: {  	[tilespmem:s13], [sflag:$0x9] =	stream.indirect_vreg.gather [hbm4b:s3+s26], $0x80, v4, vm0, $0xb8;
	[tilespmem:$0x1F280] =	vst v63  }
0x181: {  	s13 =	simm.s32 $0x13A80  }
0x182: {  	[tilespmem:s13], [sflag:$0x9] =	stream.indirect_vreg.gather [hbm4b:s19+s26], $0x80, v4, vm0, $0xb8;
	[tilespmem:$0x1F280] =	vst v63  }
0x183: {  	s13 =	simm.s32 $0x14280  }
0x184: {  	[tilespmem:s13], [sflag:$0x9] =	stream.indirect_vreg.gather [hbm4b:s3+s26], $0x80, v3, vm0, $0xb8;
	[tilespmem:$0x1F280] =	vst v63  }
0x185: {  	s13 =	simm.s32 $0x14A80  }
0x186: {  	[tilespmem:s13], [sflag:$0x9] =	stream.indirect_vreg.gather [hbm4b:s19+s26], $0x80, v3, vm0, $0xb8;
	[tilespmem:$0x1F280] =	vst v63  }
0x187: {  	s13 =	simm.s32 $0xA  }
0x188: {  	_ =	swait.ge [sflag:s13], $0xA000  }
0x189: {  	[sflag:s13] =	ssyncset.done $0x0  }
0x18a: {  	[sflag:s13] =	ssyncadd.s32 $0xFFFF6000;
	s13 =	sld [smem:$0x7FC];
	_ =	sdelay $0x1  }
0x18b: {  	s7 =	simm.s32 $0x15280  }
0x18c: {  	[hbm4b:s13+s29] =	stream.strided.scatter [tilespmem:s7], [sflag:$0xC], $0xA000, s2, s29, $0x38;
	[tilespmem:$0x1F280] =	vst v63  }
0x18d: {  	_ =	swait.ge [sflag:s14], $0x2800  }
0x18e: {  	[sflag:s14] =	ssyncset.done $0x0  }
0x18f: {  	s7 =	simm.s32 $0x700;
	[sflag:s14] =	ssyncadd.s32 $0xFFFFD800  }
0x190: {  	[tilespmem:s4], [sflag:$0x1] =	stream.indirect.gather [hbm4b:s8+s0], $0x80, s7, s0, $0xb8;
	[tilespmem:$0x1F280] =	vst v63  }
0x191: {  	_ =	swait.ge [sflag:s16], $0x2800  }
0x192: {  	[sflag:s16] =	ssyncset.done $0x0  }
0x193: {  	s8 =	rddreg [dreg:$0x16];
	[sflag:s16] =	ssyncadd.s32 $0xFFFFD800  }
0x194: {  	[hbm4b:s8+s24] =	stream.strided.scatter [tilespmem:s9], [sflag:$0x8], $0x2800, s2, s24, $0x38;
	[tilespmem:$0x1F280] =	vst v63  }
0x195: {  	_ =	swait.ge [sflag:s1], $0x2800  }
0x196: {  	[sflag:s1] =	ssyncset.done $0x0  }
0x197: {  	[sflag:s1] =	ssyncadd.s32 $0xFFFFD800  }
0x198: {  	[tilespmem:s23], [sflag:$0x2] =	stream.indirect.gather [hbm4b:s11+s0], $0x80, s7, s0, $0xb8;
	[tilespmem:$0x1F280] =	vst v63  }
0x199: {  	_ =	swait.ge [sflag:s28], $0x2800  }
0x19a: {  	[sflag:s28] =	ssyncset.done $0x0  }
0x19b: {  	s11 =	rddreg [dreg:$0x17];
	[sflag:s28] =	ssyncadd.s32 $0xFFFFD800  }
0x19c: {  	[hbm4b:s11+s24] =	stream.strided.scatter [tilespmem:s4], [sflag:$0x5], $0x2800, s2, s24, $0x38;
	[tilespmem:$0x1F280] =	vst v63  }
0x19d: {  	_ =	swait.ge [sflag:s18], $0x2800  }
0x19e: {  	[sflag:s18] =	ssyncset.done $0x0  }
0x19f: {  	[sflag:s18] =	ssyncadd.s32 $0xFFFFD800  }
0x1a0: {  	[tilespmem:s30], [sflag:$0x3] =	stream.indirect.gather [hbm4b:s10+s0], $0x80, s7, s0, $0xb8;
	[tilespmem:$0x1F280] =	vst v63  }
0x1a1: {  	_ =	swait.ge [sflag:s6], $0x2800  }
0x1a2: {  	[sflag:s6] =	ssyncset.done $0x0  }
0x1a3: {  	s11 =	rddreg [dreg:$0x18];
	[sflag:s6] =	ssyncadd.s32 $0xFFFFD800  }
0x1a4: {  	[hbm4b:s11+s24] =	stream.strided.scatter [tilespmem:s23], [sflag:$0x6], $0x2800, s2, s24, $0x38;
	[tilespmem:$0x1F280] =	vst v63  }
0x1a5: {  	_ =	swait.ge [sflag:s20], $0x2800  }
0x1a6: {  	[sflag:s20] =	ssyncset.done $0x0  }
0x1a7: {  	[sflag:s20] =	ssyncadd.s32 $0xFFFFD800  }
0x1a8: {  	[tilespmem:s9], [sflag:$0x4] =	stream.indirect.gather [hbm4b:s21+s0], $0x80, s7, s0, $0xb8;
	[tilespmem:$0x1F280] =	vst v63  }
0x1a9: {  	_ =	swait.ge [sflag:s12], $0x2800  }
0x1aa: {  	[sflag:s12] =	ssyncset.done $0x0  }
0x1ab: {  	s11 =	rddreg [dreg:$0x19];
	[sflag:s12] =	ssyncadd.s32 $0xFFFFD800  }
0x1ac: {  	[hbm4b:s11+s24] =	stream.strided.scatter [tilespmem:s30], [sflag:$0x7], $0x2800, s2, s24, $0x38;
	[tilespmem:$0x1F280] =	vst v63  }
0x1ad: {  	_ =	swait.ge [sflag:s14], $0x2800  }
0x1ae: {  	[sflag:s14] =	ssyncset.done $0x0  }
0x1af: {  	[sflag:s14] =	ssyncadd.s32 $0xFFFFD800  }
0x1b0: {  	[tilespmem:s4], [sflag:$0x1] =	stream.indirect.gather [hbm4b:s15+s0], $0x80, s7, s0, $0xb8;
	[tilespmem:$0x1F280] =	vst v63  }
0x1b1: {  	_ =	swait.ge [sflag:s16], $0x2800  }
0x1b2: {  	[sflag:s16] =	ssyncset.done $0x0  }
0x1b3: {  	s21 =	rddreg [dreg:$0x1a];
	[sflag:s16] =	ssyncadd.s32 $0xFFFFD800  }
0x1b4: {  	[hbm4b:s21+s24] =	stream.strided.scatter [tilespmem:s9], [sflag:$0x8], $0x2800, s2, s24, $0x38;
	[tilespmem:$0x1F280] =	vst v63  }
0x1b5: {  	_ =	swait.ge [sflag:s1], $0x2800  }
0x1b6: {  	[sflag:s1] =	ssyncset.done $0x0  }
0x1b7: {  	[sflag:s1] =	ssyncadd.s32 $0xFFFFD800  }
0x1b8: {  	[tilespmem:s23], [sflag:$0x2] =	stream.indirect.gather [hbm4b:s17+s0], $0x80, s7, s0, $0xb8;
	[tilespmem:$0x1F280] =	vst v63  }
0x1b9: {  	_ =	swait.ge [sflag:s28], $0x2800  }
0x1ba: {  	[sflag:s28] =	ssyncset.done $0x0  }
0x1bb: {  	s11 =	rddreg [dreg:$0x1b];
	[sflag:s28] =	ssyncadd.s32 $0xFFFFD800  }
0x1bc: {  	[hbm4b:s11+s24] =	stream.strided.scatter [tilespmem:s4], [sflag:$0x5], $0x2800, s2, s24, $0x38;
	[tilespmem:$0x1F280] =	vst v63  }
0x1bd: {  	_ =	swait.ge [sflag:s18], $0x2800  }
0x1be: {  	[sflag:s18] =	ssyncset.done $0x0  }
0x1bf: {  	[sflag:s18] =	ssyncadd.s32 $0xFFFFD800  }
0x1c0: {  	[tilespmem:s30], [sflag:$0x3] =	stream.indirect.gather [hbm4b:s22+s0], $0x80, s7, s0, $0xb8;
	[tilespmem:$0x1F280] =	vst v63  }
0x1c1: {  	_ =	swait.ge [sflag:s6], $0x2800  }
0x1c2: {  	[sflag:s6] =	ssyncset.done $0x0  }
0x1c3: {  	s21 =	rddreg [dreg:$0x1c];
	[sflag:s6] =	ssyncadd.s32 $0xFFFFD800  }
0x1c4: {  	[hbm4b:s21+s24] =	stream.strided.scatter [tilespmem:s23], [sflag:$0x6], $0x2800, s2, s24, $0x38;
	[tilespmem:$0x1F280] =	vst v63  }
0x1c5: {  	_ =	swait.ge [sflag:s20], $0x2800  }
0x1c6: {  	[sflag:s20] =	ssyncset.done $0x0  }
0x1c7: {  	[sflag:s20] =	ssyncadd.s32 $0xFFFFD800  }
0x1c8: {  	[tilespmem:s9], [sflag:$0x4] =	stream.indirect.gather [hbm4b:s25+s0], $0x80, s7, s0, $0xb8;
	[tilespmem:$0x1F280] =	vst v63  }
0x1c9: {  	_ =	swait.ge [sflag:s12], $0x2800  }
0x1ca: {  	[sflag:s12] =	ssyncset.done $0x0  }
0x1cb: {  	s8 =	simm.s32 $0xC;
	s7 =	rddreg [dreg:$0x1d];
	[sflag:s12] =	ssyncadd.s32 $0xFFFFD800  }
0x1cc: {  	[hbm4b:s7+s24] =	stream.strided.scatter [tilespmem:s30], [sflag:$0x7], $0x2800, s2, s24, $0x38;
	[tilespmem:$0x1F280] =	vst v63  }
0x1cd: {  	_ =	swait.ge [sflag:s8], $0xA000  }
0x1ce: {  	[sflag:s8] =	ssyncset.done $0x0  }
0x1cf: {  	[sflag:s8] =	ssyncadd.s32 $0xFFFF6000  }
0x1d0: {  	v3 =	vld [tilespmem:$0x800];
	_ =	sdelay $0x4  }
0x1d1: {  	v59 =	vshll.u32 v3, $0x2  }
0x1d2: {  	v3 =	vand.u32 $0x7, v3;
	v4 =	vand.u32 $0xFFFFFFE0, v59  }
0x1d3: {  	v3 =	vor.u32 v3, v4  }
0x1d4: {  	v4 =	vperm.xlane v3, v0;
	_ =	sdelay $0x1  }
0x1d5: {  	v4 =	vadd.s32 v1, v4;
	_ =	sdelay $0x1  }
0x1d6: {  	v3 =	vperm.xlane v3, v2;
	_ =	sdelay $0x1  }
0x1d7: {  	s13 =	simm.s32 $0x15280;
	v3 =	vadd.s32 v1, v3  }
0x1d8: {  	[tilespmem:s13], [sflag:$0xA] =	stream.indirect_vreg.gather [hbm4b:s3+s26], $0x80, v4, vm0, $0xb8;
	[tilespmem:$0x1F280] =	vst v63  }
0x1d9: {  	s11 =	simm.s32 $0x15A80  }
0x1da: {  	[tilespmem:s11], [sflag:$0xA] =	stream.indirect_vreg.gather [hbm4b:s19+s26], $0x80, v4, vm0, $0xb8;
	[tilespmem:$0x1F280] =	vst v63  }
0x1db: {  	s13 =	simm.s32 $0x16280  }
0x1dc: {  	[tilespmem:s13], [sflag:$0xA] =	stream.indirect_vreg.gather [hbm4b:s3+s26], $0x80, v3, vm0, $0xb8;
	[tilespmem:$0x1F280] =	vst v63  }
0x1dd: {  	s21 =	simm.s32 $0x16A80  }
0x1de: {  	[tilespmem:s21], [sflag:$0xA] =	stream.indirect_vreg.gather [hbm4b:s19+s26], $0x80, v3, vm0, $0xb8;
	[tilespmem:$0x1F280] =	vst v63  }
0x1df: {  	v3 =	vld [tilespmem:$0x810];
	_ =	sdelay $0x4  }
0x1e0: {  	v60 =	vshll.u32 v3, $0x2  }
0x1e1: {  	v3 =	vand.u32 $0x7, v3;
	v4 =	vand.u32 $0xFFFFFFE0, v60  }
0x1e2: {  	v3 =	vor.u32 v3, v4  }
0x1e3: {  	v4 =	vperm.xlane v3, v0;
	_ =	sdelay $0x1  }
0x1e4: {  	v4 =	vadd.s32 v1, v4;
	_ =	sdelay $0x1  }
0x1e5: {  	v3 =	vperm.xlane v3, v2;
	_ =	sdelay $0x1  }
0x1e6: {  	s8 =	simm.s32 $0x17280;
	v3 =	vadd.s32 v1, v3  }
0x1e7: {  	[tilespmem:s8], [sflag:$0xA] =	stream.indirect_vreg.gather [hbm4b:s3+s26], $0x80, v4, vm0, $0xb8;
	[tilespmem:$0x1F280] =	vst v63  }
0x1e8: {  	s11 =	simm.s32 $0x17A80  }
0x1e9: {  	[tilespmem:s11], [sflag:$0xA] =	stream.indirect_vreg.gather [hbm4b:s19+s26], $0x80, v4, vm0, $0xb8;
	[tilespmem:$0x1F280] =	vst v63  }
0x1ea: {  	s13 =	simm.s32 $0x18280  }
0x1eb: {  	[tilespmem:s13], [sflag:$0xA] =	stream.indirect_vreg.gather [hbm4b:s3+s26], $0x80, v3, vm0, $0xb8;
	[tilespmem:$0x1F280] =	vst v63  }
0x1ec: {  	s21 =	simm.s32 $0x18A80  }
0x1ed: {  	[tilespmem:s21], [sflag:$0xA] =	stream.indirect_vreg.gather [hbm4b:s19+s26], $0x80, v3, vm0, $0xb8;
	[tilespmem:$0x1F280] =	vst v63  }
0x1ee: {  	v3 =	vld [tilespmem:$0x820];
	_ =	sdelay $0x4  }
0x1ef: {  	v61 =	vshll.u32 v3, $0x2  }
0x1f0: {  	v3 =	vand.u32 $0x7, v3;
	v4 =	vand.u32 $0xFFFFFFE0, v61  }
0x1f1: {  	v3 =	vor.u32 v3, v4  }
0x1f2: {  	v4 =	vperm.xlane v3, v0;
	_ =	sdelay $0x1  }
0x1f3: {  	v4 =	vadd.s32 v1, v4;
	_ =	sdelay $0x1  }
0x1f4: {  	v3 =	vperm.xlane v3, v2;
	_ =	sdelay $0x1  }
0x1f5: {  	s8 =	simm.s32 $0x19280;
	v3 =	vadd.s32 v1, v3  }
0x1f6: {  	[tilespmem:s8], [sflag:$0xA] =	stream.indirect_vreg.gather [hbm4b:s3+s26], $0x80, v4, vm0, $0xb8;
	[tilespmem:$0x1F280] =	vst v63  }
0x1f7: {  	s11 =	simm.s32 $0x19A80  }
0x1f8: {  	[tilespmem:s11], [sflag:$0xA] =	stream.indirect_vreg.gather [hbm4b:s19+s26], $0x80, v4, vm0, $0xb8;
	[tilespmem:$0x1F280] =	vst v63  }
0x1f9: {  	s13 =	simm.s32 $0x1A280  }
0x1fa: {  	[tilespmem:s13], [sflag:$0xA] =	stream.indirect_vreg.gather [hbm4b:s3+s26], $0x80, v3, vm0, $0xb8;
	[tilespmem:$0x1F280] =	vst v63  }
0x1fb: {  	s21 =	simm.s32 $0x1AA80  }
0x1fc: {  	[tilespmem:s21], [sflag:$0xA] =	stream.indirect_vreg.gather [hbm4b:s19+s26], $0x80, v3, vm0, $0xb8;
	[tilespmem:$0x1F280] =	vst v63  }
0x1fd: {  	v3 =	vld [tilespmem:$0x830];
	_ =	sdelay $0x4  }
0x1fe: {  	v62 =	vshll.u32 v3, $0x2  }
0x1ff: {  	v3 =	vand.u32 $0x7, v3;
	v4 =	vand.u32 $0xFFFFFFE0, v62  }
0x200: {  	v3 =	vor.u32 v3, v4  }
0x201: {  	v4 =	vperm.xlane v3, v0;
	_ =	sdelay $0x1  }
0x202: {  	v4 =	vadd.s32 v1, v4;
	_ =	sdelay $0x1  }
0x203: {  	v3 =	vperm.xlane v3, v2;
	_ =	sdelay $0x1  }
0x204: {  	s8 =	simm.s32 $0x1B280;
	v3 =	vadd.s32 v1, v3  }
0x205: {  	[tilespmem:s8], [sflag:$0xA] =	stream.indirect_vreg.gather [hbm4b:s3+s26], $0x80, v4, vm0, $0xb8;
	[tilespmem:$0x1F280] =	vst v63  }
0x206: {  	s11 =	simm.s32 $0x1BA80  }
0x207: {  	[tilespmem:s11], [sflag:$0xA] =	stream.indirect_vreg.gather [hbm4b:s19+s26], $0x80, v4, vm0, $0xb8;
	[tilespmem:$0x1F280] =	vst v63  }
0x208: {  	s13 =	simm.s32 $0x1C280  }
0x209: {  	[tilespmem:s13], [sflag:$0xA] =	stream.indirect_vreg.gather [hbm4b:s3+s26], $0x80, v3, vm0, $0xb8;
	[tilespmem:$0x1F280] =	vst v63  }
0x20a: {  	s21 =	simm.s32 $0x1CA80  }
0x20b: {  	[tilespmem:s21], [sflag:$0xA] =	stream.indirect_vreg.gather [hbm4b:s19+s26], $0x80, v3, vm0, $0xb8;
	[tilespmem:$0x1F280] =	vst v63  }
0x20c: {  	v3 =	vld [tilespmem:$0x840];
	_ =	sdelay $0x4  }
0x20d: {  	v63 =	vshll.u32 v3, $0x2  }
0x20e: {  	v3 =	vand.u32 $0x7, v3;
	v4 =	vand.u32 $0xFFFFFFE0, v63  }
0x20f: {  	v3 =	vor.u32 v3, v4  }
0x210: {  	v4 =	vperm.xlane v3, v0;
	_ =	sdelay $0x1  }
0x211: {  	v4 =	vadd.s32 v1, v4;
	_ =	sdelay $0x1  }
0x212: {  	v3 =	vperm.xlane v3, v2;
	_ =	sdelay $0x1  }
0x213: {  	s8 =	simm.s32 $0x1D280;
	v3 =	vadd.s32 v1, v3  }
0x214: {  	[tilespmem:s8], [sflag:$0xA] =	stream.indirect_vreg.gather [hbm4b:s3+s26], $0x80, v4, vm0, $0xb8;
	[tilespmem:$0x1F280] =	vst v63  }
0x215: {  	s11 =	simm.s32 $0x1DA80  }
0x216: {  	[tilespmem:s11], [sflag:$0xA] =	stream.indirect_vreg.gather [hbm4b:s19+s26], $0x80, v4, vm0, $0xb8;
	[tilespmem:$0x1F280] =	vst v63  }
0x217: {  	s13 =	simm.s32 $0x1E280  }
0x218: {  	[tilespmem:s13], [sflag:$0xA] =	stream.indirect_vreg.gather [hbm4b:s3+s26], $0x80, v3, vm0, $0xb8;
	[tilespmem:$0x1F280] =	vst v63  }
0x219: {  	s29 =	simm.s32 $0x800;
	s31 =	rddreg [dreg:$0x1f];
	s21 =	simm.s32 $0x1EA80  }
0x21a: {  	[tilespmem:s21], [sflag:$0xA] =	stream.indirect_vreg.gather [hbm4b:s19+s26], $0x80, v3, vm0, $0xb8;
	[tilespmem:$0x1F280] =	vst v63  }
.LBB2_4:
0x21b: {  	s7 =	simm.s32 $0x9  }
0x21c: {  	s8 =	sshrl.u32 s31, $0x3;
	_ =	swait.ge [sflag:s7], $0xA000  }
0x21d: {  	s21 =	smul.u32 $0x600, s8;
	[sflag:s7] =	ssyncset.done $0x0  }
0x21e: {  	[sflag:s7] =	ssyncadd.s32 $0xFFFF6000;
	s7 =	rddreg [dreg:$0x5]  }
0x21f: {  	s13 =	simm.s32 $0xB280;
	s11 =	simm.s32 $0x1000;
	s8 =	sadd.s32 s21, s7  }
0x220: {  	[hbm4b:s8+s11] =	stream.strided.scatter [tilespmem:s13], [sflag:$0xB], $0xA000, s2, s11, $0x38;
	[tilespmem:$0x1F280] =	vst v63  }
0x221: {  	_ =	swait.ge [sflag:s14], $0x2800  }
0x222: {  	[sflag:s14] =	ssyncset.done $0x0  }
0x223: {  	[sflag:s14] =	ssyncadd.s32 $0xFFFFD800  }
0x224: {  	s8 =	sadd.s32 $0xFFFFFF80, s29;
	s7 =	rddreg [dreg:$0x1]  }
0x225: {  	[tilespmem:s4], [sflag:$0x1] =	stream.indirect.gather [hbm4b:s7+s0], $0x80, s8, s0, $0xb8;
	[tilespmem:$0x1F280] =	vst v63  }
0x226: {  	_ =	swait.ge [sflag:s16], $0x2800  }
0x227: {  	s11 =	sld [smem:$0x7FB];
	_ =	sdelay $0x1  }
0x228: {  	[sflag:s16] =	ssyncset.done $0x0  }
0x229: {  	[sflag:s16] =	ssyncadd.s32 $0xFFFFD800;
	s13 =	sadd.s32 s26, s11  }
0x22a: {  	[hbm4b:s13+s24] =	stream.strided.scatter [tilespmem:s9], [sflag:$0x8], $0x2800, s2, s24, $0x38;
	[tilespmem:$0x1F280] =	vst v63  }
0x22b: {  	_ =	swait.ge [sflag:s1], $0x2800  }
0x22c: {  	s13 =	sld [smem:$0x7F8]  }
0x22d: {  	[sflag:s1] =	ssyncset.done $0x0  }
0x22e: {  	[sflag:s1] =	ssyncadd.s32 $0xFFFFD800  }
0x22f: {  	[tilespmem:s23], [sflag:$0x2] =	stream.indirect.gather [hbm4b:s13+s0], $0x80, s8, s0, $0xb8;
	[tilespmem:$0x1F280] =	vst v63  }
0x230: {  	_ =	swait.ge [sflag:s28], $0x2800  }
0x231: {  	[sflag:s28] =	ssyncset.done $0x0  }
0x232: {  	[sflag:s28] =	ssyncadd.s32 $0xFFFFD800  }
0x233: {  	s7 =	rddreg [dreg:$0x3]  }
0x234: {  	s13 =	sadd.s32 s7, s21  }
0x235: {  	[hbm4b:s13+s24] =	stream.strided.scatter [tilespmem:s4], [sflag:$0x5], $0x2800, s2, s24, $0x38;
	[tilespmem:$0x1F280] =	vst v63  }
0x236: {  	_ =	swait.ge [sflag:s18], $0x2800  }
0x237: {  	[sflag:s18] =	ssyncset.done $0x0  }
0x238: {  	[sflag:s18] =	ssyncadd.s32 $0xFFFFD800  }
0x239: {  	[tilespmem:s30], [sflag:$0x3] =	stream.indirect.gather [hbm4b:s10+s0], $0x80, s8, s0, $0xb8;
	[tilespmem:$0x1F280] =	vst v63  }
0x23a: {  	_ =	swait.ge [sflag:s6], $0x2800  }
0x23b: {  	s11 =	smov.u32 s10;
	[sflag:s6] =	ssyncset.done $0x0;
	s10 =	rddreg [dreg:$0x8]  }
0x23c: {  	[sflag:s6] =	ssyncadd.s32 $0xFFFFD800;
	s13 =	sadd.s32 s21, s10  }
0x23d: {  	[hbm4b:s13+s24] =	stream.strided.scatter [tilespmem:s23], [sflag:$0x6], $0x2800, s2, s24, $0x38;
	[tilespmem:$0x1F280] =	vst v63  }
0x23e: {  	_ =	swait.ge [sflag:s20], $0x2800  }
0x23f: {  	s13 =	sld [smem:$0x7FA]  }
0x240: {  	[sflag:s20] =	ssyncset.done $0x0  }
0x241: {  	[sflag:s20] =	ssyncadd.s32 $0xFFFFD800  }
0x242: {  	[tilespmem:s9], [sflag:$0x4] =	stream.indirect.gather [hbm4b:s13+s0], $0x80, s8, s0, $0xb8;
	[tilespmem:$0x1F280] =	vst v63  }
0x243: {  	_ =	swait.ge [sflag:s12], $0x2800  }
0x244: {  	[sflag:s12] =	ssyncset.done $0x0;
	s10 =	rddreg [dreg:$0xb]  }
0x245: {  	[sflag:s12] =	ssyncadd.s32 $0xFFFFD800;
	s13 =	sadd.s32 s21, s10  }
0x246: {  	[hbm4b:s13+s24] =	stream.strided.scatter [tilespmem:s30], [sflag:$0x7], $0x2800, s2, s24, $0x38;
	[tilespmem:$0x1F280] =	vst v63  }
0x247: {  	_ =	swait.ge [sflag:s14], $0x2800  }
0x248: {  	[sflag:s14] =	ssyncset.done $0x0  }
0x249: {  	[sflag:s14] =	ssyncadd.s32 $0xFFFFD800  }
0x24a: {  	[tilespmem:s4], [sflag:$0x1] =	stream.indirect.gather [hbm4b:s15+s0], $0x80, s8, s0, $0xb8;
	[tilespmem:$0x1F280] =	vst v63  }
0x24b: {  	_ =	swait.ge [sflag:s16], $0x2800  }
0x24c: {  	[sflag:s16] =	ssyncset.done $0x0;
	s7 =	rddreg [dreg:$0xd]  }
0x24d: {  	[sflag:s16] =	ssyncadd.s32 $0xFFFFD800;
	s13 =	sadd.s32 s21, s7  }
0x24e: {  	[hbm4b:s13+s24] =	stream.strided.scatter [tilespmem:s9], [sflag:$0x8], $0x2800, s2, s24, $0x38;
	[tilespmem:$0x1F280] =	vst v63  }
0x24f: {  	_ =	swait.ge [sflag:s1], $0x2800  }
0x250: {  	[sflag:s1] =	ssyncset.done $0x0  }
0x251: {  	[sflag:s1] =	ssyncadd.s32 $0xFFFFD800  }
0x252: {  	[tilespmem:s23], [sflag:$0x2] =	stream.indirect.gather [hbm4b:s17+s0], $0x80, s8, s0, $0xb8;
	[tilespmem:$0x1F280] =	vst v63  }
0x253: {  	_ =	swait.ge [sflag:s28], $0x2800  }
0x254: {  	[sflag:s28] =	ssyncset.done $0x0;
	s10 =	rddreg [dreg:$0xf]  }
0x255: {  	[sflag:s28] =	ssyncadd.s32 $0xFFFFD800;
	s13 =	sadd.s32 s21, s10  }
0x256: {  	[hbm4b:s13+s24] =	stream.strided.scatter [tilespmem:s4], [sflag:$0x5], $0x2800, s2, s24, $0x38;
	[tilespmem:$0x1F280] =	vst v63  }
0x257: {  	_ =	swait.ge [sflag:s18], $0x2800  }
0x258: {  	[sflag:s18] =	ssyncset.done $0x0  }
0x259: {  	[sflag:s18] =	ssyncadd.s32 $0xFFFFD800  }
0x25a: {  	[tilespmem:s30], [sflag:$0x3] =	stream.indirect.gather [hbm4b:s22+s0], $0x80, s8, s0, $0xb8;
	[tilespmem:$0x1F280] =	vst v63  }
0x25b: {  	_ =	swait.ge [sflag:s6], $0x2800  }
0x25c: {  	[sflag:s6] =	ssyncset.done $0x0;
	s7 =	rddreg [dreg:$0x11]  }
0x25d: {  	[sflag:s6] =	ssyncadd.s32 $0xFFFFD800;
	s13 =	sadd.s32 s21, s7  }
0x25e: {  	[hbm4b:s13+s24] =	stream.strided.scatter [tilespmem:s23], [sflag:$0x6], $0x2800, s2, s24, $0x38;
	[tilespmem:$0x1F280] =	vst v63  }
0x25f: {  	_ =	swait.ge [sflag:s20], $0x2800  }
0x260: {  	[sflag:s20] =	ssyncset.done $0x0  }
0x261: {  	[sflag:s20] =	ssyncadd.s32 $0xFFFFD800  }
0x262: {  	[tilespmem:s9], [sflag:$0x4] =	stream.indirect.gather [hbm4b:s25+s0], $0x80, s8, s0, $0xb8;
	[tilespmem:$0x1F280] =	vst v63  }
0x263: {  	p0 =	seq.s32 s26, $0x3C000;
	_ =	swait.ge [sflag:s12], $0x2800  }
0x264: {  	s13 =	simm.s32 $0xB;
	[sflag:s12] =	ssyncset.done $0x0;
	s10 =	rddreg [dreg:$0x13]  }
.Ltmp3:
0x265: {  	[sflag:s12] =	ssyncadd.s32 $0xFFFFD800;
	s8 =	sadd.s32 s21, s10;
	(pc) =	sbr.rel @p0 .LBB2_6-.Ltmp3, $4  }
0x266: {  	[hbm4b:s8+s24] =	stream.strided.scatter [tilespmem:s30], [sflag:$0x7], $0x2800, s2, s24, $0x38;
	[tilespmem:$0x1F280] =	vst v63  }
0x267: {  	_ =	swait.ge [sflag:s13], $0xA000  }
0x268: {  	[sflag:s13] =	ssyncset.done $0x0  }
0x269: {  	[sflag:s13] =	ssyncadd.s32 $0xFFFF6000  }
0x26a: {  	v3 =	vld [tilespmem:s29+$0x80];
	_ =	sdelay $0x4  }
0x26b: {  	v4 =	vshll.u32 v3, $0x2  }
0x26c: {  	v3 =	vand.u32 $0x7, v3;
	v4 =	vand.u32 $0xFFFFFFE0, v4  }
0x26d: {  	v3 =	vor.u32 v3, v4  }
0x26e: {  	v4 =	vperm.xlane v3, v0;
	_ =	sdelay $0x1  }
0x26f: {  	v4 =	vadd.s32 v1, v4;
	_ =	sdelay $0x1  }
0x270: {  	v3 =	vperm.xlane v3, v2;
	_ =	sdelay $0x1  }
0x271: {  	s8 =	simm.s32 $0xB280;
	v3 =	vadd.s32 v1, v3  }
0x272: {  	[tilespmem:s8], [sflag:$0x9] =	stream.indirect_vreg.gather [hbm4b:s3+s5], $0x80, v4, vm0, $0xb8;
	[tilespmem:$0x1F280] =	vst v63  }
0x273: {  	s13 =	simm.s32 $0xBA80  }
0x274: {  	[tilespmem:s13], [sflag:$0x9] =	stream.indirect_vreg.gather [hbm4b:s19+s5], $0x80, v4, vm0, $0xb8;
	[tilespmem:$0x1F280] =	vst v63  }
0x275: {  	s7 =	simm.s32 $0xC280  }
0x276: {  	[tilespmem:s7], [sflag:$0x9] =	stream.indirect_vreg.gather [hbm4b:s3+s5], $0x80, v3, vm0, $0xb8;
	[tilespmem:$0x1F280] =	vst v63  }
0x277: {  	s10 =	simm.s32 $0xCA80  }
0x278: {  	[tilespmem:s10], [sflag:$0x9] =	stream.indirect_vreg.gather [hbm4b:s19+s5], $0x80, v3, vm0, $0xb8;
	[tilespmem:$0x1F280] =	vst v63  }
0x279: {  	v3 =	vld [tilespmem:s29+$0x90];
	_ =	sdelay $0x4  }
0x27a: {  	v60 =	vshll.u32 v3, $0x2  }
0x27b: {  	v3 =	vand.u32 $0x7, v3;
	v4 =	vand.u32 $0xFFFFFFE0, v60  }
0x27c: {  	v3 =	vor.u32 v3, v4  }
0x27d: {  	v4 =	vperm.xlane v3, v0;
	_ =	sdelay $0x1  }
0x27e: {  	v4 =	vadd.s32 v1, v4;
	_ =	sdelay $0x1  }
0x27f: {  	v3 =	vperm.xlane v3, v2;
	_ =	sdelay $0x1  }
0x280: {  	s13 =	simm.s32 $0xD280;
	v3 =	vadd.s32 v1, v3  }
0x281: {  	[tilespmem:s13], [sflag:$0x9] =	stream.indirect_vreg.gather [hbm4b:s3+s5], $0x80, v4, vm0, $0xb8;
	[tilespmem:$0x1F280] =	vst v63  }
0x282: {  	s7 =	simm.s32 $0xDA80  }
0x283: {  	[tilespmem:s7], [sflag:$0x9] =	stream.indirect_vreg.gather [hbm4b:s19+s5], $0x80, v4, vm0, $0xb8;
	[tilespmem:$0x1F280] =	vst v63  }
0x284: {  	s10 =	simm.s32 $0xE280  }
0x285: {  	[tilespmem:s10], [sflag:$0x9] =	stream.indirect_vreg.gather [hbm4b:s3+s5], $0x80, v3, vm0, $0xb8;
	[tilespmem:$0x1F280] =	vst v63  }
0x286: {  	s13 =	simm.s32 $0xEA80  }
0x287: {  	[tilespmem:s13], [sflag:$0x9] =	stream.indirect_vreg.gather [hbm4b:s19+s5], $0x80, v3, vm0, $0xb8;
	[tilespmem:$0x1F280] =	vst v63  }
0x288: {  	v3 =	vld [tilespmem:s29+$0xA0];
	_ =	sdelay $0x4  }
0x289: {  	v61 =	vshll.u32 v3, $0x2  }
0x28a: {  	v3 =	vand.u32 $0x7, v3;
	v4 =	vand.u32 $0xFFFFFFE0, v61  }
0x28b: {  	v3 =	vor.u32 v3, v4  }
0x28c: {  	v4 =	vperm.xlane v3, v0;
	_ =	sdelay $0x1  }
0x28d: {  	v4 =	vadd.s32 v1, v4;
	_ =	sdelay $0x1  }
0x28e: {  	v3 =	vperm.xlane v3, v2;
	_ =	sdelay $0x1  }
0x28f: {  	s7 =	simm.s32 $0xF280;
	v3 =	vadd.s32 v1, v3  }
0x290: {  	[tilespmem:s7], [sflag:$0x9] =	stream.indirect_vreg.gather [hbm4b:s3+s5], $0x80, v4, vm0, $0xb8;
	[tilespmem:$0x1F280] =	vst v63  }
0x291: {  	s10 =	simm.s32 $0xFA80  }
0x292: {  	[tilespmem:s10], [sflag:$0x9] =	stream.indirect_vreg.gather [hbm4b:s19+s5], $0x80, v4, vm0, $0xb8;
	[tilespmem:$0x1F280] =	vst v63  }
0x293: {  	s13 =	simm.s32 $0x10280  }
0x294: {  	[tilespmem:s13], [sflag:$0x9] =	stream.indirect_vreg.gather [hbm4b:s3+s5], $0x80, v3, vm0, $0xb8;
	[tilespmem:$0x1F280] =	vst v63  }
0x295: {  	s7 =	simm.s32 $0x10A80  }
0x296: {  	[tilespmem:s7], [sflag:$0x9] =	stream.indirect_vreg.gather [hbm4b:s19+s5], $0x80, v3, vm0, $0xb8;
	[tilespmem:$0x1F280] =	vst v63  }
0x297: {  	v3 =	vld [tilespmem:s29+$0xB0];
	_ =	sdelay $0x4  }
0x298: {  	v62 =	vshll.u32 v3, $0x2  }
0x299: {  	v3 =	vand.u32 $0x7, v3;
	v4 =	vand.u32 $0xFFFFFFE0, v62  }
0x29a: {  	v3 =	vor.u32 v3, v4  }
0x29b: {  	v4 =	vperm.xlane v3, v0;
	_ =	sdelay $0x1  }
0x29c: {  	v4 =	vadd.s32 v1, v4;
	_ =	sdelay $0x1  }
0x29d: {  	v3 =	vperm.xlane v3, v2;
	_ =	sdelay $0x1  }
0x29e: {  	s10 =	simm.s32 $0x11280;
	v3 =	vadd.s32 v1, v3  }
0x29f: {  	[tilespmem:s10], [sflag:$0x9] =	stream.indirect_vreg.gather [hbm4b:s3+s5], $0x80, v4, vm0, $0xb8;
	[tilespmem:$0x1F280] =	vst v63  }
0x2a0: {  	s13 =	simm.s32 $0x11A80  }
0x2a1: {  	[tilespmem:s13], [sflag:$0x9] =	stream.indirect_vreg.gather [hbm4b:s19+s5], $0x80, v4, vm0, $0xb8;
	[tilespmem:$0x1F280] =	vst v63  }
0x2a2: {  	s7 =	simm.s32 $0x12280  }
0x2a3: {  	[tilespmem:s7], [sflag:$0x9] =	stream.indirect_vreg.gather [hbm4b:s3+s5], $0x80, v3, vm0, $0xb8;
	[tilespmem:$0x1F280] =	vst v63  }
0x2a4: {  	s10 =	simm.s32 $0x12A80  }
0x2a5: {  	[tilespmem:s10], [sflag:$0x9] =	stream.indirect_vreg.gather [hbm4b:s19+s5], $0x80, v3, vm0, $0xb8;
	[tilespmem:$0x1F280] =	vst v63  }
0x2a6: {  	v3 =	vld [tilespmem:s29+$0xC0];
	_ =	sdelay $0x4  }
0x2a7: {  	v63 =	vshll.u32 v3, $0x2  }
0x2a8: {  	v3 =	vand.u32 $0x7, v3;
	v4 =	vand.u32 $0xFFFFFFE0, v63  }
0x2a9: {  	v3 =	vor.u32 v3, v4  }
0x2aa: {  	v4 =	vperm.xlane v3, v0;
	_ =	sdelay $0x1  }
0x2ab: {  	v4 =	vadd.s32 v1, v4;
	_ =	sdelay $0x1  }
0x2ac: {  	v3 =	vperm.xlane v3, v2;
	_ =	sdelay $0x1  }
0x2ad: {  	s13 =	simm.s32 $0x13280;
	v3 =	vadd.s32 v1, v3  }
0x2ae: {  	[tilespmem:s13], [sflag:$0x9] =	stream.indirect_vreg.gather [hbm4b:s3+s5], $0x80, v4, vm0, $0xb8;
	[tilespmem:$0x1F280] =	vst v63  }
0x2af: {  	s7 =	simm.s32 $0x13A80  }
0x2b0: {  	[tilespmem:s7], [sflag:$0x9] =	stream.indirect_vreg.gather [hbm4b:s19+s5], $0x80, v4, vm0, $0xb8;
	[tilespmem:$0x1F280] =	vst v63  }
0x2b1: {  	s10 =	simm.s32 $0x14280  }
0x2b2: {  	[tilespmem:s10], [sflag:$0x9] =	stream.indirect_vreg.gather [hbm4b:s3+s5], $0x80, v3, vm0, $0xb8;
	[tilespmem:$0x1F280] =	vst v63  }
0x2b3: {  	s13 =	simm.s32 $0x14A80  }
0x2b4: {  	[tilespmem:s13], [sflag:$0x9] =	stream.indirect_vreg.gather [hbm4b:s19+s5], $0x80, v3, vm0, $0xb8;
	[tilespmem:$0x1F280] =	vst v63  }
.LBB2_6:
0x2b5: {  	s7 =	simm.s32 $0xA  }
0x2b6: {  	_ =	swait.ge [sflag:s7], $0xA000  }
0x2b7: {  	s8 =	sld [smem:$0x7F9];
	_ =	sdelay $0x2  }
0x2b8: {  	s10 =	simm.s32 $0x1000;
	[sflag:s7] =	ssyncset.done $0x0;
	s8 =	sadd.s32 s26, s8  }
0x2b9: {  	[sflag:s7] =	ssyncadd.s32 $0xFFFF6000;
	s7 =	simm.s32 $0x15280;
	s13 =	sadd.s32 $0x400, s8  }
0x2ba: {  	[hbm4b:s13+s10] =	stream.strided.scatter [tilespmem:s7], [sflag:$0xC], $0xA000, s2, s10, $0x38;
	[tilespmem:$0x1F280] =	vst v63  }
0x2bb: {  	_ =	swait.ge [sflag:s14], $0x2800  }
0x2bc: {  	[sflag:s14] =	ssyncset.done $0x0  }
0x2bd: {  	[sflag:s14] =	ssyncadd.s32 $0xFFFFD800  }
0x2be: {  	s10 =	rddreg [dreg:$0x1]  }
0x2bf: {  	[tilespmem:s4], [sflag:$0x1] =	stream.indirect.gather [hbm4b:s10+s0], $0x80, s29, s0, $0xb8;
	[tilespmem:$0x1F280] =	vst v63  }
0x2c0: {  	_ =	swait.ge [sflag:s16], $0x2800  }
0x2c1: {  	[sflag:s16] =	ssyncset.done $0x0;
	s10 =	rddreg [dreg:$0x14]  }
0x2c2: {  	[sflag:s16] =	ssyncadd.s32 $0xFFFFD800;
	s13 =	sadd.s32 s21, s10  }
0x2c3: {  	[hbm4b:s13+s24] =	stream.strided.scatter [tilespmem:s9], [sflag:$0x8], $0x2800, s2, s24, $0x38;
	[tilespmem:$0x1F280] =	vst v63  }
0x2c4: {  	_ =	swait.ge [sflag:s1], $0x2800  }
0x2c5: {  	s10 =	sld [smem:$0x7F8]  }
0x2c6: {  	[sflag:s1] =	ssyncset.done $0x0  }
0x2c7: {  	[sflag:s1] =	ssyncadd.s32 $0xFFFFD800  }
0x2c8: {  	[tilespmem:s23], [sflag:$0x2] =	stream.indirect.gather [hbm4b:s10+s0], $0x80, s29, s0, $0xb8;
	[tilespmem:$0x1F280] =	vst v63  }
0x2c9: {  	_ =	swait.ge [sflag:s28], $0x2800  }
0x2ca: {  	[sflag:s28] =	ssyncset.done $0x0  }
0x2cb: {  	[sflag:s28] =	ssyncadd.s32 $0xFFFFD800  }
0x2cc: {  	[hbm4b:s8+s24] =	stream.strided.scatter [tilespmem:s4], [sflag:$0x5], $0x2800, s2, s24, $0x38;
	[tilespmem:$0x1F280] =	vst v63  }
0x2cd: {  	_ =	swait.ge [sflag:s18], $0x2800  }
0x2ce: {  	[sflag:s18] =	ssyncset.done $0x0  }
0x2cf: {  	[sflag:s18] =	ssyncadd.s32 $0xFFFFD800  }
0x2d0: {  	[tilespmem:s30], [sflag:$0x3] =	stream.indirect.gather [hbm4b:s11+s0], $0x80, s29, s0, $0xb8;
	[tilespmem:$0x1F280] =	vst v63  }
0x2d1: {  	_ =	swait.ge [sflag:s6], $0x2800  }
0x2d2: {  	[sflag:s6] =	ssyncset.done $0x0  }
0x2d3: {  	s10 =	smov.u32 s11;
	s11 =	sadd.s32 $0x80, s8;
	[sflag:s6] =	ssyncadd.s32 $0xFFFFD800  }
0x2d4: {  	[hbm4b:s11+s24] =	stream.strided.scatter [tilespmem:s23], [sflag:$0x6], $0x2800, s2, s24, $0x38;
	[tilespmem:$0x1F280] =	vst v63  }
0x2d5: {  	_ =	swait.ge [sflag:s20], $0x2800  }
0x2d6: {  	s13 =	sld [smem:$0x7FA]  }
0x2d7: {  	[sflag:s20] =	ssyncset.done $0x0  }
0x2d8: {  	[sflag:s20] =	ssyncadd.s32 $0xFFFFD800  }
0x2d9: {  	[tilespmem:s9], [sflag:$0x4] =	stream.indirect.gather [hbm4b:s13+s0], $0x80, s29, s0, $0xb8;
	[tilespmem:$0x1F280] =	vst v63  }
0x2da: {  	_ =	swait.ge [sflag:s12], $0x2800  }
0x2db: {  	[sflag:s12] =	ssyncset.done $0x0  }
0x2dc: {  	s21 =	sadd.s32 $0x100, s8;
	[sflag:s12] =	ssyncadd.s32 $0xFFFFD800  }
0x2dd: {  	[hbm4b:s21+s24] =	stream.strided.scatter [tilespmem:s30], [sflag:$0x7], $0x2800, s2, s24, $0x38;
	[tilespmem:$0x1F280] =	vst v63  }
0x2de: {  	_ =	swait.ge [sflag:s14], $0x2800  }
0x2df: {  	[sflag:s14] =	ssyncset.done $0x0  }
0x2e0: {  	[sflag:s14] =	ssyncadd.s32 $0xFFFFD800  }
0x2e1: {  	[tilespmem:s4], [sflag:$0x1] =	stream.indirect.gather [hbm4b:s15+s0], $0x80, s29, s0, $0xb8;
	[tilespmem:$0x1F280] =	vst v63  }
0x2e2: {  	_ =	swait.ge [sflag:s16], $0x2800  }
0x2e3: {  	[sflag:s16] =	ssyncset.done $0x0  }
0x2e4: {  	s11 =	sadd.s32 $0x180, s8;
	[sflag:s16] =	ssyncadd.s32 $0xFFFFD800  }
0x2e5: {  	[hbm4b:s11+s24] =	stream.strided.scatter [tilespmem:s9], [sflag:$0x8], $0x2800, s2, s24, $0x38;
	[tilespmem:$0x1F280] =	vst v63  }
0x2e6: {  	_ =	swait.ge [sflag:s1], $0x2800  }
0x2e7: {  	[sflag:s1] =	ssyncset.done $0x0  }
0x2e8: {  	[sflag:s1] =	ssyncadd.s32 $0xFFFFD800  }
0x2e9: {  	[tilespmem:s23], [sflag:$0x2] =	stream.indirect.gather [hbm4b:s17+s0], $0x80, s29, s0, $0xb8;
	[tilespmem:$0x1F280] =	vst v63  }
0x2ea: {  	_ =	swait.ge [sflag:s28], $0x2800  }
0x2eb: {  	[sflag:s28] =	ssyncset.done $0x0  }
0x2ec: {  	s21 =	sadd.s32 $0x200, s8;
	[sflag:s28] =	ssyncadd.s32 $0xFFFFD800  }
0x2ed: {  	[hbm4b:s21+s24] =	stream.strided.scatter [tilespmem:s4], [sflag:$0x5], $0x2800, s2, s24, $0x38;
	[tilespmem:$0x1F280] =	vst v63  }
0x2ee: {  	_ =	swait.ge [sflag:s18], $0x2800  }
0x2ef: {  	[sflag:s18] =	ssyncset.done $0x0  }
0x2f0: {  	[sflag:s18] =	ssyncadd.s32 $0xFFFFD800  }
0x2f1: {  	[tilespmem:s30], [sflag:$0x3] =	stream.indirect.gather [hbm4b:s22+s0], $0x80, s29, s0, $0xb8;
	[tilespmem:$0x1F280] =	vst v63  }
0x2f2: {  	_ =	swait.ge [sflag:s6], $0x2800  }
0x2f3: {  	[sflag:s6] =	ssyncset.done $0x0  }
0x2f4: {  	s11 =	sadd.s32 $0x280, s8;
	[sflag:s6] =	ssyncadd.s32 $0xFFFFD800  }
0x2f5: {  	[hbm4b:s11+s24] =	stream.strided.scatter [tilespmem:s23], [sflag:$0x6], $0x2800, s2, s24, $0x38;
	[tilespmem:$0x1F280] =	vst v63  }
0x2f6: {  	_ =	swait.ge [sflag:s20], $0x2800  }
0x2f7: {  	[sflag:s20] =	ssyncset.done $0x0  }
0x2f8: {  	[sflag:s20] =	ssyncadd.s32 $0xFFFFD800  }
0x2f9: {  	[tilespmem:s9], [sflag:$0x4] =	stream.indirect.gather [hbm4b:s25+s0], $0x80, s29, s0, $0xb8;
	[tilespmem:$0x1F280] =	vst v63  }
0x2fa: {  	_ =	swait.ge [sflag:s12], $0x2800  }
0x2fb: {  	s8 =	sadd.s32 $0x300, s8;
	[sflag:s12] =	ssyncset.done $0x0  }
.Ltmp4:
0x2fc: {  	s21 =	simm.s32 $0xC;
	[sflag:s12] =	ssyncadd.s32 $0xFFFFD800;
	(pc) =	sbr.rel @p0 .LBB2_8-.Ltmp4, $4  }
0x2fd: {  	[hbm4b:s8+s24] =	stream.strided.scatter [tilespmem:s30], [sflag:$0x7], $0x2800, s2, s24, $0x38;
	[tilespmem:$0x1F280] =	vst v63  }
0x2fe: {  	_ =	swait.ge [sflag:s21], $0xA000  }
0x2ff: {  	[sflag:s21] =	ssyncset.done $0x0  }
0x300: {  	[sflag:s21] =	ssyncadd.s32 $0xFFFF6000  }
0x301: {  	v3 =	vld [tilespmem:s29+$0x100];
	_ =	sdelay $0x4  }
0x302: {  	v4 =	vshll.u32 v3, $0x2  }
0x303: {  	v3 =	vand.u32 $0x7, v3;
	v4 =	vand.u32 $0xFFFFFFE0, v4  }
0x304: {  	v3 =	vor.u32 v3, v4  }
0x305: {  	v4 =	vperm.xlane v3, v0;
	_ =	sdelay $0x1  }
0x306: {  	v4 =	vadd.s32 v1, v4;
	_ =	sdelay $0x1  }
0x307: {  	v3 =	vperm.xlane v3, v2;
	_ =	sdelay $0x1  }
0x308: {  	v3 =	vadd.s32 v1, v3  }
0x309: {  	[tilespmem:s7], [sflag:$0xA] =	stream.indirect_vreg.gather [hbm4b:s3+s5], $0x80, v4, vm0, $0xb8;
	[tilespmem:$0x1F280] =	vst v63  }
0x30a: {  	s11 =	simm.s32 $0x15A80  }
0x30b: {  	[tilespmem:s11], [sflag:$0xA] =	stream.indirect_vreg.gather [hbm4b:s19+s5], $0x80, v4, vm0, $0xb8;
	[tilespmem:$0x1F280] =	vst v63  }
0x30c: {  	s13 =	simm.s32 $0x16280  }
0x30d: {  	[tilespmem:s13], [sflag:$0xA] =	stream.indirect_vreg.gather [hbm4b:s3+s5], $0x80, v3, vm0, $0xb8;
	[tilespmem:$0x1F280] =	vst v63  }
0x30e: {  	s21 =	simm.s32 $0x16A80  }
0x30f: {  	[tilespmem:s21], [sflag:$0xA] =	stream.indirect_vreg.gather [hbm4b:s19+s5], $0x80, v3, vm0, $0xb8;
	[tilespmem:$0x1F280] =	vst v63  }
0x310: {  	v3 =	vld [tilespmem:s29+$0x110];
	_ =	sdelay $0x4  }
0x311: {  	v60 =	vshll.u32 v3, $0x2  }
0x312: {  	v3 =	vand.u32 $0x7, v3;
	v4 =	vand.u32 $0xFFFFFFE0, v60  }
0x313: {  	v3 =	vor.u32 v3, v4  }
0x314: {  	v4 =	vperm.xlane v3, v0;
	_ =	sdelay $0x1  }
0x315: {  	v4 =	vadd.s32 v1, v4;
	_ =	sdelay $0x1  }
0x316: {  	v3 =	vperm.xlane v3, v2;
	_ =	sdelay $0x1  }
0x317: {  	s8 =	simm.s32 $0x17280;
	v3 =	vadd.s32 v1, v3  }
0x318: {  	[tilespmem:s8], [sflag:$0xA] =	stream.indirect_vreg.gather [hbm4b:s3+s5], $0x80, v4, vm0, $0xb8;
	[tilespmem:$0x1F280] =	vst v63  }
0x319: {  	s11 =	simm.s32 $0x17A80  }
0x31a: {  	[tilespmem:s11], [sflag:$0xA] =	stream.indirect_vreg.gather [hbm4b:s19+s5], $0x80, v4, vm0, $0xb8;
	[tilespmem:$0x1F280] =	vst v63  }
0x31b: {  	s13 =	simm.s32 $0x18280  }
0x31c: {  	[tilespmem:s13], [sflag:$0xA] =	stream.indirect_vreg.gather [hbm4b:s3+s5], $0x80, v3, vm0, $0xb8;
	[tilespmem:$0x1F280] =	vst v63  }
0x31d: {  	s21 =	simm.s32 $0x18A80  }
0x31e: {  	[tilespmem:s21], [sflag:$0xA] =	stream.indirect_vreg.gather [hbm4b:s19+s5], $0x80, v3, vm0, $0xb8;
	[tilespmem:$0x1F280] =	vst v63  }
0x31f: {  	v3 =	vld [tilespmem:s29+$0x120];
	_ =	sdelay $0x4  }
0x320: {  	v61 =	vshll.u32 v3, $0x2  }
0x321: {  	v3 =	vand.u32 $0x7, v3;
	v4 =	vand.u32 $0xFFFFFFE0, v61  }
0x322: {  	v3 =	vor.u32 v3, v4  }
0x323: {  	v4 =	vperm.xlane v3, v0;
	_ =	sdelay $0x1  }
0x324: {  	v4 =	vadd.s32 v1, v4;
	_ =	sdelay $0x1  }
0x325: {  	v3 =	vperm.xlane v3, v2;
	_ =	sdelay $0x1  }
0x326: {  	s8 =	simm.s32 $0x19280;
	v3 =	vadd.s32 v1, v3  }
0x327: {  	[tilespmem:s8], [sflag:$0xA] =	stream.indirect_vreg.gather [hbm4b:s3+s5], $0x80, v4, vm0, $0xb8;
	[tilespmem:$0x1F280] =	vst v63  }
0x328: {  	s11 =	simm.s32 $0x19A80  }
0x329: {  	[tilespmem:s11], [sflag:$0xA] =	stream.indirect_vreg.gather [hbm4b:s19+s5], $0x80, v4, vm0, $0xb8;
	[tilespmem:$0x1F280] =	vst v63  }
0x32a: {  	s13 =	simm.s32 $0x1A280  }
0x32b: {  	[tilespmem:s13], [sflag:$0xA] =	stream.indirect_vreg.gather [hbm4b:s3+s5], $0x80, v3, vm0, $0xb8;
	[tilespmem:$0x1F280] =	vst v63  }
0x32c: {  	s21 =	simm.s32 $0x1AA80  }
0x32d: {  	[tilespmem:s21], [sflag:$0xA] =	stream.indirect_vreg.gather [hbm4b:s19+s5], $0x80, v3, vm0, $0xb8;
	[tilespmem:$0x1F280] =	vst v63  }
0x32e: {  	v3 =	vld [tilespmem:s29+$0x130];
	_ =	sdelay $0x4  }
0x32f: {  	v62 =	vshll.u32 v3, $0x2  }
0x330: {  	v3 =	vand.u32 $0x7, v3;
	v4 =	vand.u32 $0xFFFFFFE0, v62  }
0x331: {  	v3 =	vor.u32 v3, v4  }
0x332: {  	v4 =	vperm.xlane v3, v0;
	_ =	sdelay $0x1  }
0x333: {  	v4 =	vadd.s32 v1, v4;
	_ =	sdelay $0x1  }
0x334: {  	v3 =	vperm.xlane v3, v2;
	_ =	sdelay $0x1  }
0x335: {  	s8 =	simm.s32 $0x1B280;
	v3 =	vadd.s32 v1, v3  }
0x336: {  	[tilespmem:s8], [sflag:$0xA] =	stream.indirect_vreg.gather [hbm4b:s3+s5], $0x80, v4, vm0, $0xb8;
	[tilespmem:$0x1F280] =	vst v63  }
0x337: {  	s11 =	simm.s32 $0x1BA80  }
0x338: {  	[tilespmem:s11], [sflag:$0xA] =	stream.indirect_vreg.gather [hbm4b:s19+s5], $0x80, v4, vm0, $0xb8;
	[tilespmem:$0x1F280] =	vst v63  }
0x339: {  	s13 =	simm.s32 $0x1C280  }
0x33a: {  	[tilespmem:s13], [sflag:$0xA] =	stream.indirect_vreg.gather [hbm4b:s3+s5], $0x80, v3, vm0, $0xb8;
	[tilespmem:$0x1F280] =	vst v63  }
0x33b: {  	s21 =	simm.s32 $0x1CA80  }
0x33c: {  	[tilespmem:s21], [sflag:$0xA] =	stream.indirect_vreg.gather [hbm4b:s19+s5], $0x80, v3, vm0, $0xb8;
	[tilespmem:$0x1F280] =	vst v63  }
0x33d: {  	v3 =	vld [tilespmem:s29+$0x140];
	_ =	sdelay $0x4  }
0x33e: {  	v63 =	vshll.u32 v3, $0x2  }
0x33f: {  	v3 =	vand.u32 $0x7, v3;
	v4 =	vand.u32 $0xFFFFFFE0, v63  }
0x340: {  	v3 =	vor.u32 v3, v4  }
0x341: {  	v4 =	vperm.xlane v3, v0;
	_ =	sdelay $0x1  }
0x342: {  	v4 =	vadd.s32 v1, v4;
	_ =	sdelay $0x2  }
0x343: {  	v3 =	vperm.xlane v3, v2  }
0x344: {  	s8 =	simm.s32 $0x1D280  }
0x345: {  	v3 =	vadd.s32 v1, v3;
	[tilespmem:s8], [sflag:$0xA] =	stream.indirect_vreg.gather [hbm4b:s3+s5], $0x80, v4, vm0, $0xb8;
	[tilespmem:$0x1F280] =	vst v63  }
0x346: {  	s11 =	simm.s32 $0x1DA80  }
0x347: {  	[tilespmem:s11], [sflag:$0xA] =	stream.indirect_vreg.gather [hbm4b:s19+s5], $0x80, v4, vm0, $0xb8;
	[tilespmem:$0x1F280] =	vst v63  }
.Ltmp5:
0x348: {  	_ = 	snop;
	(pc) =	sbr.rel .LBB2_4-.Ltmp5, $4  }
0x349: {  	s26 =	sadd.s32 $0x7800, s26;
	s13 =	simm.s32 $0x1E280  }
0x34a: {  	[tilespmem:s13], [sflag:$0xA] =	stream.indirect_vreg.gather [hbm4b:s3+s5], $0x80, v3, vm0, $0xb8;
	[tilespmem:$0x1F280] =	vst v63  }
0x34b: {  	s31 =	sadd.s32 $0xA0, s31;
	s21 =	simm.s32 $0x1EA80;
	s29 =	sadd.s32 $0x100, s29  }
0x34c: {  	[tilespmem:s21], [sflag:$0xA] =	stream.indirect_vreg.gather [hbm4b:s19+s5], $0x80, v3, vm0, $0xb8;
	[tilespmem:$0x1F280] =	vst v63  }
.LBB2_9:
0x34d: {  	_ =	sfence.sel $0x180000  }
0x34e: {  	[bflag:$0x0] =	sbarrier.arrive $0xFFFF  }
0x34f: {  	_ =	strace $0x90000047  }
0x350: {  	s0 =	stileid.u32;
	[bflag:$0x2] =	sbarrier.arrive $0xFFFF  }
0x351: {  	p0 =	sne.s32 s0, $0x0;
	s0 =	rddreg [dreg:$0x4]  }
0x352: {  	s0 =	sadd.s32 @!p0 $0x100000, s0  }
0x353: {  	[sflag:s0] =	ssyncadd.tile.s32 @!p0 $0x1;
	_ =	shalt  }
.Lfunc_end2:
_tile_overlayer_lowered:
.L_overlay_start_2:
0x354: {  	(tag) =	ssettag $0x2  }
0x355: {  	s0 =	rddreg [dreg:$0x0];
	s2 =	stileid.u32  }
0x356: {  	s1 =	rddreg [dreg:$0x1];
	p0 =	sne.s32 s2, $0x0  }
0x357: {  	s3 =	rddreg [dreg:$0x2];
	[bflag:$0x3] =	sbarrier.arrive $0xFFFF;
	s2 =	simm.s32 @!p0 $0x1C0D  }
0x358: {  	[timem:s3], [sflag:s2] =	dma.local @!p0 [hbm:s0], s1  }
0x359: {  	s0 =	simm.s32 @!p0 $0xD  }
0x35a: {  	_ =	swait.ge @!p0 [sflag:s0], s1  }
0x35b: {  	s1 =	ssub.s32 @!p0 $0x0, s1;
	[sflag:s0] =	ssyncset.done @!p0 $0x0  }
0x35c: {  	[sflag:s0] =	ssyncadd.s32 @!p0 s1  }
0x35d: {  	[bflag:$0x3] =	sbarrier.arrive $0xFFFF  }
0x35e: {  	_ =	shalt  }

</sc_bundles>
